<compile_context>
chip_gen: v7x
topology: tpu7x:2x2x1
jax: 0.10.2.dev20260603
libtpu: 0.0.44.dev20260713+nightly
codegen_flags: <defaults>
</compile_context>

<pallas_src>
import functools

import jax
import jax.numpy as jnp
from jax import lax
from jax.experimental import pallas as pl
from jax.experimental.pallas import tpu as pltpu
from jax.experimental.pallas import tpu_sc as plsc

MAX_BUCKET = 9
SENTINEL = 0xFFFFFF

NC, NS, L = 2, 16, 16
NW = NC * NS
CHUNK = 16384


def _build_lut(bounds):
    bb = lax.bitcast_convert_type(bounds, jnp.uint32)
    be = bb >> 23
    e = jnp.arange(256, dtype=jnp.uint32)
    lo = lax.bitcast_convert_type(e << 23, jnp.float32)
    base = jnp.sum(bounds[None, :] < lo[:, None], axis=1).astype(jnp.uint32)
    base = base.at[255].set(len(bounds))
    toff = bb - (be << 23)
    thr = jnp.min(
        jnp.where(be[None, :] == e[:, None], toff[None, :],
                  jnp.uint32(SENTINEL)), axis=1)
    thr = jnp.where(base >= MAX_BUCKET, jnp.uint32(SENTINEL), thr)
    base = jnp.minimum(base, MAX_BUCKET)
    pos = (base << 24) + (SENTINEL - thr) - (e << 23)
    eneg = jnp.arange(256, 512, dtype=jnp.uint32)
    neg = jnp.uint32(0) - (eneg << 23)
    return lax.bitcast_convert_type(jnp.concatenate([pos, neg]), jnp.int32)


BIN0 = 62


def _build_bins(bounds):
    bb = lax.bitcast_convert_type(bounds, jnp.uint32)
    be2 = bb >> 24
    k = jnp.arange(16, dtype=jnp.uint32) + BIN0
    lo = lax.bitcast_convert_type(k << 24, jnp.float32)
    base = jnp.sum(bounds[None, :] < lo[:, None], axis=1).astype(jnp.uint32)
    thr = jnp.min(
        jnp.where(be2[None, :] == k[:, None], bb[None, :] & jnp.uint32(SENTINEL),
                  jnp.uint32(SENTINEL)), axis=1)
    thr = jnp.where(base >= MAX_BUCKET, jnp.uint32(SENTINEL), thr)
    base = jnp.minimum(base, MAX_BUCKET)
    return lax.bitcast_convert_type((base << 24) + (SENTINEL - thr), jnp.int32)


def _make_kernel(n):
    per_w = n // NW
    n_chunks = per_w // CHUNK
    n2 = n_chunks // 2
    mesh = plsc.VectorSubcoreMesh(
        core_axis_name="c", subcore_axis_name="s", num_cores=NC, num_subcores=NS
    )

    @functools.partial(
        pl.kernel,
        out_type=jax.ShapeDtypeStruct((n,), jnp.int32),
        mesh=mesh,
        compiler_params=pltpu.CompilerParams(needs_layout_passes=False),
        scratch_types=[
            pltpu.VMEM((512 + 16,), jnp.int32),
            pltpu.VMEM((2, CHUNK), jnp.int32),
            pltpu.VMEM((2, CHUNK), jnp.int32),
            pltpu.SemaphoreType.DMA,
            pltpu.SemaphoreType.DMA,
            pltpu.SemaphoreType.DMA,
            pltpu.SemaphoreType.DMA,
        ],
    )
    def bucketize(freq_hbm, lut_hbm, out_hbm, lut_v, in_v, out_v,
                  isem0, isem1, osem0, osem1):
        wid = lax.axis_index("s") * NC + lax.axis_index("c")
        w_base = wid * per_w
        isems, osems = (isem0, isem1), (osem0, osem1)

        pltpu.sync_copy(lut_hbm, lut_v)
        tbl = lut_v[pl.ds(512, L)]

        def compute(slot):
            K = 16
            KA = 9

            def blk(i, c):
                b0 = i * (K * L)
                xs = [in_v[slot, pl.ds(b0 + k * L, L)] for k in range(K)]
                idxs = [lax.shift_right_logical(xs[k], 23) for k in range(KA)]
                js = [jnp.minimum(jnp.maximum((xs[k] >> 24) - BIN0, 0), 15)
                      for k in range(KA, K)]
                ents = [plsc.load_gather(lut_v, [ix]) for ix in idxs]
                ents += [
                    lax.gather(
                        tbl, j[:, None],
                        dimension_numbers=lax.GatherDimensionNumbers(
                            offset_dims=(), collapsed_slice_dims=(0,),
                            start_index_map=(0,)),
                        slice_sizes=(1,),
                        mode=lax.GatherScatterMode.PROMISE_IN_BOUNDS)
                    for j in js
                ]
                for k in range(KA):
                    out_v[slot, pl.ds(b0 + k * L, L)] = lax.shift_right_logical(
                        ents[k] + xs[k], 24)
                for k in range(KA, K):
                    out_v[slot, pl.ds(b0 + k * L, L)] = lax.shift_right_logical(
                        ents[k] + (xs[k] & 0xFFFFFF), 24)
                return c

            lax.fori_loop(0, CHUNK // (K * L), blk, 0)

        def process(g2, b, prefetch, wait_out):
            cbase = w_base + (2 * g2 + b) * CHUNK
            pltpu.make_async_copy(
                freq_hbm.at[pl.ds(cbase, CHUNK)], in_v.at[b], isems[b]).wait()
            if wait_out:
                pltpu.make_async_copy(
                    out_v.at[b], out_hbm.at[pl.ds(cbase, CHUNK)], osems[b]).wait()
            compute(b)
            pltpu.async_copy(
                out_v.at[b], out_hbm.at[pl.ds(cbase, CHUNK)], osems[b])
            if prefetch:
                nbase = jnp.minimum(cbase + 2 * CHUNK, n - CHUNK)
                pltpu.async_copy(
                    freq_hbm.at[pl.ds(nbase, CHUNK)], in_v.at[b], isems[b])

        pltpu.async_copy(freq_hbm.at[pl.ds(w_base, CHUNK)], in_v.at[0], isems[0])
        pltpu.async_copy(freq_hbm.at[pl.ds(w_base + CHUNK, CHUNK)], in_v.at[1],
                         isems[1])
        process(0, 0, True, False)
        process(0, 1, True, False)

        def pair_body(g2, c):
            process(g2, 0, True, True)
            process(g2, 1, True, True)
            return c

        lax.fori_loop(1, n2, pair_body, 0)

        for b in (0, 1):
            pltpu.make_async_copy(
                freq_hbm.at[pl.ds(w_base, CHUNK)], in_v.at[b], isems[b]).wait()
            pltpu.make_async_copy(
                out_v.at[b], out_hbm.at[pl.ds(w_base, CHUNK)], osems[b]).wait()

    return bucketize


def kernel(frequency, bucket_boundaries):
    lut = jnp.concatenate([_build_lut(bucket_boundaries),
                           _build_bins(bucket_boundaries)])
    freq_bits = lax.bitcast_convert_type(frequency, jnp.int32)
    return _make_kernel(frequency.shape[0])(freq_bits, lut)

# --- scband reference (transcript-rebuilt; emitter-appended) ---
"""Pipeline reference for scband-resolution-encoder-27264452395359 (READ-ONLY COPY).

The authoritative reference and input builder live on the scoring server;
editing this copy changes nothing except your own understanding.
"""

import jax, jax.numpy as jnp
import numpy as np

NUM_RESOLUTIONS = 10
MIN_FREQ = 1.0
MAX_FREQ = 31536000.0


def setup_inputs() -> dict:
    # fill=arange: deterministic 0..N-1 seconds, spans many resolution buckets
    frequency = jnp.arange(16777216).reshape((16777216,)).astype(jnp.float32)
    # buffer: torch.logspace(log10(1), log10(31536000), num_resolutions + 1)
    bucket_boundaries = jnp.logspace(np.log10(MIN_FREQ), np.log10(MAX_FREQ), NUM_RESOLUTIONS + 1, dtype=jnp.float32)
    return {"frequency": frequency, "bucket_boundaries": bucket_boundaries}


def reference(frequency, bucket_boundaries):
    # torch.searchsorted(boundaries, freq) with right=False == jnp.searchsorted side='left'
    bucket_idx = jnp.searchsorted(bucket_boundaries, frequency, side='left')
    return jnp.clip(bucket_idx, 0, NUM_RESOLUTIONS - 1)

if __name__ == "__main__":
    import jax
    _d = setup_inputs()
    print(jax.jit(kernel)(*tuple(_d.values())))

</pallas_src>

<mosaic_0001>
#map = affine_map<(d0, d1) -> (0)>
module attributes {stable_mosaic.version = 14 : i64} {
  func.func @bucketize(%arg0: i32, %arg1: i32, %arg2: memref<16777216xi32, #tpu.memory_space<hbm>>, %arg3: memref<528xi32, #tpu.memory_space<hbm>>, %arg4: memref<16777216xi32, #tpu.memory_space<hbm>>, %arg5: memref<528xi32, #tpu.memory_space<vmem>>, %arg6: memref<2x16384xi32, #tpu.memory_space<vmem>>, %arg7: memref<2x16384xi32, #tpu.memory_space<vmem>>, %arg8: memref<!tpu.dma_semaphore, #tpu.memory_space<semaphore_mem>>, %arg9: memref<!tpu.dma_semaphore, #tpu.memory_space<semaphore_mem>>, %arg10: memref<!tpu.dma_semaphore, #tpu.memory_space<semaphore_mem>>, %arg11: memref<!tpu.dma_semaphore, #tpu.memory_space<semaphore_mem>>) attributes {dimension_semantics = [#tpu.dimension_semantics<core_parallel>, #tpu.dimension_semantics<subcore_parallel>], iteration_bounds = array<i64: 2, 16>, scalar_prefetch = 0 : i64, scratch_operands = 7 : i64, tpu.core_type = #tpu.core_type<sc_vector_subcore>, window_params = [{transform_indices = #map}, {transform_indices = #map}, {transform_indices = #map}]} {
    %mul3A = arith.constant 2 : i32
    %mul3A_0 = arith.muli %arg1, %mul3A : i32
    %add3A = arith.addi %mul3A_0, %arg0 : i32
    %mul3A_1 = arith.constant 524288 : i32
    %mul3A_2 = arith.muli %add3A, %mul3A_1 : i32
    "tpu.region"() ({
      %run_scoped3A = tpu.sem_alloc : memref<!tpu.dma_semaphore, #tpu.memory_space<semaphore_mem>>
      tpu.enqueue_dma source(%arg3 : memref<528xi32, #tpu.memory_space<hbm>>) target(%arg5 : memref<528xi32, #tpu.memory_space<vmem>>) target_semaphore(%run_scoped3A : memref<!tpu.dma_semaphore, #tpu.memory_space<semaphore_mem>>)
      tpu.wait_dma2 semaphore(%run_scoped3A : memref<!tpu.dma_semaphore, #tpu.memory_space<semaphore_mem>>) src(%arg3 : memref<528xi32, #tpu.memory_space<hbm>>) dst(%arg5 : memref<528xi32, #tpu.memory_space<vmem>>)
      tpu.yield
    }) : () -> ()
    %get3A = arith.constant 512 : index
    %get3A_3 = tpu.vector_load %arg5[%get3A] {strides = array<i32>} : memref<528xi32, #tpu.memory_space<vmem>>, vector<16xi32>,
    %dma_start3A = arith.constant 0 : i32
    %dma_start3A_4 = arith.constant 0 : i32
    %dma_start3A_5 = tpu.memref_slice %arg6[%dma_start3A, %dma_start3A_4] : memref<2x16384xi32, #tpu.memory_space<vmem>> -> memref<1x16384xi32, #tpu.memory_space<vmem>>
    %dma_start3A_6 = tpu.memref_squeeze %dma_start3A_5 : memref<1x16384xi32, #tpu.memory_space<vmem>> -> memref<16384xi32, #tpu.memory_space<vmem>>
    %dma_start3A_7 = tpu.memref_slice %arg2[%mul3A_2] : memref<16777216xi32, #tpu.memory_space<hbm>> -> memref<16384xi32, #tpu.memory_space<hbm>>
    %dma_start3A_8 = arith.constant 0 : i32
    %dma_start3A_9 = tpu.memref_slice %arg6[%dma_start3A, %dma_start3A_8] : memref<2x16384xi32, #tpu.memory_space<vmem>> -> memref<1x16384xi32, #tpu.memory_space<vmem>>
    %dma_start3A_10 = tpu.memref_squeeze %dma_start3A_9 : memref<1x16384xi32, #tpu.memory_space<vmem>> -> memref<16384xi32, #tpu.memory_space<vmem>>
    %dma_start3A_11 = tpu.memref_slice %arg2[%mul3A_2] : memref<16777216xi32, #tpu.memory_space<hbm>> -> memref<16384xi32, #tpu.memory_space<hbm>>
    tpu.enqueue_dma source(%dma_start3A_11 : memref<16384xi32, #tpu.memory_space<hbm>>) target(%dma_start3A_10 : memref<16384xi32, #tpu.memory_space<vmem>>) target_semaphore(%arg8 : memref<!tpu.dma_semaphore, #tpu.memory_space<semaphore_mem>>)
    %add3A_12 = arith.constant 16384 : i32
    %add3A_13 = arith.addi %mul3A_2, %add3A_12 : i32
    %dma_start3A_14 = arith.constant 1 : i32
    %dma_start3A_15 = arith.constant 0 : i32
    %dma_start3A_16 = tpu.memref_slice %arg6[%dma_start3A_14, %dma_start3A_15] : memref<2x16384xi32, #tpu.memory_space<vmem>> -> memref<1x16384xi32, #tpu.memory_space<vmem>>
    %dma_start3A_17 = tpu.memref_squeeze %dma_start3A_16 : memref<1x16384xi32, #tpu.memory_space<vmem>> -> memref<16384xi32, #tpu.memory_space<vmem>>
    %dma_start3A_18 = tpu.memref_slice %arg2[%add3A_13] : memref<16777216xi32, #tpu.memory_space<hbm>> -> memref<16384xi32, #tpu.memory_space<hbm>>
    %dma_start3A_19 = arith.constant 0 : i32
    %dma_start3A_20 = tpu.memref_slice %arg6[%dma_start3A_14, %dma_start3A_19] : memref<2x16384xi32, #tpu.memory_space<vmem>> -> memref<1x16384xi32, #tpu.memory_space<vmem>>
    %dma_start3A_21 = tpu.memref_squeeze %dma_start3A_20 : memref<1x16384xi32, #tpu.memory_space<vmem>> -> memref<16384xi32, #tpu.memory_space<vmem>>
    %dma_start3A_22 = tpu.memref_slice %arg2[%add3A_13] : memref<16777216xi32, #tpu.memory_space<hbm>> -> memref<16384xi32, #tpu.memory_space<hbm>>
    tpu.enqueue_dma source(%dma_start3A_22 : memref<16384xi32, #tpu.memory_space<hbm>>) target(%dma_start3A_21 : memref<16384xi32, #tpu.memory_space<vmem>>) target_semaphore(%arg9 : memref<!tpu.dma_semaphore, #tpu.memory_space<semaphore_mem>>)
    %add3A_23 = arith.constant 0 : i32
    %add3A_24 = arith.addi %mul3A_2, %add3A_23 : i32
    %dma_wait3A = arith.constant 0 : i32
    %dma_wait3A_25 = arith.constant 0 : i32
    %dma_wait3A_26 = tpu.memref_slice %arg6[%dma_wait3A, %dma_wait3A_25] : memref<2x16384xi32, #tpu.memory_space<vmem>> -> memref<1x16384xi32, #tpu.memory_space<vmem>>
    %dma_wait3A_27 = tpu.memref_squeeze %dma_wait3A_26 : memref<1x16384xi32, #tpu.memory_space<vmem>> -> memref<16384xi32, #tpu.memory_space<vmem>>
    %dma_wait3A_28 = tpu.memref_slice %arg2[%add3A_24] : memref<16777216xi32, #tpu.memory_space<hbm>> -> memref<16384xi32, #tpu.memory_space<hbm>>
    %dma_wait3A_29 = arith.constant 0 : i32
    %dma_wait3A_30 = tpu.memref_slice %arg6[%dma_wait3A, %dma_wait3A_29] : memref<2x16384xi32, #tpu.memory_space<vmem>> -> memref<1x16384xi32, #tpu.memory_space<vmem>>
    %dma_wait3A_31 = tpu.memref_squeeze %dma_wait3A_30 : memref<1x16384xi32, #tpu.memory_space<vmem>> -> memref<16384xi32, #tpu.memory_space<vmem>>
    %dma_wait3A_32 = tpu.memref_slice %arg2[%add3A_24] : memref<16777216xi32, #tpu.memory_space<hbm>> -> memref<16384xi32, #tpu.memory_space<hbm>>
    tpu.wait_dma2 semaphore(%arg8 : memref<!tpu.dma_semaphore, #tpu.memory_space<semaphore_mem>>) src(%dma_wait3A_32 : memref<16384xi32, #tpu.memory_space<hbm>>) dst(%dma_wait3A_31 : memref<16384xi32, #tpu.memory_space<vmem>>)
    %scan3A = arith.constant 0 : i32
    %scan3A_33 = arith.constant 0 : i32
    %scan3A_34 = arith.constant 64 : i32
    %scan3A_35 = arith.addi %scan3A_33, %scan3A_34 : i32
    %scan3A_36 = arith.constant 1 : i32
    scf.for %scan3A_140 = %scan3A_33 to %scan3A_35 step %scan3A_36  : i32 {
      %mul3A_141 = arith.constant 256 : i32
      %mul3A_142 = arith.muli %scan3A_140, %mul3A_141 : i32
      %add3A_143 = arith.constant 0 : i32
      %add3A_144 = arith.addi %mul3A_142, %add3A_143 : i32
      %get3A_145 = arith.constant 0 : i32
      %get3A_146 = arith.index_cast %get3A_145 : i32 to index
      %get3A_147 = arith.index_cast %add3A_144 : i32 to index
      %get3A_148 = tpu.vector_load %arg6[%get3A_146, %get3A_147] {strides = array<i32>} : memref<2x16384xi32, #tpu.memory_space<vmem>>, vector<16xi32>,
      %add3A_149 = arith.constant 16 : i32
      %add3A_150 = arith.addi %mul3A_142, %add3A_149 : i32
      %get3A_151 = arith.constant 0 : i32
      %get3A_152 = arith.index_cast %get3A_151 : i32 to index
      %get3A_153 = arith.index_cast %add3A_150 : i32 to index
      %get3A_154 = tpu.vector_load %arg6[%get3A_152, %get3A_153] {strides = array<i32>} : memref<2x16384xi32, #tpu.memory_space<vmem>>, vector<16xi32>,
      %add3A_155 = arith.constant 32 : i32
      %add3A_156 = arith.addi %mul3A_142, %add3A_155 : i32
      %get3A_157 = arith.constant 0 : i32
      %get3A_158 = arith.index_cast %get3A_157 : i32 to index
      %get3A_159 = arith.index_cast %add3A_156 : i32 to index
      %get3A_160 = tpu.vector_load %arg6[%get3A_158, %get3A_159] {strides = array<i32>} : memref<2x16384xi32, #tpu.memory_space<vmem>>, vector<16xi32>,
      %add3A_161 = arith.constant 48 : i32
      %add3A_162 = arith.addi %mul3A_142, %add3A_161 : i32
      %get3A_163 = arith.constant 0 : i32
      %get3A_164 = arith.index_cast %get3A_163 : i32 to index
      %get3A_165 = arith.index_cast %add3A_162 : i32 to index
      %get3A_166 = tpu.vector_load %arg6[%get3A_164, %get3A_165] {strides = array<i32>} : memref<2x16384xi32, #tpu.memory_space<vmem>>, vector<16xi32>,
      %add3A_167 = arith.constant 64 : i32
      %add3A_168 = arith.addi %mul3A_142, %add3A_167 : i32
      %get3A_169 = arith.constant 0 : i32
      %get3A_170 = arith.index_cast %get3A_169 : i32 to index
      %get3A_171 = arith.index_cast %add3A_168 : i32 to index
      %get3A_172 = tpu.vector_load %arg6[%get3A_170, %get3A_171] {strides = array<i32>} : memref<2x16384xi32, #tpu.memory_space<vmem>>, vector<16xi32>,
      %add3A_173 = arith.constant 80 : i32
      %add3A_174 = arith.addi %mul3A_142, %add3A_173 : i32
      %get3A_175 = arith.constant 0 : i32
      %get3A_176 = arith.index_cast %get3A_175 : i32 to index
      %get3A_177 = arith.index_cast %add3A_174 : i32 to index
      %get3A_178 = tpu.vector_load %arg6[%get3A_176, %get3A_177] {strides = array<i32>} : memref<2x16384xi32, #tpu.memory_space<vmem>>, vector<16xi32>,
      %add3A_179 = arith.constant 96 : i32
      %add3A_180 = arith.addi %mul3A_142, %add3A_179 : i32
      %get3A_181 = arith.constant 0 : i32
      %get3A_182 = arith.index_cast %get3A_181 : i32 to index
      %get3A_183 = arith.index_cast %add3A_180 : i32 to index
      %get3A_184 = tpu.vector_load %arg6[%get3A_182, %get3A_183] {strides = array<i32>} : memref<2x16384xi32, #tpu.memory_space<vmem>>, vector<16xi32>,
      %add3A_185 = arith.constant 112 : i32
      %add3A_186 = arith.addi %mul3A_142, %add3A_185 : i32
      %get3A_187 = arith.constant 0 : i32
      %get3A_188 = arith.index_cast %get3A_187 : i32 to index
      %get3A_189 = arith.index_cast %add3A_186 : i32 to index
      %get3A_190 = tpu.vector_load %arg6[%get3A_188, %get3A_189] {strides = array<i32>} : memref<2x16384xi32, #tpu.memory_space<vmem>>, vector<16xi32>,
      %add3A_191 = arith.constant 128 : i32
      %add3A_192 = arith.addi %mul3A_142, %add3A_191 : i32
      %get3A_193 = arith.constant 0 : i32
      %get3A_194 = arith.index_cast %get3A_193 : i32 to index
      %get3A_195 = arith.index_cast %add3A_192 : i32 to index
      %get3A_196 = tpu.vector_load %arg6[%get3A_194, %get3A_195] {strides = array<i32>} : memref<2x16384xi32, #tpu.memory_space<vmem>>, vector<16xi32>,
      %add3A_197 = arith.constant 144 : i32
      %add3A_198 = arith.addi %mul3A_142, %add3A_197 : i32
      %get3A_199 = arith.constant 0 : i32
      %get3A_200 = arith.index_cast %get3A_199 : i32 to index
      %get3A_201 = arith.index_cast %add3A_198 : i32 to index
      %get3A_202 = tpu.vector_load %arg6[%get3A_200, %get3A_201] {strides = array<i32>} : memref<2x16384xi32, #tpu.memory_space<vmem>>, vector<16xi32>,
      %add3A_203 = arith.constant 160 : i32
      %add3A_204 = arith.addi %mul3A_142, %add3A_203 : i32
      %get3A_205 = arith.constant 0 : i32
      %get3A_206 = arith.index_cast %get3A_205 : i32 to index
      %get3A_207 = arith.index_cast %add3A_204 : i32 to index
      %get3A_208 = tpu.vector_load %arg6[%get3A_206, %get3A_207] {strides = array<i32>} : memref<2x16384xi32, #tpu.memory_space<vmem>>, vector<16xi32>,
      %add3A_209 = arith.constant 176 : i32
      %add3A_210 = arith.addi %mul3A_142, %add3A_209 : i32
      %get3A_211 = arith.constant 0 : i32
      %get3A_212 = arith.index_cast %get3A_211 : i32 to index
      %get3A_213 = arith.index_cast %add3A_210 : i32 to index
      %get3A_214 = tpu.vector_load %arg6[%get3A_212, %get3A_213] {strides = array<i32>} : memref<2x16384xi32, #tpu.memory_space<vmem>>, vector<16xi32>,
      %add3A_215 = arith.constant 192 : i32
      %add3A_216 = arith.addi %mul3A_142, %add3A_215 : i32
      %get3A_217 = arith.constant 0 : i32
      %get3A_218 = arith.index_cast %get3A_217 : i32 to index
      %get3A_219 = arith.index_cast %add3A_216 : i32 to index
      %get3A_220 = tpu.vector_load %arg6[%get3A_218, %get3A_219] {strides = array<i32>} : memref<2x16384xi32, #tpu.memory_space<vmem>>, vector<16xi32>,
      %add3A_221 = arith.constant 208 : i32
      %add3A_222 = arith.addi %mul3A_142, %add3A_221 : i32
      %get3A_223 = arith.constant 0 : i32
      %get3A_224 = arith.index_cast %get3A_223 : i32 to index
      %get3A_225 = arith.index_cast %add3A_222 : i32 to index
      %get3A_226 = tpu.vector_load %arg6[%get3A_224, %get3A_225] {strides = array<i32>} : memref<2x16384xi32, #tpu.memory_space<vmem>>, vector<16xi32>,
      %add3A_227 = arith.constant 224 : i32
      %add3A_228 = arith.addi %mul3A_142, %add3A_227 : i32
      %get3A_229 = arith.constant 0 : i32
      %get3A_230 = arith.index_cast %get3A_229 : i32 to index
      %get3A_231 = arith.index_cast %add3A_228 : i32 to index
      %get3A_232 = tpu.vector_load %arg6[%get3A_230, %get3A_231] {strides = array<i32>} : memref<2x16384xi32, #tpu.memory_space<vmem>>, vector<16xi32>,
      %add3A_233 = arith.constant 240 : i32
      %add3A_234 = arith.addi %mul3A_142, %add3A_233 : i32
      %get3A_235 = arith.constant 0 : i32
      %get3A_236 = arith.index_cast %get3A_235 : i32 to index
      %get3A_237 = arith.index_cast %add3A_234 : i32 to index
      %get3A_238 = tpu.vector_load %arg6[%get3A_236, %get3A_237] {strides = array<i32>} : memref<2x16384xi32, #tpu.memory_space<vmem>>, vector<16xi32>,
      %shift_right_logical3A = arith.constant 23 : i32
      %shift_right_logical3A_239 = vector.broadcast %shift_right_logical3A : i32 to vector<16xi32>
      %shift_right_logical3A_240 = arith.shrui %get3A_148, %shift_right_logical3A_239 : vector<16xi32>
      %shift_right_logical3A_241 = arith.constant 23 : i32
      %shift_right_logical3A_242 = vector.broadcast %shift_right_logical3A_241 : i32 to vector<16xi32>
      %shift_right_logical3A_243 = arith.shrui %get3A_154, %shift_right_logical3A_242 : vector<16xi32>
      %shift_right_logical3A_244 = arith.constant 23 : i32
      %shift_right_logical3A_245 = vector.broadcast %shift_right_logical3A_244 : i32 to vector<16xi32>
      %shift_right_logical3A_246 = arith.shrui %get3A_160, %shift_right_logical3A_245 : vector<16xi32>
      %shift_right_logical3A_247 = arith.constant 23 : i32
      %shift_right_logical3A_248 = vector.broadcast %shift_right_logical3A_247 : i32 to vector<16xi32>
      %shift_right_logical3A_249 = arith.shrui %get3A_166, %shift_right_logical3A_248 : vector<16xi32>
      %shift_right_logical3A_250 = arith.constant 23 : i32
      %shift_right_logical3A_251 = vector.broadcast %shift_right_logical3A_250 : i32 to vector<16xi32>
      %shift_right_logical3A_252 = arith.shrui %get3A_172, %shift_right_logical3A_251 : vector<16xi32>
      %shift_right_logical3A_253 = arith.constant 23 : i32
      %shift_right_logical3A_254 = vector.broadcast %shift_right_logical3A_253 : i32 to vector<16xi32>
      %shift_right_logical3A_255 = arith.shrui %get3A_178, %shift_right_logical3A_254 : vector<16xi32>
      %shift_right_logical3A_256 = arith.constant 23 : i32
      %shift_right_logical3A_257 = vector.broadcast %shift_right_logical3A_256 : i32 to vector<16xi32>
      %shift_right_logical3A_258 = arith.shrui %get3A_184, %shift_right_logical3A_257 : vector<16xi32>
      %shift_right_logical3A_259 = arith.constant 23 : i32
      %shift_right_logical3A_260 = vector.broadcast %shift_right_logical3A_259 : i32 to vector<16xi32>
      %shift_right_logical3A_261 = arith.shrui %get3A_190, %shift_right_logical3A_260 : vector<16xi32>
      %shift_right_logical3A_262 = arith.constant 23 : i32
      %shift_right_logical3A_263 = vector.broadcast %shift_right_logical3A_262 : i32 to vector<16xi32>
      %shift_right_logical3A_264 = arith.shrui %get3A_196, %shift_right_logical3A_263 : vector<16xi32>
      %shift_right_arithmetic3A = arith.constant 24 : i32
      %shift_right_arithmetic3A_265 = vector.broadcast %shift_right_arithmetic3A : i32 to vector<16xi32>
      %shift_right_arithmetic3A_266 = arith.shrsi %get3A_202, %shift_right_arithmetic3A_265 : vector<16xi32>
      %sub3A = arith.constant 62 : i32
      %sub3A_267 = vector.broadcast %sub3A : i32 to vector<16xi32>
      %sub3A_268 = arith.subi %shift_right_arithmetic3A_266, %sub3A_267 : vector<16xi32>
      %max3A = arith.constant 0 : i32
      %max3A_269 = vector.broadcast %max3A : i32 to vector<16xi32>
      %max3A_270 = arith.maxsi %sub3A_268, %max3A_269 : vector<16xi32>
      %min3A_271 = arith.constant 15 : i32
      %min3A_272 = vector.broadcast %min3A_271 : i32 to vector<16xi32>
      %min3A_273 = arith.minsi %max3A_270, %min3A_272 : vector<16xi32>
      %shift_right_arithmetic3A_274 = arith.constant 24 : i32
      %shift_right_arithmetic3A_275 = vector.broadcast %shift_right_arithmetic3A_274 : i32 to vector<16xi32>
      %shift_right_arithmetic3A_276 = arith.shrsi %get3A_208, %shift_right_arithmetic3A_275 : vector<16xi32>
      %sub3A_277 = arith.constant 62 : i32
      %sub3A_278 = vector.broadcast %sub3A_277 : i32 to vector<16xi32>
      %sub3A_279 = arith.subi %shift_right_arithmetic3A_276, %sub3A_278 : vector<16xi32>
      %max3A_280 = arith.constant 0 : i32
      %max3A_281 = vector.broadcast %max3A_280 : i32 to vector<16xi32>
      %max3A_282 = arith.maxsi %sub3A_279, %max3A_281 : vector<16xi32>
      %min3A_283 = arith.constant 15 : i32
      %min3A_284 = vector.broadcast %min3A_283 : i32 to vector<16xi32>
      %min3A_285 = arith.minsi %max3A_282, %min3A_284 : vector<16xi32>
      %shift_right_arithmetic3A_286 = arith.constant 24 : i32
      %shift_right_arithmetic3A_287 = vector.broadcast %shift_right_arithmetic3A_286 : i32 to vector<16xi32>
      %shift_right_arithmetic3A_288 = arith.shrsi %get3A_214, %shift_right_arithmetic3A_287 : vector<16xi32>
      %sub3A_289 = arith.constant 62 : i32
      %sub3A_290 = vector.broadcast %sub3A_289 : i32 to vector<16xi32>
      %sub3A_291 = arith.subi %shift_right_arithmetic3A_288, %sub3A_290 : vector<16xi32>
      %max3A_292 = arith.constant 0 : i32
      %max3A_293 = vector.broadcast %max3A_292 : i32 to vector<16xi32>
      %max3A_294 = arith.maxsi %sub3A_291, %max3A_293 : vector<16xi32>
      %min3A_295 = arith.constant 15 : i32
      %min3A_296 = vector.broadcast %min3A_295 : i32 to vector<16xi32>
      %min3A_297 = arith.minsi %max3A_294, %min3A_296 : vector<16xi32>
      %shift_right_arithmetic3A_298 = arith.constant 24 : i32
      %shift_right_arithmetic3A_299 = vector.broadcast %shift_right_arithmetic3A_298 : i32 to vector<16xi32>
      %shift_right_arithmetic3A_300 = arith.shrsi %get3A_220, %shift_right_arithmetic3A_299 : vector<16xi32>
      %sub3A_301 = arith.constant 62 : i32
      %sub3A_302 = vector.broadcast %sub3A_301 : i32 to vector<16xi32>
      %sub3A_303 = arith.subi %shift_right_arithmetic3A_300, %sub3A_302 : vector<16xi32>
      %max3A_304 = arith.constant 0 : i32
      %max3A_305 = vector.broadcast %max3A_304 : i32 to vector<16xi32>
      %max3A_306 = arith.maxsi %sub3A_303, %max3A_305 : vector<16xi32>
      %min3A_307 = arith.constant 15 : i32
      %min3A_308 = vector.broadcast %min3A_307 : i32 to vector<16xi32>
      %min3A_309 = arith.minsi %max3A_306, %min3A_308 : vector<16xi32>
      %shift_right_arithmetic3A_310 = arith.constant 24 : i32
      %shift_right_arithmetic3A_311 = vector.broadcast %shift_right_arithmetic3A_310 : i32 to vector<16xi32>
      %shift_right_arithmetic3A_312 = arith.shrsi %get3A_226, %shift_right_arithmetic3A_311 : vector<16xi32>
      %sub3A_313 = arith.constant 62 : i32
      %sub3A_314 = vector.broadcast %sub3A_313 : i32 to vector<16xi32>
      %sub3A_315 = arith.subi %shift_right_arithmetic3A_312, %sub3A_314 : vector<16xi32>
      %max3A_316 = arith.constant 0 : i32
      %max3A_317 = vector.broadcast %max3A_316 : i32 to vector<16xi32>
      %max3A_318 = arith.maxsi %sub3A_315, %max3A_317 : vector<16xi32>
      %min3A_319 = arith.constant 15 : i32
      %min3A_320 = vector.broadcast %min3A_319 : i32 to vector<16xi32>
      %min3A_321 = arith.minsi %max3A_318, %min3A_320 : vector<16xi32>
      %shift_right_arithmetic3A_322 = arith.constant 24 : i32
      %shift_right_arithmetic3A_323 = vector.broadcast %shift_right_arithmetic3A_322 : i32 to vector<16xi32>
      %shift_right_arithmetic3A_324 = arith.shrsi %get3A_232, %shift_right_arithmetic3A_323 : vector<16xi32>
      %sub3A_325 = arith.constant 62 : i32
      %sub3A_326 = vector.broadcast %sub3A_325 : i32 to vector<16xi32>
      %sub3A_327 = arith.subi %shift_right_arithmetic3A_324, %sub3A_326 : vector<16xi32>
      %max3A_328 = arith.constant 0 : i32
      %max3A_329 = vector.broadcast %max3A_328 : i32 to vector<16xi32>
      %max3A_330 = arith.maxsi %sub3A_327, %max3A_329 : vector<16xi32>
      %min3A_331 = arith.constant 15 : i32
      %min3A_332 = vector.broadcast %min3A_331 : i32 to vector<16xi32>
      %min3A_333 = arith.minsi %max3A_330, %min3A_332 : vector<16xi32>
      %shift_right_arithmetic3A_334 = arith.constant 24 : i32
      %shift_right_arithmetic3A_335 = vector.broadcast %shift_right_arithmetic3A_334 : i32 to vector<16xi32>
      %shift_right_arithmetic3A_336 = arith.shrsi %get3A_238, %shift_right_arithmetic3A_335 : vector<16xi32>
      %sub3A_337 = arith.constant 62 : i32
      %sub3A_338 = vector.broadcast %sub3A_337 : i32 to vector<16xi32>
      %sub3A_339 = arith.subi %shift_right_arithmetic3A_336, %sub3A_338 : vector<16xi32>
      %max3A_340 = arith.constant 0 : i32
      %max3A_341 = vector.broadcast %max3A_340 : i32 to vector<16xi32>
      %max3A_342 = arith.maxsi %sub3A_339, %max3A_341 : vector<16xi32>
      %min3A_343 = arith.constant 15 : i32
      %min3A_344 = vector.broadcast %min3A_343 : i32 to vector<16xi32>
      %min3A_345 = arith.minsi %max3A_342, %min3A_344 : vector<16xi32>
      %gather3A = tpu.vector_load_idx %arg5[%shift_right_logical3A_240] : memref<528xi32, #tpu.memory_space<vmem>>[vector<16xi32>], vector<16xi32>,
      %gather3A_346 = tpu.vector_load_idx %arg5[%shift_right_logical3A_243] : memref<528xi32, #tpu.memory_space<vmem>>[vector<16xi32>], vector<16xi32>,
      %gather3A_347 = tpu.vector_load_idx %arg5[%shift_right_logical3A_246] : memref<528xi32, #tpu.memory_space<vmem>>[vector<16xi32>], vector<16xi32>,
      %gather3A_348 = tpu.vector_load_idx %arg5[%shift_right_logical3A_249] : memref<528xi32, #tpu.memory_space<vmem>>[vector<16xi32>], vector<16xi32>,
      %gather3A_349 = tpu.vector_load_idx %arg5[%shift_right_logical3A_252] : memref<528xi32, #tpu.memory_space<vmem>>[vector<16xi32>], vector<16xi32>,
      %gather3A_350 = tpu.vector_load_idx %arg5[%shift_right_logical3A_255] : memref<528xi32, #tpu.memory_space<vmem>>[vector<16xi32>], vector<16xi32>,
      %gather3A_351 = tpu.vector_load_idx %arg5[%shift_right_logical3A_258] : memref<528xi32, #tpu.memory_space<vmem>>[vector<16xi32>], vector<16xi32>,
      %gather3A_352 = tpu.vector_load_idx %arg5[%shift_right_logical3A_261] : memref<528xi32, #tpu.memory_space<vmem>>[vector<16xi32>], vector<16xi32>,
      %gather3A_353 = tpu.vector_load_idx %arg5[%shift_right_logical3A_264] : memref<528xi32, #tpu.memory_space<vmem>>[vector<16xi32>], vector<16xi32>,
      %broadcast_in_dim3A = vector.shape_cast %min3A_273 : vector<16xi32> to vector<16x1xi32>
      %gather3A_354 = vector.shape_cast %broadcast_in_dim3A : vector<16x1xi32> to vector<16xi32>
      %gather3A_355 = tpu.dynamic_gather %get3A_3[%gather3A_354] in [0] : vector<16xi32>, vector<16xi32> -> vector<16xi32>
      %broadcast_in_dim3A_356 = vector.shape_cast %min3A_285 : vector<16xi32> to vector<16x1xi32>
      %gather3A_357 = vector.shape_cast %broadcast_in_dim3A_356 : vector<16x1xi32> to vector<16xi32>
      %gather3A_358 = tpu.dynamic_gather %get3A_3[%gather3A_357] in [0] : vector<16xi32>, vector<16xi32> -> vector<16xi32>
      %broadcast_in_dim3A_359 = vector.shape_cast %min3A_297 : vector<16xi32> to vector<16x1xi32>
      %gather3A_360 = vector.shape_cast %broadcast_in_dim3A_359 : vector<16x1xi32> to vector<16xi32>
      %gather3A_361 = tpu.dynamic_gather %get3A_3[%gather3A_360] in [0] : vector<16xi32>, vector<16xi32> -> vector<16xi32>
      %broadcast_in_dim3A_362 = vector.shape_cast %min3A_309 : vector<16xi32> to vector<16x1xi32>
      %gather3A_363 = vector.shape_cast %broadcast_in_dim3A_362 : vector<16x1xi32> to vector<16xi32>
      %gather3A_364 = tpu.dynamic_gather %get3A_3[%gather3A_363] in [0] : vector<16xi32>, vector<16xi32> -> vector<16xi32>
      %broadcast_in_dim3A_365 = vector.shape_cast %min3A_321 : vector<16xi32> to vector<16x1xi32>
      %gather3A_366 = vector.shape_cast %broadcast_in_dim3A_365 : vector<16x1xi32> to vector<16xi32>
      %gather3A_367 = tpu.dynamic_gather %get3A_3[%gather3A_366] in [0] : vector<16xi32>, vector<16xi32> -> vector<16xi32>
      %broadcast_in_dim3A_368 = vector.shape_cast %min3A_333 : vector<16xi32> to vector<16x1xi32>
      %gather3A_369 = vector.shape_cast %broadcast_in_dim3A_368 : vector<16x1xi32> to vector<16xi32>
      %gather3A_370 = tpu.dynamic_gather %get3A_3[%gather3A_369] in [0] : vector<16xi32>, vector<16xi32> -> vector<16xi32>
      %broadcast_in_dim3A_371 = vector.shape_cast %min3A_345 : vector<16xi32> to vector<16x1xi32>
      %gather3A_372 = vector.shape_cast %broadcast_in_dim3A_371 : vector<16x1xi32> to vector<16xi32>
      %gather3A_373 = tpu.dynamic_gather %get3A_3[%gather3A_372] in [0] : vector<16xi32>, vector<16xi32> -> vector<16xi32>
      %add3A_374 = arith.addi %gather3A, %get3A_148 : vector<16xi32>
      %shift_right_logical3A_375 = arith.constant 24 : i32
      %shift_right_logical3A_376 = vector.broadcast %shift_right_logical3A_375 : i32 to vector<16xi32>
      %shift_right_logical3A_377 = arith.shrui %add3A_374, %shift_right_logical3A_376 : vector<16xi32>
      %add3A_378 = arith.constant 0 : i32
      %add3A_379 = arith.addi %mul3A_142, %add3A_378 : i32
      %swap3A = arith.constant 0 : i32
      %swap3A_380 = arith.index_cast %swap3A : i32 to index
      %swap3A_381 = arith.index_cast %add3A_379 : i32 to index
      %swap3A_382 = tpu.vector_load %arg7[%swap3A_380, %swap3A_381] {strides = array<i32>} : memref<2x16384xi32, #tpu.memory_space<vmem>>, vector<16xi32>,
      tpu.vector_store %arg7[%swap3A_380, %swap3A_381], %shift_right_logical3A_377 {strides = array<i32>} : memref<2x16384xi32, #tpu.memory_space<vmem>>, vector<16xi32>,
      %add3A_383 = arith.addi %gather3A_346, %get3A_154 : vector<16xi32>
      %shift_right_logical3A_384 = arith.constant 24 : i32
      %shift_right_logical3A_385 = vector.broadcast %shift_right_logical3A_384 : i32 to vector<16xi32>
      %shift_right_logical3A_386 = arith.shrui %add3A_383, %shift_right_logical3A_385 : vector<16xi32>
      %add3A_387 = arith.constant 16 : i32
      %add3A_388 = arith.addi %mul3A_142, %add3A_387 : i32
      %swap3A_389 = arith.constant 0 : i32
      %swap3A_390 = arith.index_cast %swap3A_389 : i32 to index
      %swap3A_391 = arith.index_cast %add3A_388 : i32 to index
      %swap3A_392 = tpu.vector_load %arg7[%swap3A_390, %swap3A_391] {strides = array<i32>} : memref<2x16384xi32, #tpu.memory_space<vmem>>, vector<16xi32>,
      tpu.vector_store %arg7[%swap3A_390, %swap3A_391], %shift_right_logical3A_386 {strides = array<i32>} : memref<2x16384xi32, #tpu.memory_space<vmem>>, vector<16xi32>,
      %add3A_393 = arith.addi %gather3A_347, %get3A_160 : vector<16xi32>
      %shift_right_logical3A_394 = arith.constant 24 : i32
      %shift_right_logical3A_395 = vector.broadcast %shift_right_logical3A_394 : i32 to vector<16xi32>
      %shift_right_logical3A_396 = arith.shrui %add3A_393, %shift_right_logical3A_395 : vector<16xi32>
      %add3A_397 = arith.constant 32 : i32
      %add3A_398 = arith.addi %mul3A_142, %add3A_397 : i32
      %swap3A_399 = arith.constant 0 : i32
      %swap3A_400 = arith.index_cast %swap3A_399 : i32 to index
      %swap3A_401 = arith.index_cast %add3A_398 : i32 to index
      %swap3A_402 = tpu.vector_load %arg7[%swap3A_400, %swap3A_401] {strides = array<i32>} : memref<2x16384xi32, #tpu.memory_space<vmem>>, vector<16xi32>,
      tpu.vector_store %arg7[%swap3A_400, %swap3A_401], %shift_right_logical3A_396 {strides = array<i32>} : memref<2x16384xi32, #tpu.memory_space<vmem>>, vector<16xi32>,
      %add3A_403 = arith.addi %gather3A_348, %get3A_166 : vector<16xi32>
      %shift_right_logical3A_404 = arith.constant 24 : i32
      %shift_right_logical3A_405 = vector.broadcast %shift_right_logical3A_404 : i32 to vector<16xi32>
      %shift_right_logical3A_406 = arith.shrui %add3A_403, %shift_right_logical3A_405 : vector<16xi32>
      %add3A_407 = arith.constant 48 : i32
      %add3A_408 = arith.addi %mul3A_142, %add3A_407 : i32
      %swap3A_409 = arith.constant 0 : i32
      %swap3A_410 = arith.index_cast %swap3A_409 : i32 to index
      %swap3A_411 = arith.index_cast %add3A_408 : i32 to index
      %swap3A_412 = tpu.vector_load %arg7[%swap3A_410, %swap3A_411] {strides = array<i32>} : memref<2x16384xi32, #tpu.memory_space<vmem>>, vector<16xi32>,
      tpu.vector_store %arg7[%swap3A_410, %swap3A_411], %shift_right_logical3A_406 {strides = array<i32>} : memref<2x16384xi32, #tpu.memory_space<vmem>>, vector<16xi32>,
      %add3A_413 = arith.addi %gather3A_349, %get3A_172 : vector<16xi32>
      %shift_right_logical3A_414 = arith.constant 24 : i32
      %shift_right_logical3A_415 = vector.broadcast %shift_right_logical3A_414 : i32 to vector<16xi32>
      %shift_right_logical3A_416 = arith.shrui %add3A_413, %shift_right_logical3A_415 : vector<16xi32>
      %add3A_417 = arith.constant 64 : i32
      %add3A_418 = arith.addi %mul3A_142, %add3A_417 : i32
      %swap3A_419 = arith.constant 0 : i32
      %swap3A_420 = arith.index_cast %swap3A_419 : i32 to index
      %swap3A_421 = arith.index_cast %add3A_418 : i32 to index
      %swap3A_422 = tpu.vector_load %arg7[%swap3A_420, %swap3A_421] {strides = array<i32>} : memref<2x16384xi32, #tpu.memory_space<vmem>>, vector<16xi32>,
      tpu.vector_store %arg7[%swap3A_420, %swap3A_421], %shift_right_logical3A_416 {strides = array<i32>} : memref<2x16384xi32, #tpu.memory_space<vmem>>, vector<16xi32>,
      %add3A_423 = arith.addi %gather3A_350, %get3A_178 : vector<16xi32>
      %shift_right_logical3A_424 = arith.constant 24 : i32
      %shift_right_logical3A_425 = vector.broadcast %shift_right_logical3A_424 : i32 to vector<16xi32>
      %shift_right_logical3A_426 = arith.shrui %add3A_423, %shift_right_logical3A_425 : vector<16xi32>
      %add3A_427 = arith.constant 80 : i32
      %add3A_428 = arith.addi %mul3A_142, %add3A_427 : i32
      %swap3A_429 = arith.constant 0 : i32
      %swap3A_430 = arith.index_cast %swap3A_429 : i32 to index
      %swap3A_431 = arith.index_cast %add3A_428 : i32 to index
      %swap3A_432 = tpu.vector_load %arg7[%swap3A_430, %swap3A_431] {strides = array<i32>} : memref<2x16384xi32, #tpu.memory_space<vmem>>, vector<16xi32>,
      tpu.vector_store %arg7[%swap3A_430, %swap3A_431], %shift_right_logical3A_426 {strides = array<i32>} : memref<2x16384xi32, #tpu.memory_space<vmem>>, vector<16xi32>,
      %add3A_433 = arith.addi %gather3A_351, %get3A_184 : vector<16xi32>
      %shift_right_logical3A_434 = arith.constant 24 : i32
      %shift_right_logical3A_435 = vector.broadcast %shift_right_logical3A_434 : i32 to vector<16xi32>
      %shift_right_logical3A_436 = arith.shrui %add3A_433, %shift_right_logical3A_435 : vector<16xi32>
      %add3A_437 = arith.constant 96 : i32
      %add3A_438 = arith.addi %mul3A_142, %add3A_437 : i32
      %swap3A_439 = arith.constant 0 : i32
      %swap3A_440 = arith.index_cast %swap3A_439 : i32 to index
      %swap3A_441 = arith.index_cast %add3A_438 : i32 to index
      %swap3A_442 = tpu.vector_load %arg7[%swap3A_440, %swap3A_441] {strides = array<i32>} : memref<2x16384xi32, #tpu.memory_space<vmem>>, vector<16xi32>,
      tpu.vector_store %arg7[%swap3A_440, %swap3A_441], %shift_right_logical3A_436 {strides = array<i32>} : memref<2x16384xi32, #tpu.memory_space<vmem>>, vector<16xi32>,
      %add3A_443 = arith.addi %gather3A_352, %get3A_190 : vector<16xi32>
      %shift_right_logical3A_444 = arith.constant 24 : i32
      %shift_right_logical3A_445 = vector.broadcast %shift_right_logical3A_444 : i32 to vector<16xi32>
      %shift_right_logical3A_446 = arith.shrui %add3A_443, %shift_right_logical3A_445 : vector<16xi32>
      %add3A_447 = arith.constant 112 : i32
      %add3A_448 = arith.addi %mul3A_142, %add3A_447 : i32
      %swap3A_449 = arith.constant 0 : i32
      %swap3A_450 = arith.index_cast %swap3A_449 : i32 to index
      %swap3A_451 = arith.index_cast %add3A_448 : i32 to index
      %swap3A_452 = tpu.vector_load %arg7[%swap3A_450, %swap3A_451] {strides = array<i32>} : memref<2x16384xi32, #tpu.memory_space<vmem>>, vector<16xi32>,
      tpu.vector_store %arg7[%swap3A_450, %swap3A_451], %shift_right_logical3A_446 {strides = array<i32>} : memref<2x16384xi32, #tpu.memory_space<vmem>>, vector<16xi32>,
      %add3A_453 = arith.addi %gather3A_353, %get3A_196 : vector<16xi32>
      %shift_right_logical3A_454 = arith.constant 24 : i32
      %shift_right_logical3A_455 = vector.broadcast %shift_right_logical3A_454 : i32 to vector<16xi32>
      %shift_right_logical3A_456 = arith.shrui %add3A_453, %shift_right_logical3A_455 : vector<16xi32>
      %add3A_457 = arith.constant 128 : i32
      %add3A_458 = arith.addi %mul3A_142, %add3A_457 : i32
      %swap3A_459 = arith.constant 0 : i32
      %swap3A_460 = arith.index_cast %swap3A_459 : i32 to index
      %swap3A_461 = arith.index_cast %add3A_458 : i32 to index
      %swap3A_462 = tpu.vector_load %arg7[%swap3A_460, %swap3A_461] {strides = array<i32>} : memref<2x16384xi32, #tpu.memory_space<vmem>>, vector<16xi32>,
      tpu.vector_store %arg7[%swap3A_460, %swap3A_461], %shift_right_logical3A_456 {strides = array<i32>} : memref<2x16384xi32, #tpu.memory_space<vmem>>, vector<16xi32>,
      %and3A = arith.constant 16777215 : i32
      %and3A_463 = vector.broadcast %and3A : i32 to vector<16xi32>
      %and3A_464 = arith.andi %get3A_202, %and3A_463 : vector<16xi32>
      %add3A_465 = arith.addi %gather3A_355, %and3A_464 : vector<16xi32>
      %shift_right_logical3A_466 = arith.constant 24 : i32
      %shift_right_logical3A_467 = vector.broadcast %shift_right_logical3A_466 : i32 to vector<16xi32>
      %shift_right_logical3A_468 = arith.shrui %add3A_465, %shift_right_logical3A_467 : vector<16xi32>
      %add3A_469 = arith.constant 144 : i32
      %add3A_470 = arith.addi %mul3A_142, %add3A_469 : i32
      %swap3A_471 = arith.constant 0 : i32
      %swap3A_472 = arith.index_cast %swap3A_471 : i32 to index
      %swap3A_473 = arith.index_cast %add3A_470 : i32 to index
      %swap3A_474 = tpu.vector_load %arg7[%swap3A_472, %swap3A_473] {strides = array<i32>} : memref<2x16384xi32, #tpu.memory_space<vmem>>, vector<16xi32>,
      tpu.vector_store %arg7[%swap3A_472, %swap3A_473], %shift_right_logical3A_468 {strides = array<i32>} : memref<2x16384xi32, #tpu.memory_space<vmem>>, vector<16xi32>,
      %and3A_475 = arith.constant 16777215 : i32
      %and3A_476 = vector.broadcast %and3A_475 : i32 to vector<16xi32>
      %and3A_477 = arith.andi %get3A_208, %and3A_476 : vector<16xi32>
      %add3A_478 = arith.addi %gather3A_358, %and3A_477 : vector<16xi32>
      %shift_right_logical3A_479 = arith.constant 24 : i32
      %shift_right_logical3A_480 = vector.broadcast %shift_right_logical3A_479 : i32 to vector<16xi32>
      %shift_right_logical3A_481 = arith.shrui %add3A_478, %shift_right_logical3A_480 : vector<16xi32>
      %add3A_482 = arith.constant 160 : i32
      %add3A_483 = arith.addi %mul3A_142, %add3A_482 : i32
      %swap3A_484 = arith.constant 0 : i32
      %swap3A_485 = arith.index_cast %swap3A_484 : i32 to index
      %swap3A_486 = arith.index_cast %add3A_483 : i32 to index
      %swap3A_487 = tpu.vector_load %arg7[%swap3A_485, %swap3A_486] {strides = array<i32>} : memref<2x16384xi32, #tpu.memory_space<vmem>>, vector<16xi32>,
      tpu.vector_store %arg7[%swap3A_485, %swap3A_486], %shift_right_logical3A_481 {strides = array<i32>} : memref<2x16384xi32, #tpu.memory_space<vmem>>, vector<16xi32>,
      %and3A_488 = arith.constant 16777215 : i32
      %and3A_489 = vector.broadcast %and3A_488 : i32 to vector<16xi32>
      %and3A_490 = arith.andi %get3A_214, %and3A_489 : vector<16xi32>
      %add3A_491 = arith.addi %gather3A_361, %and3A_490 : vector<16xi32>
      %shift_right_logical3A_492 = arith.constant 24 : i32
      %shift_right_logical3A_493 = vector.broadcast %shift_right_logical3A_492 : i32 to vector<16xi32>
      %shift_right_logical3A_494 = arith.shrui %add3A_491, %shift_right_logical3A_493 : vector<16xi32>
      %add3A_495 = arith.constant 176 : i32
      %add3A_496 = arith.addi %mul3A_142, %add3A_495 : i32
      %swap3A_497 = arith.constant 0 : i32
      %swap3A_498 = arith.index_cast %swap3A_497 : i32 to index
      %swap3A_499 = arith.index_cast %add3A_496 : i32 to index
      %swap3A_500 = tpu.vector_load %arg7[%swap3A_498, %swap3A_499] {strides = array<i32>} : memref<2x16384xi32, #tpu.memory_space<vmem>>, vector<16xi32>,
      tpu.vector_store %arg7[%swap3A_498, %swap3A_499], %shift_right_logical3A_494 {strides = array<i32>} : memref<2x16384xi32, #tpu.memory_space<vmem>>, vector<16xi32>,
      %and3A_501 = arith.constant 16777215 : i32
      %and3A_502 = vector.broadcast %and3A_501 : i32 to vector<16xi32>
      %and3A_503 = arith.andi %get3A_220, %and3A_502 : vector<16xi32>
      %add3A_504 = arith.addi %gather3A_364, %and3A_503 : vector<16xi32>
      %shift_right_logical3A_505 = arith.constant 24 : i32
      %shift_right_logical3A_506 = vector.broadcast %shift_right_logical3A_505 : i32 to vector<16xi32>
      %shift_right_logical3A_507 = arith.shrui %add3A_504, %shift_right_logical3A_506 : vector<16xi32>
      %add3A_508 = arith.constant 192 : i32
      %add3A_509 = arith.addi %mul3A_142, %add3A_508 : i32
      %swap3A_510 = arith.constant 0 : i32
      %swap3A_511 = arith.index_cast %swap3A_510 : i32 to index
      %swap3A_512 = arith.index_cast %add3A_509 : i32 to index
      %swap3A_513 = tpu.vector_load %arg7[%swap3A_511, %swap3A_512] {strides = array<i32>} : memref<2x16384xi32, #tpu.memory_space<vmem>>, vector<16xi32>,
      tpu.vector_store %arg7[%swap3A_511, %swap3A_512], %shift_right_logical3A_507 {strides = array<i32>} : memref<2x16384xi32, #tpu.memory_space<vmem>>, vector<16xi32>,
      %and3A_514 = arith.constant 16777215 : i32
      %and3A_515 = vector.broadcast %and3A_514 : i32 to vector<16xi32>
      %and3A_516 = arith.andi %get3A_226, %and3A_515 : vector<16xi32>
      %add3A_517 = arith.addi %gather3A_367, %and3A_516 : vector<16xi32>
      %shift_right_logical3A_518 = arith.constant 24 : i32
      %shift_right_logical3A_519 = vector.broadcast %shift_right_logical3A_518 : i32 to vector<16xi32>
      %shift_right_logical3A_520 = arith.shrui %add3A_517, %shift_right_logical3A_519 : vector<16xi32>
      %add3A_521 = arith.constant 208 : i32
      %add3A_522 = arith.addi %mul3A_142, %add3A_521 : i32
      %swap3A_523 = arith.constant 0 : i32
      %swap3A_524 = arith.index_cast %swap3A_523 : i32 to index
      %swap3A_525 = arith.index_cast %add3A_522 : i32 to index
      %swap3A_526 = tpu.vector_load %arg7[%swap3A_524, %swap3A_525] {strides = array<i32>} : memref<2x16384xi32, #tpu.memory_space<vmem>>, vector<16xi32>,
      tpu.vector_store %arg7[%swap3A_524, %swap3A_525], %shift_right_logical3A_520 {strides = array<i32>} : memref<2x16384xi32, #tpu.memory_space<vmem>>, vector<16xi32>,
      %and3A_527 = arith.constant 16777215 : i32
      %and3A_528 = vector.broadcast %and3A_527 : i32 to vector<16xi32>
      %and3A_529 = arith.andi %get3A_232, %and3A_528 : vector<16xi32>
      %add3A_530 = arith.addi %gather3A_370, %and3A_529 : vector<16xi32>
      %shift_right_logical3A_531 = arith.constant 24 : i32
      %shift_right_logical3A_532 = vector.broadcast %shift_right_logical3A_531 : i32 to vector<16xi32>
      %shift_right_logical3A_533 = arith.shrui %add3A_530, %shift_right_logical3A_532 : vector<16xi32>
      %add3A_534 = arith.constant 224 : i32
      %add3A_535 = arith.addi %mul3A_142, %add3A_534 : i32
      %swap3A_536 = arith.constant 0 : i32
      %swap3A_537 = arith.index_cast %swap3A_536 : i32 to index
      %swap3A_538 = arith.index_cast %add3A_535 : i32 to index
      %swap3A_539 = tpu.vector_load %arg7[%swap3A_537, %swap3A_538] {strides = array<i32>} : memref<2x16384xi32, #tpu.memory_space<vmem>>, vector<16xi32>,
      tpu.vector_store %arg7[%swap3A_537, %swap3A_538], %shift_right_logical3A_533 {strides = array<i32>} : memref<2x16384xi32, #tpu.memory_space<vmem>>, vector<16xi32>,
      %and3A_540 = arith.constant 16777215 : i32
      %and3A_541 = vector.broadcast %and3A_540 : i32 to vector<16xi32>
      %and3A_542 = arith.andi %get3A_238, %and3A_541 : vector<16xi32>
      %add3A_543 = arith.addi %gather3A_373, %and3A_542 : vector<16xi32>
      %shift_right_logical3A_544 = arith.constant 24 : i32
      %shift_right_logical3A_545 = vector.broadcast %shift_right_logical3A_544 : i32 to vector<16xi32>
      %shift_right_logical3A_546 = arith.shrui %add3A_543, %shift_right_logical3A_545 : vector<16xi32>
      %add3A_547 = arith.constant 240 : i32
      %add3A_548 = arith.addi %mul3A_142, %add3A_547 : i32
      %swap3A_549 = arith.constant 0 : i32
      %swap3A_550 = arith.index_cast %swap3A_549 : i32 to index
      %swap3A_551 = arith.index_cast %add3A_548 : i32 to index
      %swap3A_552 = tpu.vector_load %arg7[%swap3A_550, %swap3A_551] {strides = array<i32>} : memref<2x16384xi32, #tpu.memory_space<vmem>>, vector<16xi32>,
      tpu.vector_store %arg7[%swap3A_550, %swap3A_551], %shift_right_logical3A_546 {strides = array<i32>} : memref<2x16384xi32, #tpu.memory_space<vmem>>, vector<16xi32>,
    }
    %scan3A_37 = arith.constant 64 : i32
    %dma_start3A_38 = arith.constant 0 : i32
    %dma_start3A_39 = arith.constant 0 : i32
    %dma_start3A_40 = tpu.memref_slice %arg7[%dma_start3A_38, %dma_start3A_39] : memref<2x16384xi32, #tpu.memory_space<vmem>> -> memref<1x16384xi32, #tpu.memory_space<vmem>>
    %dma_start3A_41 = tpu.memref_squeeze %dma_start3A_40 : memref<1x16384xi32, #tpu.memory_space<vmem>> -> memref<16384xi32, #tpu.memory_space<vmem>>
    %dma_start3A_42 = tpu.memref_slice %arg4[%add3A_24] : memref<16777216xi32, #tpu.memory_space<hbm>> -> memref<16384xi32, #tpu.memory_space<hbm>>
    %dma_start3A_43 = tpu.memref_slice %arg4[%add3A_24] : memref<16777216xi32, #tpu.memory_space<hbm>> -> memref<16384xi32, #tpu.memory_space<hbm>>
    %dma_start3A_44 = arith.constant 0 : i32
    %dma_start3A_45 = tpu.memref_slice %arg7[%dma_start3A_38, %dma_start3A_44] : memref<2x16384xi32, #tpu.memory_space<vmem>> -> memref<1x16384xi32, #tpu.memory_space<vmem>>
    %dma_start3A_46 = tpu.memref_squeeze %dma_start3A_45 : memref<1x16384xi32, #tpu.memory_space<vmem>> -> memref<16384xi32, #tpu.memory_space<vmem>>
    tpu.enqueue_dma source(%dma_start3A_46 : memref<16384xi32, #tpu.memory_space<vmem>>) target(%dma_start3A_43 : memref<16384xi32, #tpu.memory_space<hbm>>) target_semaphore(%arg10 : memref<!tpu.dma_semaphore, #tpu.memory_space<semaphore_mem>>)
    %add3A_47 = arith.constant 32768 : i32
    %add3A_48 = arith.addi %add3A_24, %add3A_47 : i32
    %min3A = arith.constant 16760832 : i32
    %min3A_49 = arith.minsi %add3A_48, %min3A : i32
    %dma_start3A_50 = arith.constant 0 : i32
    %dma_start3A_51 = arith.constant 0 : i32
    %dma_start3A_52 = tpu.memref_slice %arg6[%dma_start3A_50, %dma_start3A_51] : memref<2x16384xi32, #tpu.memory_space<vmem>> -> memref<1x16384xi32, #tpu.memory_space<vmem>>
    %dma_start3A_53 = tpu.memref_squeeze %dma_start3A_52 : memref<1x16384xi32, #tpu.memory_space<vmem>> -> memref<16384xi32, #tpu.memory_space<vmem>>
    %dma_start3A_54 = tpu.memref_slice %arg2[%min3A_49] : memref<16777216xi32, #tpu.memory_space<hbm>> -> memref<16384xi32, #tpu.memory_space<hbm>>
    %dma_start3A_55 = arith.constant 0 : i32
    %dma_start3A_56 = tpu.memref_slice %arg6[%dma_start3A_50, %dma_start3A_55] : memref<2x16384xi32, #tpu.memory_space<vmem>> -> memref<1x16384xi32, #tpu.memory_space<vmem>>
    %dma_start3A_57 = tpu.memref_squeeze %dma_start3A_56 : memref<1x16384xi32, #tpu.memory_space<vmem>> -> memref<16384xi32, #tpu.memory_space<vmem>>
    %dma_start3A_58 = tpu.memref_slice %arg2[%min3A_49] : memref<16777216xi32, #tpu.memory_space<hbm>> -> memref<16384xi32, #tpu.memory_space<hbm>>
    tpu.enqueue_dma source(%dma_start3A_58 : memref<16384xi32, #tpu.memory_space<hbm>>) target(%dma_start3A_57 : memref<16384xi32, #tpu.memory_space<vmem>>) target_semaphore(%arg8 : memref<!tpu.dma_semaphore, #tpu.memory_space<semaphore_mem>>)
    %add3A_59 = arith.constant 16384 : i32
    %add3A_60 = arith.addi %mul3A_2, %add3A_59 : i32
    %dma_wait3A_61 = arith.constant 1 : i32
    %dma_wait3A_62 = arith.constant 0 : i32
    %dma_wait3A_63 = tpu.memref_slice %arg6[%dma_wait3A_61, %dma_wait3A_62] : memref<2x16384xi32, #tpu.memory_space<vmem>> -> memref<1x16384xi32, #tpu.memory_space<vmem>>
    %dma_wait3A_64 = tpu.memref_squeeze %dma_wait3A_63 : memref<1x16384xi32, #tpu.memory_space<vmem>> -> memref<16384xi32, #tpu.memory_space<vmem>>
    %dma_wait3A_65 = tpu.memref_slice %arg2[%add3A_60] : memref<16777216xi32, #tpu.memory_space<hbm>> -> memref<16384xi32, #tpu.memory_space<hbm>>
    %dma_wait3A_66 = arith.constant 0 : i32
    %dma_wait3A_67 = tpu.memref_slice %arg6[%dma_wait3A_61, %dma_wait3A_66] : memref<2x16384xi32, #tpu.memory_space<vmem>> -> memref<1x16384xi32, #tpu.memory_space<vmem>>
    %dma_wait3A_68 = tpu.memref_squeeze %dma_wait3A_67 : memref<1x16384xi32, #tpu.memory_space<vmem>> -> memref<16384xi32, #tpu.memory_space<vmem>>
    %dma_wait3A_69 = tpu.memref_slice %arg2[%add3A_60] : memref<16777216xi32, #tpu.memory_space<hbm>> -> memref<16384xi32, #tpu.memory_space<hbm>>
    tpu.wait_dma2 semaphore(%arg9 : memref<!tpu.dma_semaphore, #tpu.memory_space<semaphore_mem>>) src(%dma_wait3A_69 : memref<16384xi32, #tpu.memory_space<hbm>>) dst(%dma_wait3A_68 : memref<16384xi32, #tpu.memory_space<vmem>>)
    %scan3A_70 = arith.constant 0 : i32
    %scan3A_71 = arith.constant 0 : i32
    %scan3A_72 = arith.constant 64 : i32
    %scan3A_73 = arith.addi %scan3A_71, %scan3A_72 : i32
    %scan3A_74 = arith.constant 1 : i32
    scf.for %scan3A_140 = %scan3A_71 to %scan3A_73 step %scan3A_74  : i32 {
      %mul3A_141 = arith.constant 256 : i32
      %mul3A_142 = arith.muli %scan3A_140, %mul3A_141 : i32
      %add3A_143 = arith.constant 0 : i32
      %add3A_144 = arith.addi %mul3A_142, %add3A_143 : i32
      %get3A_145 = arith.constant 1 : i32
      %get3A_146 = arith.index_cast %get3A_145 : i32 to index
      %get3A_147 = arith.index_cast %add3A_144 : i32 to index
      %get3A_148 = tpu.vector_load %arg6[%get3A_146, %get3A_147] {strides = array<i32>} : memref<2x16384xi32, #tpu.memory_space<vmem>>, vector<16xi32>,
      %add3A_149 = arith.constant 16 : i32
      %add3A_150 = arith.addi %mul3A_142, %add3A_149 : i32
      %get3A_151 = arith.constant 1 : i32
      %get3A_152 = arith.index_cast %get3A_151 : i32 to index
      %get3A_153 = arith.index_cast %add3A_150 : i32 to index
      %get3A_154 = tpu.vector_load %arg6[%get3A_152, %get3A_153] {strides = array<i32>} : memref<2x16384xi32, #tpu.memory_space<vmem>>, vector<16xi32>,
      %add3A_155 = arith.constant 32 : i32
      %add3A_156 = arith.addi %mul3A_142, %add3A_155 : i32
      %get3A_157 = arith.constant 1 : i32
      %get3A_158 = arith.index_cast %get3A_157 : i32 to index
      %get3A_159 = arith.index_cast %add3A_156 : i32 to index
      %get3A_160 = tpu.vector_load %arg6[%get3A_158, %get3A_159] {strides = array<i32>} : memref<2x16384xi32, #tpu.memory_space<vmem>>, vector<16xi32>,
      %add3A_161 = arith.constant 48 : i32
      %add3A_162 = arith.addi %mul3A_142, %add3A_161 : i32
      %get3A_163 = arith.constant 1 : i32
      %get3A_164 = arith.index_cast %get3A_163 : i32 to index
      %get3A_165 = arith.index_cast %add3A_162 : i32 to index
      %get3A_166 = tpu.vector_load %arg6[%get3A_164, %get3A_165] {strides = array<i32>} : memref<2x16384xi32, #tpu.memory_space<vmem>>, vector<16xi32>,
      %add3A_167 = arith.constant 64 : i32
      %add3A_168 = arith.addi %mul3A_142, %add3A_167 : i32
      %get3A_169 = arith.constant 1 : i32
      %get3A_170 = arith.index_cast %get3A_169 : i32 to index
      %get3A_171 = arith.index_cast %add3A_168 : i32 to index
      %get3A_172 = tpu.vector_load %arg6[%get3A_170, %get3A_171] {strides = array<i32>} : memref<2x16384xi32, #tpu.memory_space<vmem>>, vector<16xi32>,
      %add3A_173 = arith.constant 80 : i32
      %add3A_174 = arith.addi %mul3A_142, %add3A_173 : i32
      %get3A_175 = arith.constant 1 : i32
      %get3A_176 = arith.index_cast %get3A_175 : i32 to index
      %get3A_177 = arith.index_cast %add3A_174 : i32 to index
      %get3A_178 = tpu.vector_load %arg6[%get3A_176, %get3A_177] {strides = array<i32>} : memref<2x16384xi32, #tpu.memory_space<vmem>>, vector<16xi32>,
      %add3A_179 = arith.constant 96 : i32
      %add3A_180 = arith.addi %mul3A_142, %add3A_179 : i32
      %get3A_181 = arith.constant 1 : i32
      %get3A_182 = arith.index_cast %get3A_181 : i32 to index
      %get3A_183 = arith.index_cast %add3A_180 : i32 to index
      %get3A_184 = tpu.vector_load %arg6[%get3A_182, %get3A_183] {strides = array<i32>} : memref<2x16384xi32, #tpu.memory_space<vmem>>, vector<16xi32>,
      %add3A_185 = arith.constant 112 : i32
      %add3A_186 = arith.addi %mul3A_142, %add3A_185 : i32
      %get3A_187 = arith.constant 1 : i32
      %get3A_188 = arith.index_cast %get3A_187 : i32 to index
      %get3A_189 = arith.index_cast %add3A_186 : i32 to index
      %get3A_190 = tpu.vector_load %arg6[%get3A_188, %get3A_189] {strides = array<i32>} : memref<2x16384xi32, #tpu.memory_space<vmem>>, vector<16xi32>,
      %add3A_191 = arith.constant 128 : i32
      %add3A_192 = arith.addi %mul3A_142, %add3A_191 : i32
      %get3A_193 = arith.constant 1 : i32
      %get3A_194 = arith.index_cast %get3A_193 : i32 to index
      %get3A_195 = arith.index_cast %add3A_192 : i32 to index
      %get3A_196 = tpu.vector_load %arg6[%get3A_194, %get3A_195] {strides = array<i32>} : memref<2x16384xi32, #tpu.memory_space<vmem>>, vector<16xi32>,
      %add3A_197 = arith.constant 144 : i32
      %add3A_198 = arith.addi %mul3A_142, %add3A_197 : i32
      %get3A_199 = arith.constant 1 : i32
      %get3A_200 = arith.index_cast %get3A_199 : i32 to index
      %get3A_201 = arith.index_cast %add3A_198 : i32 to index
      %get3A_202 = tpu.vector_load %arg6[%get3A_200, %get3A_201] {strides = array<i32>} : memref<2x16384xi32, #tpu.memory_space<vmem>>, vector<16xi32>,
      %add3A_203 = arith.constant 160 : i32
      %add3A_204 = arith.addi %mul3A_142, %add3A_203 : i32
      %get3A_205 = arith.constant 1 : i32
      %get3A_206 = arith.index_cast %get3A_205 : i32 to index
      %get3A_207 = arith.index_cast %add3A_204 : i32 to index
      %get3A_208 = tpu.vector_load %arg6[%get3A_206, %get3A_207] {strides = array<i32>} : memref<2x16384xi32, #tpu.memory_space<vmem>>, vector<16xi32>,
      %add3A_209 = arith.constant 176 : i32
      %add3A_210 = arith.addi %mul3A_142, %add3A_209 : i32
      %get3A_211 = arith.constant 1 : i32
      %get3A_212 = arith.index_cast %get3A_211 : i32 to index
      %get3A_213 = arith.index_cast %add3A_210 : i32 to index
      %get3A_214 = tpu.vector_load %arg6[%get3A_212, %get3A_213] {strides = array<i32>} : memref<2x16384xi32, #tpu.memory_space<vmem>>, vector<16xi32>,
      %add3A_215 = arith.constant 192 : i32
      %add3A_216 = arith.addi %mul3A_142, %add3A_215 : i32
      %get3A_217 = arith.constant 1 : i32
      %get3A_218 = arith.index_cast %get3A_217 : i32 to index
      %get3A_219 = arith.index_cast %add3A_216 : i32 to index
      %get3A_220 = tpu.vector_load %arg6[%get3A_218, %get3A_219] {strides = array<i32>} : memref<2x16384xi32, #tpu.memory_space<vmem>>, vector<16xi32>,
      %add3A_221 = arith.constant 208 : i32
      %add3A_222 = arith.addi %mul3A_142, %add3A_221 : i32
      %get3A_223 = arith.constant 1 : i32
      %get3A_224 = arith.index_cast %get3A_223 : i32 to index
      %get3A_225 = arith.index_cast %add3A_222 : i32 to index
      %get3A_226 = tpu.vector_load %arg6[%get3A_224, %get3A_225] {strides = array<i32>} : memref<2x16384xi32, #tpu.memory_space<vmem>>, vector<16xi32>,
      %add3A_227 = arith.constant 224 : i32
      %add3A_228 = arith.addi %mul3A_142, %add3A_227 : i32
      %get3A_229 = arith.constant 1 : i32
      %get3A_230 = arith.index_cast %get3A_229 : i32 to index
      %get3A_231 = arith.index_cast %add3A_228 : i32 to index
      %get3A_232 = tpu.vector_load %arg6[%get3A_230, %get3A_231] {strides = array<i32>} : memref<2x16384xi32, #tpu.memory_space<vmem>>, vector<16xi32>,
      %add3A_233 = arith.constant 240 : i32
      %add3A_234 = arith.addi %mul3A_142, %add3A_233 : i32
      %get3A_235 = arith.constant 1 : i32
      %get3A_236 = arith.index_cast %get3A_235 : i32 to index
      %get3A_237 = arith.index_cast %add3A_234 : i32 to index
      %get3A_238 = tpu.vector_load %arg6[%get3A_236, %get3A_237] {strides = array<i32>} : memref<2x16384xi32, #tpu.memory_space<vmem>>, vector<16xi32>,
      %shift_right_logical3A = arith.constant 23 : i32
      %shift_right_logical3A_239 = vector.broadcast %shift_right_logical3A : i32 to vector<16xi32>
      %shift_right_logical3A_240 = arith.shrui %get3A_148, %shift_right_logical3A_239 : vector<16xi32>
      %shift_right_logical3A_241 = arith.constant 23 : i32
      %shift_right_logical3A_242 = vector.broadcast %shift_right_logical3A_241 : i32 to vector<16xi32>
      %shift_right_logical3A_243 = arith.shrui %get3A_154, %shift_right_logical3A_242 : vector<16xi32>
      %shift_right_logical3A_244 = arith.constant 23 : i32
      %shift_right_logical3A_245 = vector.broadcast %shift_right_logical3A_244 : i32 to vector<16xi32>
      %shift_right_logical3A_246 = arith.shrui %get3A_160, %shift_right_logical3A_245 : vector<16xi32>
      %shift_right_logical3A_247 = arith.constant 23 : i32
      %shift_right_logical3A_248 = vector.broadcast %shift_right_logical3A_247 : i32 to vector<16xi32>
      %shift_right_logical3A_249 = arith.shrui %get3A_166, %shift_right_logical3A_248 : vector<16xi32>
      %shift_right_logical3A_250 = arith.constant 23 : i32
      %shift_right_logical3A_251 = vector.broadcast %shift_right_logical3A_250 : i32 to vector<16xi32>
      %shift_right_logical3A_252 = arith.shrui %get3A_172, %shift_right_logical3A_251 : vector<16xi32>
      %shift_right_logical3A_253 = arith.constant 23 : i32
      %shift_right_logical3A_254 = vector.broadcast %shift_right_logical3A_253 : i32 to vector<16xi32>
      %shift_right_logical3A_255 = arith.shrui %get3A_178, %shift_right_logical3A_254 : vector<16xi32>
      %shift_right_logical3A_256 = arith.constant 23 : i32
      %shift_right_logical3A_257 = vector.broadcast %shift_right_logical3A_256 : i32 to vector<16xi32>
      %shift_right_logical3A_258 = arith.shrui %get3A_184, %shift_right_logical3A_257 : vector<16xi32>
      %shift_right_logical3A_259 = arith.constant 23 : i32
      %shift_right_logical3A_260 = vector.broadcast %shift_right_logical3A_259 : i32 to vector<16xi32>
      %shift_right_logical3A_261 = arith.shrui %get3A_190, %shift_right_logical3A_260 : vector<16xi32>
      %shift_right_logical3A_262 = arith.constant 23 : i32
      %shift_right_logical3A_263 = vector.broadcast %shift_right_logical3A_262 : i32 to vector<16xi32>
      %shift_right_logical3A_264 = arith.shrui %get3A_196, %shift_right_logical3A_263 : vector<16xi32>
      %shift_right_arithmetic3A = arith.constant 24 : i32
      %shift_right_arithmetic3A_265 = vector.broadcast %shift_right_arithmetic3A : i32 to vector<16xi32>
      %shift_right_arithmetic3A_266 = arith.shrsi %get3A_202, %shift_right_arithmetic3A_265 : vector<16xi32>
      %sub3A = arith.constant 62 : i32
      %sub3A_267 = vector.broadcast %sub3A : i32 to vector<16xi32>
      %sub3A_268 = arith.subi %shift_right_arithmetic3A_266, %sub3A_267 : vector<16xi32>
      %max3A = arith.constant 0 : i32
      %max3A_269 = vector.broadcast %max3A : i32 to vector<16xi32>
      %max3A_270 = arith.maxsi %sub3A_268, %max3A_269 : vector<16xi32>
      %min3A_271 = arith.constant 15 : i32
      %min3A_272 = vector.broadcast %min3A_271 : i32 to vector<16xi32>
      %min3A_273 = arith.minsi %max3A_270, %min3A_272 : vector<16xi32>
      %shift_right_arithmetic3A_274 = arith.constant 24 : i32
      %shift_right_arithmetic3A_275 = vector.broadcast %shift_right_arithmetic3A_274 : i32 to vector<16xi32>
      %shift_right_arithmetic3A_276 = arith.shrsi %get3A_208, %shift_right_arithmetic3A_275 : vector<16xi32>
      %sub3A_277 = arith.constant 62 : i32
      %sub3A_278 = vector.broadcast %sub3A_277 : i32 to vector<16xi32>
      %sub3A_279 = arith.subi %shift_right_arithmetic3A_276, %sub3A_278 : vector<16xi32>
      %max3A_280 = arith.constant 0 : i32
      %max3A_281 = vector.broadcast %max3A_280 : i32 to vector<16xi32>
      %max3A_282 = arith.maxsi %sub3A_279, %max3A_281 : vector<16xi32>
      %min3A_283 = arith.constant 15 : i32
      %min3A_284 = vector.broadcast %min3A_283 : i32 to vector<16xi32>
      %min3A_285 = arith.minsi %max3A_282, %min3A_284 : vector<16xi32>
      %shift_right_arithmetic3A_286 = arith.constant 24 : i32
      %shift_right_arithmetic3A_287 = vector.broadcast %shift_right_arithmetic3A_286 : i32 to vector<16xi32>
      %shift_right_arithmetic3A_288 = arith.shrsi %get3A_214, %shift_right_arithmetic3A_287 : vector<16xi32>
      %sub3A_289 = arith.constant 62 : i32
      %sub3A_290 = vector.broadcast %sub3A_289 : i32 to vector<16xi32>
      %sub3A_291 = arith.subi %shift_right_arithmetic3A_288, %sub3A_290 : vector<16xi32>
      %max3A_292 = arith.constant 0 : i32
      %max3A_293 = vector.broadcast %max3A_292 : i32 to vector<16xi32>
      %max3A_294 = arith.maxsi %sub3A_291, %max3A_293 : vector<16xi32>
      %min3A_295 = arith.constant 15 : i32
      %min3A_296 = vector.broadcast %min3A_295 : i32 to vector<16xi32>
      %min3A_297 = arith.minsi %max3A_294, %min3A_296 : vector<16xi32>
      %shift_right_arithmetic3A_298 = arith.constant 24 : i32
      %shift_right_arithmetic3A_299 = vector.broadcast %shift_right_arithmetic3A_298 : i32 to vector<16xi32>
      %shift_right_arithmetic3A_300 = arith.shrsi %get3A_220, %shift_right_arithmetic3A_299 : vector<16xi32>
      %sub3A_301 = arith.constant 62 : i32
      %sub3A_302 = vector.broadcast %sub3A_301 : i32 to vector<16xi32>
      %sub3A_303 = arith.subi %shift_right_arithmetic3A_300, %sub3A_302 : vector<16xi32>
      %max3A_304 = arith.constant 0 : i32
      %max3A_305 = vector.broadcast %max3A_304 : i32 to vector<16xi32>
      %max3A_306 = arith.maxsi %sub3A_303, %max3A_305 : vector<16xi32>
      %min3A_307 = arith.constant 15 : i32
      %min3A_308 = vector.broadcast %min3A_307 : i32 to vector<16xi32>
      %min3A_309 = arith.minsi %max3A_306, %min3A_308 : vector<16xi32>
      %shift_right_arithmetic3A_310 = arith.constant 24 : i32
      %shift_right_arithmetic3A_311 = vector.broadcast %shift_right_arithmetic3A_310 : i32 to vector<16xi32>
      %shift_right_arithmetic3A_312 = arith.shrsi %get3A_226, %shift_right_arithmetic3A_311 : vector<16xi32>
      %sub3A_313 = arith.constant 62 : i32
      %sub3A_314 = vector.broadcast %sub3A_313 : i32 to vector<16xi32>
      %sub3A_315 = arith.subi %shift_right_arithmetic3A_312, %sub3A_314 : vector<16xi32>
      %max3A_316 = arith.constant 0 : i32
      %max3A_317 = vector.broadcast %max3A_316 : i32 to vector<16xi32>
      %max3A_318 = arith.maxsi %sub3A_315, %max3A_317 : vector<16xi32>
      %min3A_319 = arith.constant 15 : i32
      %min3A_320 = vector.broadcast %min3A_319 : i32 to vector<16xi32>
      %min3A_321 = arith.minsi %max3A_318, %min3A_320 : vector<16xi32>
      %shift_right_arithmetic3A_322 = arith.constant 24 : i32
      %shift_right_arithmetic3A_323 = vector.broadcast %shift_right_arithmetic3A_322 : i32 to vector<16xi32>
      %shift_right_arithmetic3A_324 = arith.shrsi %get3A_232, %shift_right_arithmetic3A_323 : vector<16xi32>
      %sub3A_325 = arith.constant 62 : i32
      %sub3A_326 = vector.broadcast %sub3A_325 : i32 to vector<16xi32>
      %sub3A_327 = arith.subi %shift_right_arithmetic3A_324, %sub3A_326 : vector<16xi32>
      %max3A_328 = arith.constant 0 : i32
      %max3A_329 = vector.broadcast %max3A_328 : i32 to vector<16xi32>
      %max3A_330 = arith.maxsi %sub3A_327, %max3A_329 : vector<16xi32>
      %min3A_331 = arith.constant 15 : i32
      %min3A_332 = vector.broadcast %min3A_331 : i32 to vector<16xi32>
      %min3A_333 = arith.minsi %max3A_330, %min3A_332 : vector<16xi32>
      %shift_right_arithmetic3A_334 = arith.constant 24 : i32
      %shift_right_arithmetic3A_335 = vector.broadcast %shift_right_arithmetic3A_334 : i32 to vector<16xi32>
      %shift_right_arithmetic3A_336 = arith.shrsi %get3A_238, %shift_right_arithmetic3A_335 : vector<16xi32>
      %sub3A_337 = arith.constant 62 : i32
      %sub3A_338 = vector.broadcast %sub3A_337 : i32 to vector<16xi32>
      %sub3A_339 = arith.subi %shift_right_arithmetic3A_336, %sub3A_338 : vector<16xi32>
      %max3A_340 = arith.constant 0 : i32
      %max3A_341 = vector.broadcast %max3A_340 : i32 to vector<16xi32>
      %max3A_342 = arith.maxsi %sub3A_339, %max3A_341 : vector<16xi32>
      %min3A_343 = arith.constant 15 : i32
      %min3A_344 = vector.broadcast %min3A_343 : i32 to vector<16xi32>
      %min3A_345 = arith.minsi %max3A_342, %min3A_344 : vector<16xi32>
      %gather3A = tpu.vector_load_idx %arg5[%shift_right_logical3A_240] : memref<528xi32, #tpu.memory_space<vmem>>[vector<16xi32>], vector<16xi32>,
      %gather3A_346 = tpu.vector_load_idx %arg5[%shift_right_logical3A_243] : memref<528xi32, #tpu.memory_space<vmem>>[vector<16xi32>], vector<16xi32>,
      %gather3A_347 = tpu.vector_load_idx %arg5[%shift_right_logical3A_246] : memref<528xi32, #tpu.memory_space<vmem>>[vector<16xi32>], vector<16xi32>,
      %gather3A_348 = tpu.vector_load_idx %arg5[%shift_right_logical3A_249] : memref<528xi32, #tpu.memory_space<vmem>>[vector<16xi32>], vector<16xi32>,
      %gather3A_349 = tpu.vector_load_idx %arg5[%shift_right_logical3A_252] : memref<528xi32, #tpu.memory_space<vmem>>[vector<16xi32>], vector<16xi32>,
      %gather3A_350 = tpu.vector_load_idx %arg5[%shift_right_logical3A_255] : memref<528xi32, #tpu.memory_space<vmem>>[vector<16xi32>], vector<16xi32>,
      %gather3A_351 = tpu.vector_load_idx %arg5[%shift_right_logical3A_258] : memref<528xi32, #tpu.memory_space<vmem>>[vector<16xi32>], vector<16xi32>,
      %gather3A_352 = tpu.vector_load_idx %arg5[%shift_right_logical3A_261] : memref<528xi32, #tpu.memory_space<vmem>>[vector<16xi32>], vector<16xi32>,
      %gather3A_353 = tpu.vector_load_idx %arg5[%shift_right_logical3A_264] : memref<528xi32, #tpu.memory_space<vmem>>[vector<16xi32>], vector<16xi32>,
      %broadcast_in_dim3A = vector.shape_cast %min3A_273 : vector<16xi32> to vector<16x1xi32>
      %gather3A_354 = vector.shape_cast %broadcast_in_dim3A : vector<16x1xi32> to vector<16xi32>
      %gather3A_355 = tpu.dynamic_gather %get3A_3[%gather3A_354] in [0] : vector<16xi32>, vector<16xi32> -> vector<16xi32>
      %broadcast_in_dim3A_356 = vector.shape_cast %min3A_285 : vector<16xi32> to vector<16x1xi32>
      %gather3A_357 = vector.shape_cast %broadcast_in_dim3A_356 : vector<16x1xi32> to vector<16xi32>
      %gather3A_358 = tpu.dynamic_gather %get3A_3[%gather3A_357] in [0] : vector<16xi32>, vector<16xi32> -> vector<16xi32>
      %broadcast_in_dim3A_359 = vector.shape_cast %min3A_297 : vector<16xi32> to vector<16x1xi32>
      %gather3A_360 = vector.shape_cast %broadcast_in_dim3A_359 : vector<16x1xi32> to vector<16xi32>
      %gather3A_361 = tpu.dynamic_gather %get3A_3[%gather3A_360] in [0] : vector<16xi32>, vector<16xi32> -> vector<16xi32>
      %broadcast_in_dim3A_362 = vector.shape_cast %min3A_309 : vector<16xi32> to vector<16x1xi32>
      %gather3A_363 = vector.shape_cast %broadcast_in_dim3A_362 : vector<16x1xi32> to vector<16xi32>
      %gather3A_364 = tpu.dynamic_gather %get3A_3[%gather3A_363] in [0] : vector<16xi32>, vector<16xi32> -> vector<16xi32>
      %broadcast_in_dim3A_365 = vector.shape_cast %min3A_321 : vector<16xi32> to vector<16x1xi32>
      %gather3A_366 = vector.shape_cast %broadcast_in_dim3A_365 : vector<16x1xi32> to vector<16xi32>
      %gather3A_367 = tpu.dynamic_gather %get3A_3[%gather3A_366] in [0] : vector<16xi32>, vector<16xi32> -> vector<16xi32>
      %broadcast_in_dim3A_368 = vector.shape_cast %min3A_333 : vector<16xi32> to vector<16x1xi32>
      %gather3A_369 = vector.shape_cast %broadcast_in_dim3A_368 : vector<16x1xi32> to vector<16xi32>
      %gather3A_370 = tpu.dynamic_gather %get3A_3[%gather3A_369] in [0] : vector<16xi32>, vector<16xi32> -> vector<16xi32>
      %broadcast_in_dim3A_371 = vector.shape_cast %min3A_345 : vector<16xi32> to vector<16x1xi32>
      %gather3A_372 = vector.shape_cast %broadcast_in_dim3A_371 : vector<16x1xi32> to vector<16xi32>
      %gather3A_373 = tpu.dynamic_gather %get3A_3[%gather3A_372] in [0] : vector<16xi32>, vector<16xi32> -> vector<16xi32>
      %add3A_374 = arith.addi %gather3A, %get3A_148 : vector<16xi32>
      %shift_right_logical3A_375 = arith.constant 24 : i32
      %shift_right_logical3A_376 = vector.broadcast %shift_right_logical3A_375 : i32 to vector<16xi32>
      %shift_right_logical3A_377 = arith.shrui %add3A_374, %shift_right_logical3A_376 : vector<16xi32>
      %add3A_378 = arith.constant 0 : i32
      %add3A_379 = arith.addi %mul3A_142, %add3A_378 : i32
      %swap3A = arith.constant 1 : i32
      %swap3A_380 = arith.index_cast %swap3A : i32 to index
      %swap3A_381 = arith.index_cast %add3A_379 : i32 to index
      %swap3A_382 = tpu.vector_load %arg7[%swap3A_380, %swap3A_381] {strides = array<i32>} : memref<2x16384xi32, #tpu.memory_space<vmem>>, vector<16xi32>,
      tpu.vector_store %arg7[%swap3A_380, %swap3A_381], %shift_right_logical3A_377 {strides = array<i32>} : memref<2x16384xi32, #tpu.memory_space<vmem>>, vector<16xi32>,
      %add3A_383 = arith.addi %gather3A_346, %get3A_154 : vector<16xi32>
      %shift_right_logical3A_384 = arith.constant 24 : i32
      %shift_right_logical3A_385 = vector.broadcast %shift_right_logical3A_384 : i32 to vector<16xi32>
      %shift_right_logical3A_386 = arith.shrui %add3A_383, %shift_right_logical3A_385 : vector<16xi32>
      %add3A_387 = arith.constant 16 : i32
      %add3A_388 = arith.addi %mul3A_142, %add3A_387 : i32
      %swap3A_389 = arith.constant 1 : i32
      %swap3A_390 = arith.index_cast %swap3A_389 : i32 to index
      %swap3A_391 = arith.index_cast %add3A_388 : i32 to index
      %swap3A_392 = tpu.vector_load %arg7[%swap3A_390, %swap3A_391] {strides = array<i32>} : memref<2x16384xi32, #tpu.memory_space<vmem>>, vector<16xi32>,
      tpu.vector_store %arg7[%swap3A_390, %swap3A_391], %shift_right_logical3A_386 {strides = array<i32>} : memref<2x16384xi32, #tpu.memory_space<vmem>>, vector<16xi32>,
      %add3A_393 = arith.addi %gather3A_347, %get3A_160 : vector<16xi32>
      %shift_right_logical3A_394 = arith.constant 24 : i32
      %shift_right_logical3A_395 = vector.broadcast %shift_right_logical3A_394 : i32 to vector<16xi32>
      %shift_right_logical3A_396 = arith.shrui %add3A_393, %shift_right_logical3A_395 : vector<16xi32>
      %add3A_397 = arith.constant 32 : i32
      %add3A_398 = arith.addi %mul3A_142, %add3A_397 : i32
      %swap3A_399 = arith.constant 1 : i32
      %swap3A_400 = arith.index_cast %swap3A_399 : i32 to index
      %swap3A_401 = arith.index_cast %add3A_398 : i32 to index
      %swap3A_402 = tpu.vector_load %arg7[%swap3A_400, %swap3A_401] {strides = array<i32>} : memref<2x16384xi32, #tpu.memory_space<vmem>>, vector<16xi32>,
      tpu.vector_store %arg7[%swap3A_400, %swap3A_401], %shift_right_logical3A_396 {strides = array<i32>} : memref<2x16384xi32, #tpu.memory_space<vmem>>, vector<16xi32>,
      %add3A_403 = arith.addi %gather3A_348, %get3A_166 : vector<16xi32>
      %shift_right_logical3A_404 = arith.constant 24 : i32
      %shift_right_logical3A_405 = vector.broadcast %shift_right_logical3A_404 : i32 to vector<16xi32>
      %shift_right_logical3A_406 = arith.shrui %add3A_403, %shift_right_logical3A_405 : vector<16xi32>
      %add3A_407 = arith.constant 48 : i32
      %add3A_408 = arith.addi %mul3A_142, %add3A_407 : i32
      %swap3A_409 = arith.constant 1 : i32
      %swap3A_410 = arith.index_cast %swap3A_409 : i32 to index
      %swap3A_411 = arith.index_cast %add3A_408 : i32 to index
      %swap3A_412 = tpu.vector_load %arg7[%swap3A_410, %swap3A_411] {strides = array<i32>} : memref<2x16384xi32, #tpu.memory_space<vmem>>, vector<16xi32>,
      tpu.vector_store %arg7[%swap3A_410, %swap3A_411], %shift_right_logical3A_406 {strides = array<i32>} : memref<2x16384xi32, #tpu.memory_space<vmem>>, vector<16xi32>,
      %add3A_413 = arith.addi %gather3A_349, %get3A_172 : vector<16xi32>
      %shift_right_logical3A_414 = arith.constant 24 : i32
      %shift_right_logical3A_415 = vector.broadcast %shift_right_logical3A_414 : i32 to vector<16xi32>
      %shift_right_logical3A_416 = arith.shrui %add3A_413, %shift_right_logical3A_415 : vector<16xi32>
      %add3A_417 = arith.constant 64 : i32
      %add3A_418 = arith.addi %mul3A_142, %add3A_417 : i32
      %swap3A_419 = arith.constant 1 : i32
      %swap3A_420 = arith.index_cast %swap3A_419 : i32 to index
      %swap3A_421 = arith.index_cast %add3A_418 : i32 to index
      %swap3A_422 = tpu.vector_load %arg7[%swap3A_420, %swap3A_421] {strides = array<i32>} : memref<2x16384xi32, #tpu.memory_space<vmem>>, vector<16xi32>,
      tpu.vector_store %arg7[%swap3A_420, %swap3A_421], %shift_right_logical3A_416 {strides = array<i32>} : memref<2x16384xi32, #tpu.memory_space<vmem>>, vector<16xi32>,
      %add3A_423 = arith.addi %gather3A_350, %get3A_178 : vector<16xi32>
      %shift_right_logical3A_424 = arith.constant 24 : i32
      %shift_right_logical3A_425 = vector.broadcast %shift_right_logical3A_424 : i32 to vector<16xi32>
      %shift_right_logical3A_426 = arith.shrui %add3A_423, %shift_right_logical3A_425 : vector<16xi32>
      %add3A_427 = arith.constant 80 : i32
      %add3A_428 = arith.addi %mul3A_142, %add3A_427 : i32
      %swap3A_429 = arith.constant 1 : i32
      %swap3A_430 = arith.index_cast %swap3A_429 : i32 to index
      %swap3A_431 = arith.index_cast %add3A_428 : i32 to index
      %swap3A_432 = tpu.vector_load %arg7[%swap3A_430, %swap3A_431] {strides = array<i32>} : memref<2x16384xi32, #tpu.memory_space<vmem>>, vector<16xi32>,
      tpu.vector_store %arg7[%swap3A_430, %swap3A_431], %shift_right_logical3A_426 {strides = array<i32>} : memref<2x16384xi32, #tpu.memory_space<vmem>>, vector<16xi32>,
      %add3A_433 = arith.addi %gather3A_351, %get3A_184 : vector<16xi32>
      %shift_right_logical3A_434 = arith.constant 24 : i32
      %shift_right_logical3A_435 = vector.broadcast %shift_right_logical3A_434 : i32 to vector<16xi32>
      %shift_right_logical3A_436 = arith.shrui %add3A_433, %shift_right_logical3A_435 : vector<16xi32>
      %add3A_437 = arith.constant 96 : i32
      %add3A_438 = arith.addi %mul3A_142, %add3A_437 : i32
      %swap3A_439 = arith.constant 1 : i32
      %swap3A_440 = arith.index_cast %swap3A_439 : i32 to index
      %swap3A_441 = arith.index_cast %add3A_438 : i32 to index
      %swap3A_442 = tpu.vector_load %arg7[%swap3A_440, %swap3A_441] {strides = array<i32>} : memref<2x16384xi32, #tpu.memory_space<vmem>>, vector<16xi32>,
      tpu.vector_store %arg7[%swap3A_440, %swap3A_441], %shift_right_logical3A_436 {strides = array<i32>} : memref<2x16384xi32, #tpu.memory_space<vmem>>, vector<16xi32>,
      %add3A_443 = arith.addi %gather3A_352, %get3A_190 : vector<16xi32>
      %shift_right_logical3A_444 = arith.constant 24 : i32
      %shift_right_logical3A_445 = vector.broadcast %shift_right_logical3A_444 : i32 to vector<16xi32>
      %shift_right_logical3A_446 = arith.shrui %add3A_443, %shift_right_logical3A_445 : vector<16xi32>
      %add3A_447 = arith.constant 112 : i32
      %add3A_448 = arith.addi %mul3A_142, %add3A_447 : i32
      %swap3A_449 = arith.constant 1 : i32
      %swap3A_450 = arith.index_cast %swap3A_449 : i32 to index
      %swap3A_451 = arith.index_cast %add3A_448 : i32 to index
      %swap3A_452 = tpu.vector_load %arg7[%swap3A_450, %swap3A_451] {strides = array<i32>} : memref<2x16384xi32, #tpu.memory_space<vmem>>, vector<16xi32>,
      tpu.vector_store %arg7[%swap3A_450, %swap3A_451], %shift_right_logical3A_446 {strides = array<i32>} : memref<2x16384xi32, #tpu.memory_space<vmem>>, vector<16xi32>,
      %add3A_453 = arith.addi %gather3A_353, %get3A_196 : vector<16xi32>
      %shift_right_logical3A_454 = arith.constant 24 : i32
      %shift_right_logical3A_455 = vector.broadcast %shift_right_logical3A_454 : i32 to vector<16xi32>
      %shift_right_logical3A_456 = arith.shrui %add3A_453, %shift_right_logical3A_455 : vector<16xi32>
      %add3A_457 = arith.constant 128 : i32
      %add3A_458 = arith.addi %mul3A_142, %add3A_457 : i32
      %swap3A_459 = arith.constant 1 : i32
      %swap3A_460 = arith.index_cast %swap3A_459 : i32 to index
      %swap3A_461 = arith.index_cast %add3A_458 : i32 to index
      %swap3A_462 = tpu.vector_load %arg7[%swap3A_460, %swap3A_461] {strides = array<i32>} : memref<2x16384xi32, #tpu.memory_space<vmem>>, vector<16xi32>,
      tpu.vector_store %arg7[%swap3A_460, %swap3A_461], %shift_right_logical3A_456 {strides = array<i32>} : memref<2x16384xi32, #tpu.memory_space<vmem>>, vector<16xi32>,
      %and3A = arith.constant 16777215 : i32
      %and3A_463 = vector.broadcast %and3A : i32 to vector<16xi32>
      %and3A_464 = arith.andi %get3A_202, %and3A_463 : vector<16xi32>
      %add3A_465 = arith.addi %gather3A_355, %and3A_464 : vector<16xi32>
      %shift_right_logical3A_466 = arith.constant 24 : i32
      %shift_right_logical3A_467 = vector.broadcast %shift_right_logical3A_466 : i32 to vector<16xi32>
      %shift_right_logical3A_468 = arith.shrui %add3A_465, %shift_right_logical3A_467 : vector<16xi32>
      %add3A_469 = arith.constant 144 : i32
      %add3A_470 = arith.addi %mul3A_142, %add3A_469 : i32
      %swap3A_471 = arith.constant 1 : i32
      %swap3A_472 = arith.index_cast %swap3A_471 : i32 to index
      %swap3A_473 = arith.index_cast %add3A_470 : i32 to index
      %swap3A_474 = tpu.vector_load %arg7[%swap3A_472, %swap3A_473] {strides = array<i32>} : memref<2x16384xi32, #tpu.memory_space<vmem>>, vector<16xi32>,
      tpu.vector_store %arg7[%swap3A_472, %swap3A_473], %shift_right_logical3A_468 {strides = array<i32>} : memref<2x16384xi32, #tpu.memory_space<vmem>>, vector<16xi32>,
      %and3A_475 = arith.constant 16777215 : i32
      %and3A_476 = vector.broadcast %and3A_475 : i32 to vector<16xi32>
      %and3A_477 = arith.andi %get3A_208, %and3A_476 : vector<16xi32>
      %add3A_478 = arith.addi %gather3A_358, %and3A_477 : vector<16xi32>
      %shift_right_logical3A_479 = arith.constant 24 : i32
      %shift_right_logical3A_480 = vector.broadcast %shift_right_logical3A_479 : i32 to vector<16xi32>
      %shift_right_logical3A_481 = arith.shrui %add3A_478, %shift_right_logical3A_480 : vector<16xi32>
      %add3A_482 = arith.constant 160 : i32
      %add3A_483 = arith.addi %mul3A_142, %add3A_482 : i32
      %swap3A_484 = arith.constant 1 : i32
      %swap3A_485 = arith.index_cast %swap3A_484 : i32 to index
      %swap3A_486 = arith.index_cast %add3A_483 : i32 to index
      %swap3A_487 = tpu.vector_load %arg7[%swap3A_485, %swap3A_486] {strides = array<i32>} : memref<2x16384xi32, #tpu.memory_space<vmem>>, vector<16xi32>,
      tpu.vector_store %arg7[%swap3A_485, %swap3A_486], %shift_right_logical3A_481 {strides = array<i32>} : memref<2x16384xi32, #tpu.memory_space<vmem>>, vector<16xi32>,
      %and3A_488 = arith.constant 16777215 : i32
      %and3A_489 = vector.broadcast %and3A_488 : i32 to vector<16xi32>
      %and3A_490 = arith.andi %get3A_214, %and3A_489 : vector<16xi32>
      %add3A_491 = arith.addi %gather3A_361, %and3A_490 : vector<16xi32>
      %shift_right_logical3A_492 = arith.constant 24 : i32
      %shift_right_logical3A_493 = vector.broadcast %shift_right_logical3A_492 : i32 to vector<16xi32>
      %shift_right_logical3A_494 = arith.shrui %add3A_491, %shift_right_logical3A_493 : vector<16xi32>
      %add3A_495 = arith.constant 176 : i32
      %add3A_496 = arith.addi %mul3A_142, %add3A_495 : i32
      %swap3A_497 = arith.constant 1 : i32
      %swap3A_498 = arith.index_cast %swap3A_497 : i32 to index
      %swap3A_499 = arith.index_cast %add3A_496 : i32 to index
      %swap3A_500 = tpu.vector_load %arg7[%swap3A_498, %swap3A_499] {strides = array<i32>} : memref<2x16384xi32, #tpu.memory_space<vmem>>, vector<16xi32>,
      tpu.vector_store %arg7[%swap3A_498, %swap3A_499], %shift_right_logical3A_494 {strides = array<i32>} : memref<2x16384xi32, #tpu.memory_space<vmem>>, vector<16xi32>,
      %and3A_501 = arith.constant 16777215 : i32
      %and3A_502 = vector.broadcast %and3A_501 : i32 to vector<16xi32>
      %and3A_503 = arith.andi %get3A_220, %and3A_502 : vector<16xi32>
      %add3A_504 = arith.addi %gather3A_364, %and3A_503 : vector<16xi32>
      %shift_right_logical3A_505 = arith.constant 24 : i32
      %shift_right_logical3A_506 = vector.broadcast %shift_right_logical3A_505 : i32 to vector<16xi32>
      %shift_right_logical3A_507 = arith.shrui %add3A_504, %shift_right_logical3A_506 : vector<16xi32>
      %add3A_508 = arith.constant 192 : i32
      %add3A_509 = arith.addi %mul3A_142, %add3A_508 : i32
      %swap3A_510 = arith.constant 1 : i32
      %swap3A_511 = arith.index_cast %swap3A_510 : i32 to index
      %swap3A_512 = arith.index_cast %add3A_509 : i32 to index
      %swap3A_513 = tpu.vector_load %arg7[%swap3A_511, %swap3A_512] {strides = array<i32>} : memref<2x16384xi32, #tpu.memory_space<vmem>>, vector<16xi32>,
      tpu.vector_store %arg7[%swap3A_511, %swap3A_512], %shift_right_logical3A_507 {strides = array<i32>} : memref<2x16384xi32, #tpu.memory_space<vmem>>, vector<16xi32>,
      %and3A_514 = arith.constant 16777215 : i32
      %and3A_515 = vector.broadcast %and3A_514 : i32 to vector<16xi32>
      %and3A_516 = arith.andi %get3A_226, %and3A_515 : vector<16xi32>
      %add3A_517 = arith.addi %gather3A_367, %and3A_516 : vector<16xi32>
      %shift_right_logical3A_518 = arith.constant 24 : i32
      %shift_right_logical3A_519 = vector.broadcast %shift_right_logical3A_518 : i32 to vector<16xi32>
      %shift_right_logical3A_520 = arith.shrui %add3A_517, %shift_right_logical3A_519 : vector<16xi32>
      %add3A_521 = arith.constant 208 : i32
      %add3A_522 = arith.addi %mul3A_142, %add3A_521 : i32
      %swap3A_523 = arith.constant 1 : i32
      %swap3A_524 = arith.index_cast %swap3A_523 : i32 to index
      %swap3A_525 = arith.index_cast %add3A_522 : i32 to index
      %swap3A_526 = tpu.vector_load %arg7[%swap3A_524, %swap3A_525] {strides = array<i32>} : memref<2x16384xi32, #tpu.memory_space<vmem>>, vector<16xi32>,
      tpu.vector_store %arg7[%swap3A_524, %swap3A_525], %shift_right_logical3A_520 {strides = array<i32>} : memref<2x16384xi32, #tpu.memory_space<vmem>>, vector<16xi32>,
      %and3A_527 = arith.constant 16777215 : i32
      %and3A_528 = vector.broadcast %and3A_527 : i32 to vector<16xi32>
      %and3A_529 = arith.andi %get3A_232, %and3A_528 : vector<16xi32>
      %add3A_530 = arith.addi %gather3A_370, %and3A_529 : vector<16xi32>
      %shift_right_logical3A_531 = arith.constant 24 : i32
      %shift_right_logical3A_532 = vector.broadcast %shift_right_logical3A_531 : i32 to vector<16xi32>
      %shift_right_logical3A_533 = arith.shrui %add3A_530, %shift_right_logical3A_532 : vector<16xi32>
      %add3A_534 = arith.constant 224 : i32
      %add3A_535 = arith.addi %mul3A_142, %add3A_534 : i32
      %swap3A_536 = arith.constant 1 : i32
      %swap3A_537 = arith.index_cast %swap3A_536 : i32 to index
      %swap3A_538 = arith.index_cast %add3A_535 : i32 to index
      %swap3A_539 = tpu.vector_load %arg7[%swap3A_537, %swap3A_538] {strides = array<i32>} : memref<2x16384xi32, #tpu.memory_space<vmem>>, vector<16xi32>,
      tpu.vector_store %arg7[%swap3A_537, %swap3A_538], %shift_right_logical3A_533 {strides = array<i32>} : memref<2x16384xi32, #tpu.memory_space<vmem>>, vector<16xi32>,
      %and3A_540 = arith.constant 16777215 : i32
      %and3A_541 = vector.broadcast %and3A_540 : i32 to vector<16xi32>
      %and3A_542 = arith.andi %get3A_238, %and3A_541 : vector<16xi32>
      %add3A_543 = arith.addi %gather3A_373, %and3A_542 : vector<16xi32>
      %shift_right_logical3A_544 = arith.constant 24 : i32
      %shift_right_logical3A_545 = vector.broadcast %shift_right_logical3A_544 : i32 to vector<16xi32>
      %shift_right_logical3A_546 = arith.shrui %add3A_543, %shift_right_logical3A_545 : vector<16xi32>
      %add3A_547 = arith.constant 240 : i32
      %add3A_548 = arith.addi %mul3A_142, %add3A_547 : i32
      %swap3A_549 = arith.constant 1 : i32
      %swap3A_550 = arith.index_cast %swap3A_549 : i32 to index
      %swap3A_551 = arith.index_cast %add3A_548 : i32 to index
      %swap3A_552 = tpu.vector_load %arg7[%swap3A_550, %swap3A_551] {strides = array<i32>} : memref<2x16384xi32, #tpu.memory_space<vmem>>, vector<16xi32>,
      tpu.vector_store %arg7[%swap3A_550, %swap3A_551], %shift_right_logical3A_546 {strides = array<i32>} : memref<2x16384xi32, #tpu.memory_space<vmem>>, vector<16xi32>,
    }
    %scan3A_75 = arith.constant 64 : i32
    %dma_start3A_76 = arith.constant 1 : i32
    %dma_start3A_77 = arith.constant 0 : i32
    %dma_start3A_78 = tpu.memref_slice %arg7[%dma_start3A_76, %dma_start3A_77] : memref<2x16384xi32, #tpu.memory_space<vmem>> -> memref<1x16384xi32, #tpu.memory_space<vmem>>
    %dma_start3A_79 = tpu.memref_squeeze %dma_start3A_78 : memref<1x16384xi32, #tpu.memory_space<vmem>> -> memref<16384xi32, #tpu.memory_space<vmem>>
    %dma_start3A_80 = tpu.memref_slice %arg4[%add3A_60] : memref<16777216xi32, #tpu.memory_space<hbm>> -> memref<16384xi32, #tpu.memory_space<hbm>>
    %dma_start3A_81 = tpu.memref_slice %arg4[%add3A_60] : memref<16777216xi32, #tpu.memory_space<hbm>> -> memref<16384xi32, #tpu.memory_space<hbm>>
    %dma_start3A_82 = arith.constant 0 : i32
    %dma_start3A_83 = tpu.memref_slice %arg7[%dma_start3A_76, %dma_start3A_82] : memref<2x16384xi32, #tpu.memory_space<vmem>> -> memref<1x16384xi32, #tpu.memory_space<vmem>>
    %dma_start3A_84 = tpu.memref_squeeze %dma_start3A_83 : memref<1x16384xi32, #tpu.memory_space<vmem>> -> memref<16384xi32, #tpu.memory_space<vmem>>
    tpu.enqueue_dma source(%dma_start3A_84 : memref<16384xi32, #tpu.memory_space<vmem>>) target(%dma_start3A_81 : memref<16384xi32, #tpu.memory_space<hbm>>) target_semaphore(%arg11 : memref<!tpu.dma_semaphore, #tpu.memory_space<semaphore_mem>>)
    %add3A_85 = arith.constant 32768 : i32
    %add3A_86 = arith.addi %add3A_60, %add3A_85 : i32
    %min3A_87 = arith.constant 16760832 : i32
    %min3A_88 = arith.minsi %add3A_86, %min3A_87 : i32
    %dma_start3A_89 = arith.constant 1 : i32
    %dma_start3A_90 = arith.constant 0 : i32
    %dma_start3A_91 = tpu.memref_slice %arg6[%dma_start3A_89, %dma_start3A_90] : memref<2x16384xi32, #tpu.memory_space<vmem>> -> memref<1x16384xi32, #tpu.memory_space<vmem>>
    %dma_start3A_92 = tpu.memref_squeeze %dma_start3A_91 : memref<1x16384xi32, #tpu.memory_space<vmem>> -> memref<16384xi32, #tpu.memory_space<vmem>>
    %dma_start3A_93 = tpu.memref_slice %arg2[%min3A_88] : memref<16777216xi32, #tpu.memory_space<hbm>> -> memref<16384xi32, #tpu.memory_space<hbm>>
    %dma_start3A_94 = arith.constant 0 : i32
    %dma_start3A_95 = tpu.memref_slice %arg6[%dma_start3A_89, %dma_start3A_94] : memref<2x16384xi32, #tpu.memory_space<vmem>> -> memref<1x16384xi32, #tpu.memory_space<vmem>>
    %dma_start3A_96 = tpu.memref_squeeze %dma_start3A_95 : memref<1x16384xi32, #tpu.memory_space<vmem>> -> memref<16384xi32, #tpu.memory_space<vmem>>
    %dma_start3A_97 = tpu.memref_slice %arg2[%min3A_88] : memref<16777216xi32, #tpu.memory_space<hbm>> -> memref<16384xi32, #tpu.memory_space<hbm>>
    tpu.enqueue_dma source(%dma_start3A_97 : memref<16384xi32, #tpu.memory_space<hbm>>) target(%dma_start3A_96 : memref<16384xi32, #tpu.memory_space<vmem>>) target_semaphore(%arg9 : memref<!tpu.dma_semaphore, #tpu.memory_space<semaphore_mem>>)
    %scan3A_98 = arith.constant 0 : i32
    %scan3A_99 = arith.constant 1 : i32
    %scan3A_100 = arith.constant 15 : i32
    %scan3A_101 = arith.addi %scan3A_99, %scan3A_100 : i32
    %scan3A_102 = arith.constant 1 : i32
    scf.for %scan3A_140 = %scan3A_99 to %scan3A_101 step %scan3A_102  : i32 {
      %mul3A_141 = arith.constant 2 : i32
      %mul3A_142 = arith.muli %mul3A_141, %scan3A_140 : i32
      %add3A_143 = arith.constant 0 : i32
      %add3A_144 = arith.addi %mul3A_142, %add3A_143 : i32
      %mul3A_145 = arith.constant 16384 : i32
      %mul3A_146 = arith.muli %add3A_144, %mul3A_145 : i32
      %add3A_147 = arith.addi %mul3A_2, %mul3A_146 : i32
      %dma_wait3A_148 = arith.constant 0 : i32
      %dma_wait3A_149 = arith.constant 0 : i32
      %dma_wait3A_150 = tpu.memref_slice %arg6[%dma_wait3A_148, %dma_wait3A_149] : memref<2x16384xi32, #tpu.memory_space<vmem>> -> memref<1x16384xi32, #tpu.memory_space<vmem>>
      %dma_wait3A_151 = tpu.memref_squeeze %dma_wait3A_150 : memref<1x16384xi32, #tpu.memory_space<vmem>> -> memref<16384xi32, #tpu.memory_space<vmem>>
      %dma_wait3A_152 = tpu.memref_slice %arg2[%add3A_147] : memref<16777216xi32, #tpu.memory_space<hbm>> -> memref<16384xi32, #tpu.memory_space<hbm>>
      %dma_wait3A_153 = arith.constant 0 : i32
      %dma_wait3A_154 = tpu.memref_slice %arg6[%dma_wait3A_148, %dma_wait3A_153] : memref<2x16384xi32, #tpu.memory_space<vmem>> -> memref<1x16384xi32, #tpu.memory_space<vmem>>
      %dma_wait3A_155 = tpu.memref_squeeze %dma_wait3A_154 : memref<1x16384xi32, #tpu.memory_space<vmem>> -> memref<16384xi32, #tpu.memory_space<vmem>>
      %dma_wait3A_156 = tpu.memref_slice %arg2[%add3A_147] : memref<16777216xi32, #tpu.memory_space<hbm>> -> memref<16384xi32, #tpu.memory_space<hbm>>
      tpu.wait_dma2 semaphore(%arg8 : memref<!tpu.dma_semaphore, #tpu.memory_space<semaphore_mem>>) src(%dma_wait3A_156 : memref<16384xi32, #tpu.memory_space<hbm>>) dst(%dma_wait3A_155 : memref<16384xi32, #tpu.memory_space<vmem>>)
      %dma_wait3A_157 = arith.constant 0 : i32
      %dma_wait3A_158 = arith.constant 0 : i32
      %dma_wait3A_159 = tpu.memref_slice %arg7[%dma_wait3A_157, %dma_wait3A_158] : memref<2x16384xi32, #tpu.memory_space<vmem>> -> memref<1x16384xi32, #tpu.memory_space<vmem>>
      %dma_wait3A_160 = tpu.memref_squeeze %dma_wait3A_159 : memref<1x16384xi32, #tpu.memory_space<vmem>> -> memref<16384xi32, #tpu.memory_space<vmem>>
      %dma_wait3A_161 = tpu.memref_slice %arg4[%add3A_147] : memref<16777216xi32, #tpu.memory_space<hbm>> -> memref<16384xi32, #tpu.memory_space<hbm>>
      %dma_wait3A_162 = tpu.memref_slice %arg4[%add3A_147] : memref<16777216xi32, #tpu.memory_space<hbm>> -> memref<16384xi32, #tpu.memory_space<hbm>>
      %dma_wait3A_163 = arith.constant 0 : i32
      %dma_wait3A_164 = tpu.memref_slice %arg7[%dma_wait3A_157, %dma_wait3A_163] : memref<2x16384xi32, #tpu.memory_space<vmem>> -> memref<1x16384xi32, #tpu.memory_space<vmem>>
      %dma_wait3A_165 = tpu.memref_squeeze %dma_wait3A_164 : memref<1x16384xi32, #tpu.memory_space<vmem>> -> memref<16384xi32, #tpu.memory_space<vmem>>
      tpu.wait_dma2 semaphore(%arg10 : memref<!tpu.dma_semaphore, #tpu.memory_space<semaphore_mem>>) src(%dma_wait3A_165 : memref<16384xi32, #tpu.memory_space<vmem>>) dst(%dma_wait3A_162 : memref<16384xi32, #tpu.memory_space<hbm>>)
      %scan3A_166 = arith.constant 0 : i32
      %scan3A_167 = arith.constant 0 : i32
      %scan3A_168 = arith.constant 64 : i32
      %scan3A_169 = arith.addi %scan3A_167, %scan3A_168 : i32
      %scan3A_170 = arith.constant 1 : i32
      scf.for %scan3A_247 = %scan3A_167 to %scan3A_169 step %scan3A_170  : i32 {
        %mul3A_248 = arith.constant 256 : i32
        %mul3A_249 = arith.muli %scan3A_247, %mul3A_248 : i32
        %add3A_250 = arith.constant 0 : i32
        %add3A_251 = arith.addi %mul3A_249, %add3A_250 : i32
        %get3A_252 = arith.constant 0 : i32
        %get3A_253 = arith.index_cast %get3A_252 : i32 to index
        %get3A_254 = arith.index_cast %add3A_251 : i32 to index
        %get3A_255 = tpu.vector_load %arg6[%get3A_253, %get3A_254] {strides = array<i32>} : memref<2x16384xi32, #tpu.memory_space<vmem>>, vector<16xi32>,
        %add3A_256 = arith.constant 16 : i32
        %add3A_257 = arith.addi %mul3A_249, %add3A_256 : i32
        %get3A_258 = arith.constant 0 : i32
        %get3A_259 = arith.index_cast %get3A_258 : i32 to index
        %get3A_260 = arith.index_cast %add3A_257 : i32 to index
        %get3A_261 = tpu.vector_load %arg6[%get3A_259, %get3A_260] {strides = array<i32>} : memref<2x16384xi32, #tpu.memory_space<vmem>>, vector<16xi32>,
        %add3A_262 = arith.constant 32 : i32
        %add3A_263 = arith.addi %mul3A_249, %add3A_262 : i32
        %get3A_264 = arith.constant 0 : i32
        %get3A_265 = arith.index_cast %get3A_264 : i32 to index
        %get3A_266 = arith.index_cast %add3A_263 : i32 to index
        %get3A_267 = tpu.vector_load %arg6[%get3A_265, %get3A_266] {strides = array<i32>} : memref<2x16384xi32, #tpu.memory_space<vmem>>, vector<16xi32>,
        %add3A_268 = arith.constant 48 : i32
        %add3A_269 = arith.addi %mul3A_249, %add3A_268 : i32
        %get3A_270 = arith.constant 0 : i32
        %get3A_271 = arith.index_cast %get3A_270 : i32 to index
        %get3A_272 = arith.index_cast %add3A_269 : i32 to index
        %get3A_273 = tpu.vector_load %arg6[%get3A_271, %get3A_272] {strides = array<i32>} : memref<2x16384xi32, #tpu.memory_space<vmem>>, vector<16xi32>,
        %add3A_274 = arith.constant 64 : i32
        %add3A_275 = arith.addi %mul3A_249, %add3A_274 : i32
        %get3A_276 = arith.constant 0 : i32
        %get3A_277 = arith.index_cast %get3A_276 : i32 to index
        %get3A_278 = arith.index_cast %add3A_275 : i32 to index
        %get3A_279 = tpu.vector_load %arg6[%get3A_277, %get3A_278] {strides = array<i32>} : memref<2x16384xi32, #tpu.memory_space<vmem>>, vector<16xi32>,
        %add3A_280 = arith.constant 80 : i32
        %add3A_281 = arith.addi %mul3A_249, %add3A_280 : i32
        %get3A_282 = arith.constant 0 : i32
        %get3A_283 = arith.index_cast %get3A_282 : i32 to index
        %get3A_284 = arith.index_cast %add3A_281 : i32 to index
        %get3A_285 = tpu.vector_load %arg6[%get3A_283, %get3A_284] {strides = array<i32>} : memref<2x16384xi32, #tpu.memory_space<vmem>>, vector<16xi32>,
        %add3A_286 = arith.constant 96 : i32
        %add3A_287 = arith.addi %mul3A_249, %add3A_286 : i32
        %get3A_288 = arith.constant 0 : i32
        %get3A_289 = arith.index_cast %get3A_288 : i32 to index
        %get3A_290 = arith.index_cast %add3A_287 : i32 to index
        %get3A_291 = tpu.vector_load %arg6[%get3A_289, %get3A_290] {strides = array<i32>} : memref<2x16384xi32, #tpu.memory_space<vmem>>, vector<16xi32>,
        %add3A_292 = arith.constant 112 : i32
        %add3A_293 = arith.addi %mul3A_249, %add3A_292 : i32
        %get3A_294 = arith.constant 0 : i32
        %get3A_295 = arith.index_cast %get3A_294 : i32 to index
        %get3A_296 = arith.index_cast %add3A_293 : i32 to index
        %get3A_297 = tpu.vector_load %arg6[%get3A_295, %get3A_296] {strides = array<i32>} : memref<2x16384xi32, #tpu.memory_space<vmem>>, vector<16xi32>,
        %add3A_298 = arith.constant 128 : i32
        %add3A_299 = arith.addi %mul3A_249, %add3A_298 : i32
        %get3A_300 = arith.constant 0 : i32
        %get3A_301 = arith.index_cast %get3A_300 : i32 to index
        %get3A_302 = arith.index_cast %add3A_299 : i32 to index
        %get3A_303 = tpu.vector_load %arg6[%get3A_301, %get3A_302] {strides = array<i32>} : memref<2x16384xi32, #tpu.memory_space<vmem>>, vector<16xi32>,
        %add3A_304 = arith.constant 144 : i32
        %add3A_305 = arith.addi %mul3A_249, %add3A_304 : i32
        %get3A_306 = arith.constant 0 : i32
        %get3A_307 = arith.index_cast %get3A_306 : i32 to index
        %get3A_308 = arith.index_cast %add3A_305 : i32 to index
        %get3A_309 = tpu.vector_load %arg6[%get3A_307, %get3A_308] {strides = array<i32>} : memref<2x16384xi32, #tpu.memory_space<vmem>>, vector<16xi32>,
        %add3A_310 = arith.constant 160 : i32
        %add3A_311 = arith.addi %mul3A_249, %add3A_310 : i32
        %get3A_312 = arith.constant 0 : i32
        %get3A_313 = arith.index_cast %get3A_312 : i32 to index
        %get3A_314 = arith.index_cast %add3A_311 : i32 to index
        %get3A_315 = tpu.vector_load %arg6[%get3A_313, %get3A_314] {strides = array<i32>} : memref<2x16384xi32, #tpu.memory_space<vmem>>, vector<16xi32>,
        %add3A_316 = arith.constant 176 : i32
        %add3A_317 = arith.addi %mul3A_249, %add3A_316 : i32
        %get3A_318 = arith.constant 0 : i32
        %get3A_319 = arith.index_cast %get3A_318 : i32 to index
        %get3A_320 = arith.index_cast %add3A_317 : i32 to index
        %get3A_321 = tpu.vector_load %arg6[%get3A_319, %get3A_320] {strides = array<i32>} : memref<2x16384xi32, #tpu.memory_space<vmem>>, vector<16xi32>,
        %add3A_322 = arith.constant 192 : i32
        %add3A_323 = arith.addi %mul3A_249, %add3A_322 : i32
        %get3A_324 = arith.constant 0 : i32
        %get3A_325 = arith.index_cast %get3A_324 : i32 to index
        %get3A_326 = arith.index_cast %add3A_323 : i32 to index
        %get3A_327 = tpu.vector_load %arg6[%get3A_325, %get3A_326] {strides = array<i32>} : memref<2x16384xi32, #tpu.memory_space<vmem>>, vector<16xi32>,
        %add3A_328 = arith.constant 208 : i32
        %add3A_329 = arith.addi %mul3A_249, %add3A_328 : i32
        %get3A_330 = arith.constant 0 : i32
        %get3A_331 = arith.index_cast %get3A_330 : i32 to index
        %get3A_332 = arith.index_cast %add3A_329 : i32 to index
        %get3A_333 = tpu.vector_load %arg6[%get3A_331, %get3A_332] {strides = array<i32>} : memref<2x16384xi32, #tpu.memory_space<vmem>>, vector<16xi32>,
        %add3A_334 = arith.constant 224 : i32
        %add3A_335 = arith.addi %mul3A_249, %add3A_334 : i32
        %get3A_336 = arith.constant 0 : i32
        %get3A_337 = arith.index_cast %get3A_336 : i32 to index
        %get3A_338 = arith.index_cast %add3A_335 : i32 to index
        %get3A_339 = tpu.vector_load %arg6[%get3A_337, %get3A_338] {strides = array<i32>} : memref<2x16384xi32, #tpu.memory_space<vmem>>, vector<16xi32>,
        %add3A_340 = arith.constant 240 : i32
        %add3A_341 = arith.addi %mul3A_249, %add3A_340 : i32
        %get3A_342 = arith.constant 0 : i32
        %get3A_343 = arith.index_cast %get3A_342 : i32 to index
        %get3A_344 = arith.index_cast %add3A_341 : i32 to index
        %get3A_345 = tpu.vector_load %arg6[%get3A_343, %get3A_344] {strides = array<i32>} : memref<2x16384xi32, #tpu.memory_space<vmem>>, vector<16xi32>,
        %shift_right_logical3A = arith.constant 23 : i32
        %shift_right_logical3A_346 = vector.broadcast %shift_right_logical3A : i32 to vector<16xi32>
        %shift_right_logical3A_347 = arith.shrui %get3A_255, %shift_right_logical3A_346 : vector<16xi32>
        %shift_right_logical3A_348 = arith.constant 23 : i32
        %shift_right_logical3A_349 = vector.broadcast %shift_right_logical3A_348 : i32 to vector<16xi32>
        %shift_right_logical3A_350 = arith.shrui %get3A_261, %shift_right_logical3A_349 : vector<16xi32>
        %shift_right_logical3A_351 = arith.constant 23 : i32
        %shift_right_logical3A_352 = vector.broadcast %shift_right_logical3A_351 : i32 to vector<16xi32>
        %shift_right_logical3A_353 = arith.shrui %get3A_267, %shift_right_logical3A_352 : vector<16xi32>
        %shift_right_logical3A_354 = arith.constant 23 : i32
        %shift_right_logical3A_355 = vector.broadcast %shift_right_logical3A_354 : i32 to vector<16xi32>
        %shift_right_logical3A_356 = arith.shrui %get3A_273, %shift_right_logical3A_355 : vector<16xi32>
        %shift_right_logical3A_357 = arith.constant 23 : i32
        %shift_right_logical3A_358 = vector.broadcast %shift_right_logical3A_357 : i32 to vector<16xi32>
        %shift_right_logical3A_359 = arith.shrui %get3A_279, %shift_right_logical3A_358 : vector<16xi32>
        %shift_right_logical3A_360 = arith.constant 23 : i32
        %shift_right_logical3A_361 = vector.broadcast %shift_right_logical3A_360 : i32 to vector<16xi32>
        %shift_right_logical3A_362 = arith.shrui %get3A_285, %shift_right_logical3A_361 : vector<16xi32>
        %shift_right_logical3A_363 = arith.constant 23 : i32
        %shift_right_logical3A_364 = vector.broadcast %shift_right_logical3A_363 : i32 to vector<16xi32>
        %shift_right_logical3A_365 = arith.shrui %get3A_291, %shift_right_logical3A_364 : vector<16xi32>
        %shift_right_logical3A_366 = arith.constant 23 : i32
        %shift_right_logical3A_367 = vector.broadcast %shift_right_logical3A_366 : i32 to vector<16xi32>
        %shift_right_logical3A_368 = arith.shrui %get3A_297, %shift_right_logical3A_367 : vector<16xi32>
        %shift_right_logical3A_369 = arith.constant 23 : i32
        %shift_right_logical3A_370 = vector.broadcast %shift_right_logical3A_369 : i32 to vector<16xi32>
        %shift_right_logical3A_371 = arith.shrui %get3A_303, %shift_right_logical3A_370 : vector<16xi32>
        %shift_right_arithmetic3A = arith.constant 24 : i32
        %shift_right_arithmetic3A_372 = vector.broadcast %shift_right_arithmetic3A : i32 to vector<16xi32>
        %shift_right_arithmetic3A_373 = arith.shrsi %get3A_309, %shift_right_arithmetic3A_372 : vector<16xi32>
        %sub3A = arith.constant 62 : i32
        %sub3A_374 = vector.broadcast %sub3A : i32 to vector<16xi32>
        %sub3A_375 = arith.subi %shift_right_arithmetic3A_373, %sub3A_374 : vector<16xi32>
        %max3A = arith.constant 0 : i32
        %max3A_376 = vector.broadcast %max3A : i32 to vector<16xi32>
        %max3A_377 = arith.maxsi %sub3A_375, %max3A_376 : vector<16xi32>
        %min3A_378 = arith.constant 15 : i32
        %min3A_379 = vector.broadcast %min3A_378 : i32 to vector<16xi32>
        %min3A_380 = arith.minsi %max3A_377, %min3A_379 : vector<16xi32>
        %shift_right_arithmetic3A_381 = arith.constant 24 : i32
        %shift_right_arithmetic3A_382 = vector.broadcast %shift_right_arithmetic3A_381 : i32 to vector<16xi32>
        %shift_right_arithmetic3A_383 = arith.shrsi %get3A_315, %shift_right_arithmetic3A_382 : vector<16xi32>
        %sub3A_384 = arith.constant 62 : i32
        %sub3A_385 = vector.broadcast %sub3A_384 : i32 to vector<16xi32>
        %sub3A_386 = arith.subi %shift_right_arithmetic3A_383, %sub3A_385 : vector<16xi32>
        %max3A_387 = arith.constant 0 : i32
        %max3A_388 = vector.broadcast %max3A_387 : i32 to vector<16xi32>
        %max3A_389 = arith.maxsi %sub3A_386, %max3A_388 : vector<16xi32>
        %min3A_390 = arith.constant 15 : i32
        %min3A_391 = vector.broadcast %min3A_390 : i32 to vector<16xi32>
        %min3A_392 = arith.minsi %max3A_389, %min3A_391 : vector<16xi32>
        %shift_right_arithmetic3A_393 = arith.constant 24 : i32
        %shift_right_arithmetic3A_394 = vector.broadcast %shift_right_arithmetic3A_393 : i32 to vector<16xi32>
        %shift_right_arithmetic3A_395 = arith.shrsi %get3A_321, %shift_right_arithmetic3A_394 : vector<16xi32>
        %sub3A_396 = arith.constant 62 : i32
        %sub3A_397 = vector.broadcast %sub3A_396 : i32 to vector<16xi32>
        %sub3A_398 = arith.subi %shift_right_arithmetic3A_395, %sub3A_397 : vector<16xi32>
        %max3A_399 = arith.constant 0 : i32
        %max3A_400 = vector.broadcast %max3A_399 : i32 to vector<16xi32>
        %max3A_401 = arith.maxsi %sub3A_398, %max3A_400 : vector<16xi32>
        %min3A_402 = arith.constant 15 : i32
        %min3A_403 = vector.broadcast %min3A_402 : i32 to vector<16xi32>
        %min3A_404 = arith.minsi %max3A_401, %min3A_403 : vector<16xi32>
        %shift_right_arithmetic3A_405 = arith.constant 24 : i32
        %shift_right_arithmetic3A_406 = vector.broadcast %shift_right_arithmetic3A_405 : i32 to vector<16xi32>
        %shift_right_arithmetic3A_407 = arith.shrsi %get3A_327, %shift_right_arithmetic3A_406 : vector<16xi32>
        %sub3A_408 = arith.constant 62 : i32
        %sub3A_409 = vector.broadcast %sub3A_408 : i32 to vector<16xi32>
        %sub3A_410 = arith.subi %shift_right_arithmetic3A_407, %sub3A_409 : vector<16xi32>
        %max3A_411 = arith.constant 0 : i32
        %max3A_412 = vector.broadcast %max3A_411 : i32 to vector<16xi32>
        %max3A_413 = arith.maxsi %sub3A_410, %max3A_412 : vector<16xi32>
        %min3A_414 = arith.constant 15 : i32
        %min3A_415 = vector.broadcast %min3A_414 : i32 to vector<16xi32>
        %min3A_416 = arith.minsi %max3A_413, %min3A_415 : vector<16xi32>
        %shift_right_arithmetic3A_417 = arith.constant 24 : i32
        %shift_right_arithmetic3A_418 = vector.broadcast %shift_right_arithmetic3A_417 : i32 to vector<16xi32>
        %shift_right_arithmetic3A_419 = arith.shrsi %get3A_333, %shift_right_arithmetic3A_418 : vector<16xi32>
        %sub3A_420 = arith.constant 62 : i32
        %sub3A_421 = vector.broadcast %sub3A_420 : i32 to vector<16xi32>
        %sub3A_422 = arith.subi %shift_right_arithmetic3A_419, %sub3A_421 : vector<16xi32>
        %max3A_423 = arith.constant 0 : i32
        %max3A_424 = vector.broadcast %max3A_423 : i32 to vector<16xi32>
        %max3A_425 = arith.maxsi %sub3A_422, %max3A_424 : vector<16xi32>
        %min3A_426 = arith.constant 15 : i32
        %min3A_427 = vector.broadcast %min3A_426 : i32 to vector<16xi32>
        %min3A_428 = arith.minsi %max3A_425, %min3A_427 : vector<16xi32>
        %shift_right_arithmetic3A_429 = arith.constant 24 : i32
        %shift_right_arithmetic3A_430 = vector.broadcast %shift_right_arithmetic3A_429 : i32 to vector<16xi32>
        %shift_right_arithmetic3A_431 = arith.shrsi %get3A_339, %shift_right_arithmetic3A_430 : vector<16xi32>
        %sub3A_432 = arith.constant 62 : i32
        %sub3A_433 = vector.broadcast %sub3A_432 : i32 to vector<16xi32>
        %sub3A_434 = arith.subi %shift_right_arithmetic3A_431, %sub3A_433 : vector<16xi32>
        %max3A_435 = arith.constant 0 : i32
        %max3A_436 = vector.broadcast %max3A_435 : i32 to vector<16xi32>
        %max3A_437 = arith.maxsi %sub3A_434, %max3A_436 : vector<16xi32>
        %min3A_438 = arith.constant 15 : i32
        %min3A_439 = vector.broadcast %min3A_438 : i32 to vector<16xi32>
        %min3A_440 = arith.minsi %max3A_437, %min3A_439 : vector<16xi32>
        %shift_right_arithmetic3A_441 = arith.constant 24 : i32
        %shift_right_arithmetic3A_442 = vector.broadcast %shift_right_arithmetic3A_441 : i32 to vector<16xi32>
        %shift_right_arithmetic3A_443 = arith.shrsi %get3A_345, %shift_right_arithmetic3A_442 : vector<16xi32>
        %sub3A_444 = arith.constant 62 : i32
        %sub3A_445 = vector.broadcast %sub3A_444 : i32 to vector<16xi32>
        %sub3A_446 = arith.subi %shift_right_arithmetic3A_443, %sub3A_445 : vector<16xi32>
        %max3A_447 = arith.constant 0 : i32
        %max3A_448 = vector.broadcast %max3A_447 : i32 to vector<16xi32>
        %max3A_449 = arith.maxsi %sub3A_446, %max3A_448 : vector<16xi32>
        %min3A_450 = arith.constant 15 : i32
        %min3A_451 = vector.broadcast %min3A_450 : i32 to vector<16xi32>
        %min3A_452 = arith.minsi %max3A_449, %min3A_451 : vector<16xi32>
        %gather3A = tpu.vector_load_idx %arg5[%shift_right_logical3A_347] : memref<528xi32, #tpu.memory_space<vmem>>[vector<16xi32>], vector<16xi32>,
        %gather3A_453 = tpu.vector_load_idx %arg5[%shift_right_logical3A_350] : memref<528xi32, #tpu.memory_space<vmem>>[vector<16xi32>], vector<16xi32>,
        %gather3A_454 = tpu.vector_load_idx %arg5[%shift_right_logical3A_353] : memref<528xi32, #tpu.memory_space<vmem>>[vector<16xi32>], vector<16xi32>,
        %gather3A_455 = tpu.vector_load_idx %arg5[%shift_right_logical3A_356] : memref<528xi32, #tpu.memory_space<vmem>>[vector<16xi32>], vector<16xi32>,
        %gather3A_456 = tpu.vector_load_idx %arg5[%shift_right_logical3A_359] : memref<528xi32, #tpu.memory_space<vmem>>[vector<16xi32>], vector<16xi32>,
        %gather3A_457 = tpu.vector_load_idx %arg5[%shift_right_logical3A_362] : memref<528xi32, #tpu.memory_space<vmem>>[vector<16xi32>], vector<16xi32>,
        %gather3A_458 = tpu.vector_load_idx %arg5[%shift_right_logical3A_365] : memref<528xi32, #tpu.memory_space<vmem>>[vector<16xi32>], vector<16xi32>,
        %gather3A_459 = tpu.vector_load_idx %arg5[%shift_right_logical3A_368] : memref<528xi32, #tpu.memory_space<vmem>>[vector<16xi32>], vector<16xi32>,
        %gather3A_460 = tpu.vector_load_idx %arg5[%shift_right_logical3A_371] : memref<528xi32, #tpu.memory_space<vmem>>[vector<16xi32>], vector<16xi32>,
        %broadcast_in_dim3A = vector.shape_cast %min3A_380 : vector<16xi32> to vector<16x1xi32>
        %gather3A_461 = vector.shape_cast %broadcast_in_dim3A : vector<16x1xi32> to vector<16xi32>
        %gather3A_462 = tpu.dynamic_gather %get3A_3[%gather3A_461] in [0] : vector<16xi32>, vector<16xi32> -> vector<16xi32>
        %broadcast_in_dim3A_463 = vector.shape_cast %min3A_392 : vector<16xi32> to vector<16x1xi32>
        %gather3A_464 = vector.shape_cast %broadcast_in_dim3A_463 : vector<16x1xi32> to vector<16xi32>
        %gather3A_465 = tpu.dynamic_gather %get3A_3[%gather3A_464] in [0] : vector<16xi32>, vector<16xi32> -> vector<16xi32>
        %broadcast_in_dim3A_466 = vector.shape_cast %min3A_404 : vector<16xi32> to vector<16x1xi32>
        %gather3A_467 = vector.shape_cast %broadcast_in_dim3A_466 : vector<16x1xi32> to vector<16xi32>
        %gather3A_468 = tpu.dynamic_gather %get3A_3[%gather3A_467] in [0] : vector<16xi32>, vector<16xi32> -> vector<16xi32>
        %broadcast_in_dim3A_469 = vector.shape_cast %min3A_416 : vector<16xi32> to vector<16x1xi32>
        %gather3A_470 = vector.shape_cast %broadcast_in_dim3A_469 : vector<16x1xi32> to vector<16xi32>
        %gather3A_471 = tpu.dynamic_gather %get3A_3[%gather3A_470] in [0] : vector<16xi32>, vector<16xi32> -> vector<16xi32>
        %broadcast_in_dim3A_472 = vector.shape_cast %min3A_428 : vector<16xi32> to vector<16x1xi32>
        %gather3A_473 = vector.shape_cast %broadcast_in_dim3A_472 : vector<16x1xi32> to vector<16xi32>
        %gather3A_474 = tpu.dynamic_gather %get3A_3[%gather3A_473] in [0] : vector<16xi32>, vector<16xi32> -> vector<16xi32>
        %broadcast_in_dim3A_475 = vector.shape_cast %min3A_440 : vector<16xi32> to vector<16x1xi32>
        %gather3A_476 = vector.shape_cast %broadcast_in_dim3A_475 : vector<16x1xi32> to vector<16xi32>
        %gather3A_477 = tpu.dynamic_gather %get3A_3[%gather3A_476] in [0] : vector<16xi32>, vector<16xi32> -> vector<16xi32>
        %broadcast_in_dim3A_478 = vector.shape_cast %min3A_452 : vector<16xi32> to vector<16x1xi32>
        %gather3A_479 = vector.shape_cast %broadcast_in_dim3A_478 : vector<16x1xi32> to vector<16xi32>
        %gather3A_480 = tpu.dynamic_gather %get3A_3[%gather3A_479] in [0] : vector<16xi32>, vector<16xi32> -> vector<16xi32>
        %add3A_481 = arith.addi %gather3A, %get3A_255 : vector<16xi32>
        %shift_right_logical3A_482 = arith.constant 24 : i32
        %shift_right_logical3A_483 = vector.broadcast %shift_right_logical3A_482 : i32 to vector<16xi32>
        %shift_right_logical3A_484 = arith.shrui %add3A_481, %shift_right_logical3A_483 : vector<16xi32>
        %add3A_485 = arith.constant 0 : i32
        %add3A_486 = arith.addi %mul3A_249, %add3A_485 : i32
        %swap3A = arith.constant 0 : i32
        %swap3A_487 = arith.index_cast %swap3A : i32 to index
        %swap3A_488 = arith.index_cast %add3A_486 : i32 to index
        %swap3A_489 = tpu.vector_load %arg7[%swap3A_487, %swap3A_488] {strides = array<i32>} : memref<2x16384xi32, #tpu.memory_space<vmem>>, vector<16xi32>,
        tpu.vector_store %arg7[%swap3A_487, %swap3A_488], %shift_right_logical3A_484 {strides = array<i32>} : memref<2x16384xi32, #tpu.memory_space<vmem>>, vector<16xi32>,
        %add3A_490 = arith.addi %gather3A_453, %get3A_261 : vector<16xi32>
        %shift_right_logical3A_491 = arith.constant 24 : i32
        %shift_right_logical3A_492 = vector.broadcast %shift_right_logical3A_491 : i32 to vector<16xi32>
        %shift_right_logical3A_493 = arith.shrui %add3A_490, %shift_right_logical3A_492 : vector<16xi32>
        %add3A_494 = arith.constant 16 : i32
        %add3A_495 = arith.addi %mul3A_249, %add3A_494 : i32
        %swap3A_496 = arith.constant 0 : i32
        %swap3A_497 = arith.index_cast %swap3A_496 : i32 to index
        %swap3A_498 = arith.index_cast %add3A_495 : i32 to index
        %swap3A_499 = tpu.vector_load %arg7[%swap3A_497, %swap3A_498] {strides = array<i32>} : memref<2x16384xi32, #tpu.memory_space<vmem>>, vector<16xi32>,
        tpu.vector_store %arg7[%swap3A_497, %swap3A_498], %shift_right_logical3A_493 {strides = array<i32>} : memref<2x16384xi32, #tpu.memory_space<vmem>>, vector<16xi32>,
        %add3A_500 = arith.addi %gather3A_454, %get3A_267 : vector<16xi32>
        %shift_right_logical3A_501 = arith.constant 24 : i32
        %shift_right_logical3A_502 = vector.broadcast %shift_right_logical3A_501 : i32 to vector<16xi32>
        %shift_right_logical3A_503 = arith.shrui %add3A_500, %shift_right_logical3A_502 : vector<16xi32>
        %add3A_504 = arith.constant 32 : i32
        %add3A_505 = arith.addi %mul3A_249, %add3A_504 : i32
        %swap3A_506 = arith.constant 0 : i32
        %swap3A_507 = arith.index_cast %swap3A_506 : i32 to index
        %swap3A_508 = arith.index_cast %add3A_505 : i32 to index
        %swap3A_509 = tpu.vector_load %arg7[%swap3A_507, %swap3A_508] {strides = array<i32>} : memref<2x16384xi32, #tpu.memory_space<vmem>>, vector<16xi32>,
        tpu.vector_store %arg7[%swap3A_507, %swap3A_508], %shift_right_logical3A_503 {strides = array<i32>} : memref<2x16384xi32, #tpu.memory_space<vmem>>, vector<16xi32>,
        %add3A_510 = arith.addi %gather3A_455, %get3A_273 : vector<16xi32>
        %shift_right_logical3A_511 = arith.constant 24 : i32
        %shift_right_logical3A_512 = vector.broadcast %shift_right_logical3A_511 : i32 to vector<16xi32>
        %shift_right_logical3A_513 = arith.shrui %add3A_510, %shift_right_logical3A_512 : vector<16xi32>
        %add3A_514 = arith.constant 48 : i32
        %add3A_515 = arith.addi %mul3A_249, %add3A_514 : i32
        %swap3A_516 = arith.constant 0 : i32
        %swap3A_517 = arith.index_cast %swap3A_516 : i32 to index
        %swap3A_518 = arith.index_cast %add3A_515 : i32 to index
        %swap3A_519 = tpu.vector_load %arg7[%swap3A_517, %swap3A_518] {strides = array<i32>} : memref<2x16384xi32, #tpu.memory_space<vmem>>, vector<16xi32>,
        tpu.vector_store %arg7[%swap3A_517, %swap3A_518], %shift_right_logical3A_513 {strides = array<i32>} : memref<2x16384xi32, #tpu.memory_space<vmem>>, vector<16xi32>,
        %add3A_520 = arith.addi %gather3A_456, %get3A_279 : vector<16xi32>
        %shift_right_logical3A_521 = arith.constant 24 : i32
        %shift_right_logical3A_522 = vector.broadcast %shift_right_logical3A_521 : i32 to vector<16xi32>
        %shift_right_logical3A_523 = arith.shrui %add3A_520, %shift_right_logical3A_522 : vector<16xi32>
        %add3A_524 = arith.constant 64 : i32
        %add3A_525 = arith.addi %mul3A_249, %add3A_524 : i32
        %swap3A_526 = arith.constant 0 : i32
        %swap3A_527 = arith.index_cast %swap3A_526 : i32 to index
        %swap3A_528 = arith.index_cast %add3A_525 : i32 to index
        %swap3A_529 = tpu.vector_load %arg7[%swap3A_527, %swap3A_528] {strides = array<i32>} : memref<2x16384xi32, #tpu.memory_space<vmem>>, vector<16xi32>,
        tpu.vector_store %arg7[%swap3A_527, %swap3A_528], %shift_right_logical3A_523 {strides = array<i32>} : memref<2x16384xi32, #tpu.memory_space<vmem>>, vector<16xi32>,
        %add3A_530 = arith.addi %gather3A_457, %get3A_285 : vector<16xi32>
        %shift_right_logical3A_531 = arith.constant 24 : i32
        %shift_right_logical3A_532 = vector.broadcast %shift_right_logical3A_531 : i32 to vector<16xi32>
        %shift_right_logical3A_533 = arith.shrui %add3A_530, %shift_right_logical3A_532 : vector<16xi32>
        %add3A_534 = arith.constant 80 : i32
        %add3A_535 = arith.addi %mul3A_249, %add3A_534 : i32
        %swap3A_536 = arith.constant 0 : i32
        %swap3A_537 = arith.index_cast %swap3A_536 : i32 to index
        %swap3A_538 = arith.index_cast %add3A_535 : i32 to index
        %swap3A_539 = tpu.vector_load %arg7[%swap3A_537, %swap3A_538] {strides = array<i32>} : memref<2x16384xi32, #tpu.memory_space<vmem>>, vector<16xi32>,
        tpu.vector_store %arg7[%swap3A_537, %swap3A_538], %shift_right_logical3A_533 {strides = array<i32>} : memref<2x16384xi32, #tpu.memory_space<vmem>>, vector<16xi32>,
        %add3A_540 = arith.addi %gather3A_458, %get3A_291 : vector<16xi32>
        %shift_right_logical3A_541 = arith.constant 24 : i32
        %shift_right_logical3A_542 = vector.broadcast %shift_right_logical3A_541 : i32 to vector<16xi32>
        %shift_right_logical3A_543 = arith.shrui %add3A_540, %shift_right_logical3A_542 : vector<16xi32>
        %add3A_544 = arith.constant 96 : i32
        %add3A_545 = arith.addi %mul3A_249, %add3A_544 : i32
        %swap3A_546 = arith.constant 0 : i32
        %swap3A_547 = arith.index_cast %swap3A_546 : i32 to index
        %swap3A_548 = arith.index_cast %add3A_545 : i32 to index
        %swap3A_549 = tpu.vector_load %arg7[%swap3A_547, %swap3A_548] {strides = array<i32>} : memref<2x16384xi32, #tpu.memory_space<vmem>>, vector<16xi32>,
        tpu.vector_store %arg7[%swap3A_547, %swap3A_548], %shift_right_logical3A_543 {strides = array<i32>} : memref<2x16384xi32, #tpu.memory_space<vmem>>, vector<16xi32>,
        %add3A_550 = arith.addi %gather3A_459, %get3A_297 : vector<16xi32>
        %shift_right_logical3A_551 = arith.constant 24 : i32
        %shift_right_logical3A_552 = vector.broadcast %shift_right_logical3A_551 : i32 to vector<16xi32>
        %shift_right_logical3A_553 = arith.shrui %add3A_550, %shift_right_logical3A_552 : vector<16xi32>
        %add3A_554 = arith.constant 112 : i32
        %add3A_555 = arith.addi %mul3A_249, %add3A_554 : i32
        %swap3A_556 = arith.constant 0 : i32
        %swap3A_557 = arith.index_cast %swap3A_556 : i32 to index
        %swap3A_558 = arith.index_cast %add3A_555 : i32 to index
        %swap3A_559 = tpu.vector_load %arg7[%swap3A_557, %swap3A_558] {strides = array<i32>} : memref<2x16384xi32, #tpu.memory_space<vmem>>, vector<16xi32>,
        tpu.vector_store %arg7[%swap3A_557, %swap3A_558], %shift_right_logical3A_553 {strides = array<i32>} : memref<2x16384xi32, #tpu.memory_space<vmem>>, vector<16xi32>,
        %add3A_560 = arith.addi %gather3A_460, %get3A_303 : vector<16xi32>
        %shift_right_logical3A_561 = arith.constant 24 : i32
        %shift_right_logical3A_562 = vector.broadcast %shift_right_logical3A_561 : i32 to vector<16xi32>
        %shift_right_logical3A_563 = arith.shrui %add3A_560, %shift_right_logical3A_562 : vector<16xi32>
        %add3A_564 = arith.constant 128 : i32
        %add3A_565 = arith.addi %mul3A_249, %add3A_564 : i32
        %swap3A_566 = arith.constant 0 : i32
        %swap3A_567 = arith.index_cast %swap3A_566 : i32 to index
        %swap3A_568 = arith.index_cast %add3A_565 : i32 to index
        %swap3A_569 = tpu.vector_load %arg7[%swap3A_567, %swap3A_568] {strides = array<i32>} : memref<2x16384xi32, #tpu.memory_space<vmem>>, vector<16xi32>,
        tpu.vector_store %arg7[%swap3A_567, %swap3A_568], %shift_right_logical3A_563 {strides = array<i32>} : memref<2x16384xi32, #tpu.memory_space<vmem>>, vector<16xi32>,
        %and3A = arith.constant 16777215 : i32
        %and3A_570 = vector.broadcast %and3A : i32 to vector<16xi32>
        %and3A_571 = arith.andi %get3A_309, %and3A_570 : vector<16xi32>
        %add3A_572 = arith.addi %gather3A_462, %and3A_571 : vector<16xi32>
        %shift_right_logical3A_573 = arith.constant 24 : i32
        %shift_right_logical3A_574 = vector.broadcast %shift_right_logical3A_573 : i32 to vector<16xi32>
        %shift_right_logical3A_575 = arith.shrui %add3A_572, %shift_right_logical3A_574 : vector<16xi32>
        %add3A_576 = arith.constant 144 : i32
        %add3A_577 = arith.addi %mul3A_249, %add3A_576 : i32
        %swap3A_578 = arith.constant 0 : i32
        %swap3A_579 = arith.index_cast %swap3A_578 : i32 to index
        %swap3A_580 = arith.index_cast %add3A_577 : i32 to index
        %swap3A_581 = tpu.vector_load %arg7[%swap3A_579, %swap3A_580] {strides = array<i32>} : memref<2x16384xi32, #tpu.memory_space<vmem>>, vector<16xi32>,
        tpu.vector_store %arg7[%swap3A_579, %swap3A_580], %shift_right_logical3A_575 {strides = array<i32>} : memref<2x16384xi32, #tpu.memory_space<vmem>>, vector<16xi32>,
        %and3A_582 = arith.constant 16777215 : i32
        %and3A_583 = vector.broadcast %and3A_582 : i32 to vector<16xi32>
        %and3A_584 = arith.andi %get3A_315, %and3A_583 : vector<16xi32>
        %add3A_585 = arith.addi %gather3A_465, %and3A_584 : vector<16xi32>
        %shift_right_logical3A_586 = arith.constant 24 : i32
        %shift_right_logical3A_587 = vector.broadcast %shift_right_logical3A_586 : i32 to vector<16xi32>
        %shift_right_logical3A_588 = arith.shrui %add3A_585, %shift_right_logical3A_587 : vector<16xi32>
        %add3A_589 = arith.constant 160 : i32
        %add3A_590 = arith.addi %mul3A_249, %add3A_589 : i32
        %swap3A_591 = arith.constant 0 : i32
        %swap3A_592 = arith.index_cast %swap3A_591 : i32 to index
        %swap3A_593 = arith.index_cast %add3A_590 : i32 to index
        %swap3A_594 = tpu.vector_load %arg7[%swap3A_592, %swap3A_593] {strides = array<i32>} : memref<2x16384xi32, #tpu.memory_space<vmem>>, vector<16xi32>,
        tpu.vector_store %arg7[%swap3A_592, %swap3A_593], %shift_right_logical3A_588 {strides = array<i32>} : memref<2x16384xi32, #tpu.memory_space<vmem>>, vector<16xi32>,
        %and3A_595 = arith.constant 16777215 : i32
        %and3A_596 = vector.broadcast %and3A_595 : i32 to vector<16xi32>
        %and3A_597 = arith.andi %get3A_321, %and3A_596 : vector<16xi32>
        %add3A_598 = arith.addi %gather3A_468, %and3A_597 : vector<16xi32>
        %shift_right_logical3A_599 = arith.constant 24 : i32
        %shift_right_logical3A_600 = vector.broadcast %shift_right_logical3A_599 : i32 to vector<16xi32>
        %shift_right_logical3A_601 = arith.shrui %add3A_598, %shift_right_logical3A_600 : vector<16xi32>
        %add3A_602 = arith.constant 176 : i32
        %add3A_603 = arith.addi %mul3A_249, %add3A_602 : i32
        %swap3A_604 = arith.constant 0 : i32
        %swap3A_605 = arith.index_cast %swap3A_604 : i32 to index
        %swap3A_606 = arith.index_cast %add3A_603 : i32 to index
        %swap3A_607 = tpu.vector_load %arg7[%swap3A_605, %swap3A_606] {strides = array<i32>} : memref<2x16384xi32, #tpu.memory_space<vmem>>, vector<16xi32>,
        tpu.vector_store %arg7[%swap3A_605, %swap3A_606], %shift_right_logical3A_601 {strides = array<i32>} : memref<2x16384xi32, #tpu.memory_space<vmem>>, vector<16xi32>,
        %and3A_608 = arith.constant 16777215 : i32
        %and3A_609 = vector.broadcast %and3A_608 : i32 to vector<16xi32>
        %and3A_610 = arith.andi %get3A_327, %and3A_609 : vector<16xi32>
        %add3A_611 = arith.addi %gather3A_471, %and3A_610 : vector<16xi32>
        %shift_right_logical3A_612 = arith.constant 24 : i32
        %shift_right_logical3A_613 = vector.broadcast %shift_right_logical3A_612 : i32 to vector<16xi32>
        %shift_right_logical3A_614 = arith.shrui %add3A_611, %shift_right_logical3A_613 : vector<16xi32>
        %add3A_615 = arith.constant 192 : i32
        %add3A_616 = arith.addi %mul3A_249, %add3A_615 : i32
        %swap3A_617 = arith.constant 0 : i32
        %swap3A_618 = arith.index_cast %swap3A_617 : i32 to index
        %swap3A_619 = arith.index_cast %add3A_616 : i32 to index
        %swap3A_620 = tpu.vector_load %arg7[%swap3A_618, %swap3A_619] {strides = array<i32>} : memref<2x16384xi32, #tpu.memory_space<vmem>>, vector<16xi32>,
        tpu.vector_store %arg7[%swap3A_618, %swap3A_619], %shift_right_logical3A_614 {strides = array<i32>} : memref<2x16384xi32, #tpu.memory_space<vmem>>, vector<16xi32>,
        %and3A_621 = arith.constant 16777215 : i32
        %and3A_622 = vector.broadcast %and3A_621 : i32 to vector<16xi32>
        %and3A_623 = arith.andi %get3A_333, %and3A_622 : vector<16xi32>
        %add3A_624 = arith.addi %gather3A_474, %and3A_623 : vector<16xi32>
        %shift_right_logical3A_625 = arith.constant 24 : i32
        %shift_right_logical3A_626 = vector.broadcast %shift_right_logical3A_625 : i32 to vector<16xi32>
        %shift_right_logical3A_627 = arith.shrui %add3A_624, %shift_right_logical3A_626 : vector<16xi32>
        %add3A_628 = arith.constant 208 : i32
        %add3A_629 = arith.addi %mul3A_249, %add3A_628 : i32
        %swap3A_630 = arith.constant 0 : i32
        %swap3A_631 = arith.index_cast %swap3A_630 : i32 to index
        %swap3A_632 = arith.index_cast %add3A_629 : i32 to index
        %swap3A_633 = tpu.vector_load %arg7[%swap3A_631, %swap3A_632] {strides = array<i32>} : memref<2x16384xi32, #tpu.memory_space<vmem>>, vector<16xi32>,
        tpu.vector_store %arg7[%swap3A_631, %swap3A_632], %shift_right_logical3A_627 {strides = array<i32>} : memref<2x16384xi32, #tpu.memory_space<vmem>>, vector<16xi32>,
        %and3A_634 = arith.constant 16777215 : i32
        %and3A_635 = vector.broadcast %and3A_634 : i32 to vector<16xi32>
        %and3A_636 = arith.andi %get3A_339, %and3A_635 : vector<16xi32>
        %add3A_637 = arith.addi %gather3A_477, %and3A_636 : vector<16xi32>
        %shift_right_logical3A_638 = arith.constant 24 : i32
        %shift_right_logical3A_639 = vector.broadcast %shift_right_logical3A_638 : i32 to vector<16xi32>
        %shift_right_logical3A_640 = arith.shrui %add3A_637, %shift_right_logical3A_639 : vector<16xi32>
        %add3A_641 = arith.constant 224 : i32
        %add3A_642 = arith.addi %mul3A_249, %add3A_641 : i32
        %swap3A_643 = arith.constant 0 : i32
        %swap3A_644 = arith.index_cast %swap3A_643 : i32 to index
        %swap3A_645 = arith.index_cast %add3A_642 : i32 to index
        %swap3A_646 = tpu.vector_load %arg7[%swap3A_644, %swap3A_645] {strides = array<i32>} : memref<2x16384xi32, #tpu.memory_space<vmem>>, vector<16xi32>,
        tpu.vector_store %arg7[%swap3A_644, %swap3A_645], %shift_right_logical3A_640 {strides = array<i32>} : memref<2x16384xi32, #tpu.memory_space<vmem>>, vector<16xi32>,
        %and3A_647 = arith.constant 16777215 : i32
        %and3A_648 = vector.broadcast %and3A_647 : i32 to vector<16xi32>
        %and3A_649 = arith.andi %get3A_345, %and3A_648 : vector<16xi32>
        %add3A_650 = arith.addi %gather3A_480, %and3A_649 : vector<16xi32>
        %shift_right_logical3A_651 = arith.constant 24 : i32
        %shift_right_logical3A_652 = vector.broadcast %shift_right_logical3A_651 : i32 to vector<16xi32>
        %shift_right_logical3A_653 = arith.shrui %add3A_650, %shift_right_logical3A_652 : vector<16xi32>
        %add3A_654 = arith.constant 240 : i32
        %add3A_655 = arith.addi %mul3A_249, %add3A_654 : i32
        %swap3A_656 = arith.constant 0 : i32
        %swap3A_657 = arith.index_cast %swap3A_656 : i32 to index
        %swap3A_658 = arith.index_cast %add3A_655 : i32 to index
        %swap3A_659 = tpu.vector_load %arg7[%swap3A_657, %swap3A_658] {strides = array<i32>} : memref<2x16384xi32, #tpu.memory_space<vmem>>, vector<16xi32>,
        tpu.vector_store %arg7[%swap3A_657, %swap3A_658], %shift_right_logical3A_653 {strides = array<i32>} : memref<2x16384xi32, #tpu.memory_space<vmem>>, vector<16xi32>,
      }
      %scan3A_171 = arith.constant 64 : i32
      %dma_start3A_172 = arith.constant 0 : i32
      %dma_start3A_173 = arith.constant 0 : i32
      %dma_start3A_174 = tpu.memref_slice %arg7[%dma_start3A_172, %dma_start3A_173] : memref<2x16384xi32, #tpu.memory_space<vmem>> -> memref<1x16384xi32, #tpu.memory_space<vmem>>
      %dma_start3A_175 = tpu.memref_squeeze %dma_start3A_174 : memref<1x16384xi32, #tpu.memory_space<vmem>> -> memref<16384xi32, #tpu.memory_space<vmem>>
      %dma_start3A_176 = tpu.memref_slice %arg4[%add3A_147] : memref<16777216xi32, #tpu.memory_space<hbm>> -> memref<16384xi32, #tpu.memory_space<hbm>>
      %dma_start3A_177 = tpu.memref_slice %arg4[%add3A_147] : memref<16777216xi32, #tpu.memory_space<hbm>> -> memref<16384xi32, #tpu.memory_space<hbm>>
      %dma_start3A_178 = arith.constant 0 : i32
      %dma_start3A_179 = tpu.memref_slice %arg7[%dma_start3A_172, %dma_start3A_178] : memref<2x16384xi32, #tpu.memory_space<vmem>> -> memref<1x16384xi32, #tpu.memory_space<vmem>>
      %dma_start3A_180 = tpu.memref_squeeze %dma_start3A_179 : memref<1x16384xi32, #tpu.memory_space<vmem>> -> memref<16384xi32, #tpu.memory_space<vmem>>
      tpu.enqueue_dma source(%dma_start3A_180 : memref<16384xi32, #tpu.memory_space<vmem>>) target(%dma_start3A_177 : memref<16384xi32, #tpu.memory_space<hbm>>) target_semaphore(%arg10 : memref<!tpu.dma_semaphore, #tpu.memory_space<semaphore_mem>>)
      %add3A_181 = arith.constant 32768 : i32
      %add3A_182 = arith.addi %add3A_147, %add3A_181 : i32
      %min3A_183 = arith.constant 16760832 : i32
      %min3A_184 = arith.minsi %add3A_182, %min3A_183 : i32
      %dma_start3A_185 = arith.constant 0 : i32
      %dma_start3A_186 = arith.constant 0 : i32
      %dma_start3A_187 = tpu.memref_slice %arg6[%dma_start3A_185, %dma_start3A_186] : memref<2x16384xi32, #tpu.memory_space<vmem>> -> memref<1x16384xi32, #tpu.memory_space<vmem>>
      %dma_start3A_188 = tpu.memref_squeeze %dma_start3A_187 : memref<1x16384xi32, #tpu.memory_space<vmem>> -> memref<16384xi32, #tpu.memory_space<vmem>>
      %dma_start3A_189 = tpu.memref_slice %arg2[%min3A_184] : memref<16777216xi32, #tpu.memory_space<hbm>> -> memref<16384xi32, #tpu.memory_space<hbm>>
      %dma_start3A_190 = arith.constant 0 : i32
      %dma_start3A_191 = tpu.memref_slice %arg6[%dma_start3A_185, %dma_start3A_190] : memref<2x16384xi32, #tpu.memory_space<vmem>> -> memref<1x16384xi32, #tpu.memory_space<vmem>>
      %dma_start3A_192 = tpu.memref_squeeze %dma_start3A_191 : memref<1x16384xi32, #tpu.memory_space<vmem>> -> memref<16384xi32, #tpu.memory_space<vmem>>
      %dma_start3A_193 = tpu.memref_slice %arg2[%min3A_184] : memref<16777216xi32, #tpu.memory_space<hbm>> -> memref<16384xi32, #tpu.memory_space<hbm>>
      tpu.enqueue_dma source(%dma_start3A_193 : memref<16384xi32, #tpu.memory_space<hbm>>) target(%dma_start3A_192 : memref<16384xi32, #tpu.memory_space<vmem>>) target_semaphore(%arg8 : memref<!tpu.dma_semaphore, #tpu.memory_space<semaphore_mem>>)
      %mul3A_194 = arith.constant 2 : i32
      %mul3A_195 = arith.muli %mul3A_194, %scan3A_140 : i32
      %add3A_196 = arith.constant 1 : i32
      %add3A_197 = arith.addi %mul3A_195, %add3A_196 : i32
      %mul3A_198 = arith.constant 16384 : i32
      %mul3A_199 = arith.muli %add3A_197, %mul3A_198 : i32
      %add3A_200 = arith.addi %mul3A_2, %mul3A_199 : i32
      %dma_wait3A_201 = arith.constant 1 : i32
      %dma_wait3A_202 = arith.constant 0 : i32
      %dma_wait3A_203 = tpu.memref_slice %arg6[%dma_wait3A_201, %dma_wait3A_202] : memref<2x16384xi32, #tpu.memory_space<vmem>> -> memref<1x16384xi32, #tpu.memory_space<vmem>>
      %dma_wait3A_204 = tpu.memref_squeeze %dma_wait3A_203 : memref<1x16384xi32, #tpu.memory_space<vmem>> -> memref<16384xi32, #tpu.memory_space<vmem>>
      %dma_wait3A_205 = tpu.memref_slice %arg2[%add3A_200] : memref<16777216xi32, #tpu.memory_space<hbm>> -> memref<16384xi32, #tpu.memory_space<hbm>>
      %dma_wait3A_206 = arith.constant 0 : i32
      %dma_wait3A_207 = tpu.memref_slice %arg6[%dma_wait3A_201, %dma_wait3A_206] : memref<2x16384xi32, #tpu.memory_space<vmem>> -> memref<1x16384xi32, #tpu.memory_space<vmem>>
      %dma_wait3A_208 = tpu.memref_squeeze %dma_wait3A_207 : memref<1x16384xi32, #tpu.memory_space<vmem>> -> memref<16384xi32, #tpu.memory_space<vmem>>
      %dma_wait3A_209 = tpu.memref_slice %arg2[%add3A_200] : memref<16777216xi32, #tpu.memory_space<hbm>> -> memref<16384xi32, #tpu.memory_space<hbm>>
      tpu.wait_dma2 semaphore(%arg9 : memref<!tpu.dma_semaphore, #tpu.memory_space<semaphore_mem>>) src(%dma_wait3A_209 : memref<16384xi32, #tpu.memory_space<hbm>>) dst(%dma_wait3A_208 : memref<16384xi32, #tpu.memory_space<vmem>>)
      %dma_wait3A_210 = arith.constant 1 : i32
      %dma_wait3A_211 = arith.constant 0 : i32
      %dma_wait3A_212 = tpu.memref_slice %arg7[%dma_wait3A_210, %dma_wait3A_211] : memref<2x16384xi32, #tpu.memory_space<vmem>> -> memref<1x16384xi32, #tpu.memory_space<vmem>>
      %dma_wait3A_213 = tpu.memref_squeeze %dma_wait3A_212 : memref<1x16384xi32, #tpu.memory_space<vmem>> -> memref<16384xi32, #tpu.memory_space<vmem>>
      %dma_wait3A_214 = tpu.memref_slice %arg4[%add3A_200] : memref<16777216xi32, #tpu.memory_space<hbm>> -> memref<16384xi32, #tpu.memory_space<hbm>>
      %dma_wait3A_215 = tpu.memref_slice %arg4[%add3A_200] : memref<16777216xi32, #tpu.memory_space<hbm>> -> memref<16384xi32, #tpu.memory_space<hbm>>
      %dma_wait3A_216 = arith.constant 0 : i32
      %dma_wait3A_217 = tpu.memref_slice %arg7[%dma_wait3A_210, %dma_wait3A_216] : memref<2x16384xi32, #tpu.memory_space<vmem>> -> memref<1x16384xi32, #tpu.memory_space<vmem>>
      %dma_wait3A_218 = tpu.memref_squeeze %dma_wait3A_217 : memref<1x16384xi32, #tpu.memory_space<vmem>> -> memref<16384xi32, #tpu.memory_space<vmem>>
      tpu.wait_dma2 semaphore(%arg11 : memref<!tpu.dma_semaphore, #tpu.memory_space<semaphore_mem>>) src(%dma_wait3A_218 : memref<16384xi32, #tpu.memory_space<vmem>>) dst(%dma_wait3A_215 : memref<16384xi32, #tpu.memory_space<hbm>>)
      %scan3A_219 = arith.constant 0 : i32
      %scan3A_220 = arith.constant 0 : i32
      %scan3A_221 = arith.constant 64 : i32
      %scan3A_222 = arith.addi %scan3A_220, %scan3A_221 : i32
      %scan3A_223 = arith.constant 1 : i32
      scf.for %scan3A_247 = %scan3A_220 to %scan3A_222 step %scan3A_223  : i32 {
        %mul3A_248 = arith.constant 256 : i32
        %mul3A_249 = arith.muli %scan3A_247, %mul3A_248 : i32
        %add3A_250 = arith.constant 0 : i32
        %add3A_251 = arith.addi %mul3A_249, %add3A_250 : i32
        %get3A_252 = arith.constant 1 : i32
        %get3A_253 = arith.index_cast %get3A_252 : i32 to index
        %get3A_254 = arith.index_cast %add3A_251 : i32 to index
        %get3A_255 = tpu.vector_load %arg6[%get3A_253, %get3A_254] {strides = array<i32>} : memref<2x16384xi32, #tpu.memory_space<vmem>>, vector<16xi32>,
        %add3A_256 = arith.constant 16 : i32
        %add3A_257 = arith.addi %mul3A_249, %add3A_256 : i32
        %get3A_258 = arith.constant 1 : i32
        %get3A_259 = arith.index_cast %get3A_258 : i32 to index
        %get3A_260 = arith.index_cast %add3A_257 : i32 to index
        %get3A_261 = tpu.vector_load %arg6[%get3A_259, %get3A_260] {strides = array<i32>} : memref<2x16384xi32, #tpu.memory_space<vmem>>, vector<16xi32>,
        %add3A_262 = arith.constant 32 : i32
        %add3A_263 = arith.addi %mul3A_249, %add3A_262 : i32
        %get3A_264 = arith.constant 1 : i32
        %get3A_265 = arith.index_cast %get3A_264 : i32 to index
        %get3A_266 = arith.index_cast %add3A_263 : i32 to index
        %get3A_267 = tpu.vector_load %arg6[%get3A_265, %get3A_266] {strides = array<i32>} : memref<2x16384xi32, #tpu.memory_space<vmem>>, vector<16xi32>,
        %add3A_268 = arith.constant 48 : i32
        %add3A_269 = arith.addi %mul3A_249, %add3A_268 : i32
        %get3A_270 = arith.constant 1 : i32
        %get3A_271 = arith.index_cast %get3A_270 : i32 to index
        %get3A_272 = arith.index_cast %add3A_269 : i32 to index
        %get3A_273 = tpu.vector_load %arg6[%get3A_271, %get3A_272] {strides = array<i32>} : memref<2x16384xi32, #tpu.memory_space<vmem>>, vector<16xi32>,
        %add3A_274 = arith.constant 64 : i32
        %add3A_275 = arith.addi %mul3A_249, %add3A_274 : i32
        %get3A_276 = arith.constant 1 : i32
        %get3A_277 = arith.index_cast %get3A_276 : i32 to index
        %get3A_278 = arith.index_cast %add3A_275 : i32 to index
        %get3A_279 = tpu.vector_load %arg6[%get3A_277, %get3A_278] {strides = array<i32>} : memref<2x16384xi32, #tpu.memory_space<vmem>>, vector<16xi32>,
        %add3A_280 = arith.constant 80 : i32
        %add3A_281 = arith.addi %mul3A_249, %add3A_280 : i32
        %get3A_282 = arith.constant 1 : i32
        %get3A_283 = arith.index_cast %get3A_282 : i32 to index
        %get3A_284 = arith.index_cast %add3A_281 : i32 to index
        %get3A_285 = tpu.vector_load %arg6[%get3A_283, %get3A_284] {strides = array<i32>} : memref<2x16384xi32, #tpu.memory_space<vmem>>, vector<16xi32>,
        %add3A_286 = arith.constant 96 : i32
        %add3A_287 = arith.addi %mul3A_249, %add3A_286 : i32
        %get3A_288 = arith.constant 1 : i32
        %get3A_289 = arith.index_cast %get3A_288 : i32 to index
        %get3A_290 = arith.index_cast %add3A_287 : i32 to index
        %get3A_291 = tpu.vector_load %arg6[%get3A_289, %get3A_290] {strides = array<i32>} : memref<2x16384xi32, #tpu.memory_space<vmem>>, vector<16xi32>,
        %add3A_292 = arith.constant 112 : i32
        %add3A_293 = arith.addi %mul3A_249, %add3A_292 : i32
        %get3A_294 = arith.constant 1 : i32
        %get3A_295 = arith.index_cast %get3A_294 : i32 to index
        %get3A_296 = arith.index_cast %add3A_293 : i32 to index
        %get3A_297 = tpu.vector_load %arg6[%get3A_295, %get3A_296] {strides = array<i32>} : memref<2x16384xi32, #tpu.memory_space<vmem>>, vector<16xi32>,
        %add3A_298 = arith.constant 128 : i32
        %add3A_299 = arith.addi %mul3A_249, %add3A_298 : i32
        %get3A_300 = arith.constant 1 : i32
        %get3A_301 = arith.index_cast %get3A_300 : i32 to index
        %get3A_302 = arith.index_cast %add3A_299 : i32 to index
        %get3A_303 = tpu.vector_load %arg6[%get3A_301, %get3A_302] {strides = array<i32>} : memref<2x16384xi32, #tpu.memory_space<vmem>>, vector<16xi32>,
        %add3A_304 = arith.constant 144 : i32
        %add3A_305 = arith.addi %mul3A_249, %add3A_304 : i32
        %get3A_306 = arith.constant 1 : i32
        %get3A_307 = arith.index_cast %get3A_306 : i32 to index
        %get3A_308 = arith.index_cast %add3A_305 : i32 to index
        %get3A_309 = tpu.vector_load %arg6[%get3A_307, %get3A_308] {strides = array<i32>} : memref<2x16384xi32, #tpu.memory_space<vmem>>, vector<16xi32>,
        %add3A_310 = arith.constant 160 : i32
        %add3A_311 = arith.addi %mul3A_249, %add3A_310 : i32
        %get3A_312 = arith.constant 1 : i32
        %get3A_313 = arith.index_cast %get3A_312 : i32 to index
        %get3A_314 = arith.index_cast %add3A_311 : i32 to index
        %get3A_315 = tpu.vector_load %arg6[%get3A_313, %get3A_314] {strides = array<i32>} : memref<2x16384xi32, #tpu.memory_space<vmem>>, vector<16xi32>,
        %add3A_316 = arith.constant 176 : i32
        %add3A_317 = arith.addi %mul3A_249, %add3A_316 : i32
        %get3A_318 = arith.constant 1 : i32
        %get3A_319 = arith.index_cast %get3A_318 : i32 to index
        %get3A_320 = arith.index_cast %add3A_317 : i32 to index
        %get3A_321 = tpu.vector_load %arg6[%get3A_319, %get3A_320] {strides = array<i32>} : memref<2x16384xi32, #tpu.memory_space<vmem>>, vector<16xi32>,
        %add3A_322 = arith.constant 192 : i32
        %add3A_323 = arith.addi %mul3A_249, %add3A_322 : i32
        %get3A_324 = arith.constant 1 : i32
        %get3A_325 = arith.index_cast %get3A_324 : i32 to index
        %get3A_326 = arith.index_cast %add3A_323 : i32 to index
        %get3A_327 = tpu.vector_load %arg6[%get3A_325, %get3A_326] {strides = array<i32>} : memref<2x16384xi32, #tpu.memory_space<vmem>>, vector<16xi32>,
        %add3A_328 = arith.constant 208 : i32
        %add3A_329 = arith.addi %mul3A_249, %add3A_328 : i32
        %get3A_330 = arith.constant 1 : i32
        %get3A_331 = arith.index_cast %get3A_330 : i32 to index
        %get3A_332 = arith.index_cast %add3A_329 : i32 to index
        %get3A_333 = tpu.vector_load %arg6[%get3A_331, %get3A_332] {strides = array<i32>} : memref<2x16384xi32, #tpu.memory_space<vmem>>, vector<16xi32>,
        %add3A_334 = arith.constant 224 : i32
        %add3A_335 = arith.addi %mul3A_249, %add3A_334 : i32
        %get3A_336 = arith.constant 1 : i32
        %get3A_337 = arith.index_cast %get3A_336 : i32 to index
        %get3A_338 = arith.index_cast %add3A_335 : i32 to index
        %get3A_339 = tpu.vector_load %arg6[%get3A_337, %get3A_338] {strides = array<i32>} : memref<2x16384xi32, #tpu.memory_space<vmem>>, vector<16xi32>,
        %add3A_340 = arith.constant 240 : i32
        %add3A_341 = arith.addi %mul3A_249, %add3A_340 : i32
        %get3A_342 = arith.constant 1 : i32
        %get3A_343 = arith.index_cast %get3A_342 : i32 to index
        %get3A_344 = arith.index_cast %add3A_341 : i32 to index
        %get3A_345 = tpu.vector_load %arg6[%get3A_343, %get3A_344] {strides = array<i32>} : memref<2x16384xi32, #tpu.memory_space<vmem>>, vector<16xi32>,
        %shift_right_logical3A = arith.constant 23 : i32
        %shift_right_logical3A_346 = vector.broadcast %shift_right_logical3A : i32 to vector<16xi32>
        %shift_right_logical3A_347 = arith.shrui %get3A_255, %shift_right_logical3A_346 : vector<16xi32>
        %shift_right_logical3A_348 = arith.constant 23 : i32
        %shift_right_logical3A_349 = vector.broadcast %shift_right_logical3A_348 : i32 to vector<16xi32>
        %shift_right_logical3A_350 = arith.shrui %get3A_261, %shift_right_logical3A_349 : vector<16xi32>
        %shift_right_logical3A_351 = arith.constant 23 : i32
        %shift_right_logical3A_352 = vector.broadcast %shift_right_logical3A_351 : i32 to vector<16xi32>
        %shift_right_logical3A_353 = arith.shrui %get3A_267, %shift_right_logical3A_352 : vector<16xi32>
        %shift_right_logical3A_354 = arith.constant 23 : i32
        %shift_right_logical3A_355 = vector.broadcast %shift_right_logical3A_354 : i32 to vector<16xi32>
        %shift_right_logical3A_356 = arith.shrui %get3A_273, %shift_right_logical3A_355 : vector<16xi32>
        %shift_right_logical3A_357 = arith.constant 23 : i32
        %shift_right_logical3A_358 = vector.broadcast %shift_right_logical3A_357 : i32 to vector<16xi32>
        %shift_right_logical3A_359 = arith.shrui %get3A_279, %shift_right_logical3A_358 : vector<16xi32>
        %shift_right_logical3A_360 = arith.constant 23 : i32
        %shift_right_logical3A_361 = vector.broadcast %shift_right_logical3A_360 : i32 to vector<16xi32>
        %shift_right_logical3A_362 = arith.shrui %get3A_285, %shift_right_logical3A_361 : vector<16xi32>
        %shift_right_logical3A_363 = arith.constant 23 : i32
        %shift_right_logical3A_364 = vector.broadcast %shift_right_logical3A_363 : i32 to vector<16xi32>
        %shift_right_logical3A_365 = arith.shrui %get3A_291, %shift_right_logical3A_364 : vector<16xi32>
        %shift_right_logical3A_366 = arith.constant 23 : i32
        %shift_right_logical3A_367 = vector.broadcast %shift_right_logical3A_366 : i32 to vector<16xi32>
        %shift_right_logical3A_368 = arith.shrui %get3A_297, %shift_right_logical3A_367 : vector<16xi32>
        %shift_right_logical3A_369 = arith.constant 23 : i32
        %shift_right_logical3A_370 = vector.broadcast %shift_right_logical3A_369 : i32 to vector<16xi32>
        %shift_right_logical3A_371 = arith.shrui %get3A_303, %shift_right_logical3A_370 : vector<16xi32>
        %shift_right_arithmetic3A = arith.constant 24 : i32
        %shift_right_arithmetic3A_372 = vector.broadcast %shift_right_arithmetic3A : i32 to vector<16xi32>
        %shift_right_arithmetic3A_373 = arith.shrsi %get3A_309, %shift_right_arithmetic3A_372 : vector<16xi32>
        %sub3A = arith.constant 62 : i32
        %sub3A_374 = vector.broadcast %sub3A : i32 to vector<16xi32>
        %sub3A_375 = arith.subi %shift_right_arithmetic3A_373, %sub3A_374 : vector<16xi32>
        %max3A = arith.constant 0 : i32
        %max3A_376 = vector.broadcast %max3A : i32 to vector<16xi32>
        %max3A_377 = arith.maxsi %sub3A_375, %max3A_376 : vector<16xi32>
        %min3A_378 = arith.constant 15 : i32
        %min3A_379 = vector.broadcast %min3A_378 : i32 to vector<16xi32>
        %min3A_380 = arith.minsi %max3A_377, %min3A_379 : vector<16xi32>
        %shift_right_arithmetic3A_381 = arith.constant 24 : i32
        %shift_right_arithmetic3A_382 = vector.broadcast %shift_right_arithmetic3A_381 : i32 to vector<16xi32>
        %shift_right_arithmetic3A_383 = arith.shrsi %get3A_315, %shift_right_arithmetic3A_382 : vector<16xi32>
        %sub3A_384 = arith.constant 62 : i32
        %sub3A_385 = vector.broadcast %sub3A_384 : i32 to vector<16xi32>
        %sub3A_386 = arith.subi %shift_right_arithmetic3A_383, %sub3A_385 : vector<16xi32>
        %max3A_387 = arith.constant 0 : i32
        %max3A_388 = vector.broadcast %max3A_387 : i32 to vector<16xi32>
        %max3A_389 = arith.maxsi %sub3A_386, %max3A_388 : vector<16xi32>
        %min3A_390 = arith.constant 15 : i32
        %min3A_391 = vector.broadcast %min3A_390 : i32 to vector<16xi32>
        %min3A_392 = arith.minsi %max3A_389, %min3A_391 : vector<16xi32>
        %shift_right_arithmetic3A_393 = arith.constant 24 : i32
        %shift_right_arithmetic3A_394 = vector.broadcast %shift_right_arithmetic3A_393 : i32 to vector<16xi32>
        %shift_right_arithmetic3A_395 = arith.shrsi %get3A_321, %shift_right_arithmetic3A_394 : vector<16xi32>
        %sub3A_396 = arith.constant 62 : i32
        %sub3A_397 = vector.broadcast %sub3A_396 : i32 to vector<16xi32>
        %sub3A_398 = arith.subi %shift_right_arithmetic3A_395, %sub3A_397 : vector<16xi32>
        %max3A_399 = arith.constant 0 : i32
        %max3A_400 = vector.broadcast %max3A_399 : i32 to vector<16xi32>
        %max3A_401 = arith.maxsi %sub3A_398, %max3A_400 : vector<16xi32>
        %min3A_402 = arith.constant 15 : i32
        %min3A_403 = vector.broadcast %min3A_402 : i32 to vector<16xi32>
        %min3A_404 = arith.minsi %max3A_401, %min3A_403 : vector<16xi32>
        %shift_right_arithmetic3A_405 = arith.constant 24 : i32
        %shift_right_arithmetic3A_406 = vector.broadcast %shift_right_arithmetic3A_405 : i32 to vector<16xi32>
        %shift_right_arithmetic3A_407 = arith.shrsi %get3A_327, %shift_right_arithmetic3A_406 : vector<16xi32>
        %sub3A_408 = arith.constant 62 : i32
        %sub3A_409 = vector.broadcast %sub3A_408 : i32 to vector<16xi32>
        %sub3A_410 = arith.subi %shift_right_arithmetic3A_407, %sub3A_409 : vector<16xi32>
        %max3A_411 = arith.constant 0 : i32
        %max3A_412 = vector.broadcast %max3A_411 : i32 to vector<16xi32>
        %max3A_413 = arith.maxsi %sub3A_410, %max3A_412 : vector<16xi32>
        %min3A_414 = arith.constant 15 : i32
        %min3A_415 = vector.broadcast %min3A_414 : i32 to vector<16xi32>
        %min3A_416 = arith.minsi %max3A_413, %min3A_415 : vector<16xi32>
        %shift_right_arithmetic3A_417 = arith.constant 24 : i32
        %shift_right_arithmetic3A_418 = vector.broadcast %shift_right_arithmetic3A_417 : i32 to vector<16xi32>
        %shift_right_arithmetic3A_419 = arith.shrsi %get3A_333, %shift_right_arithmetic3A_418 : vector<16xi32>
        %sub3A_420 = arith.constant 62 : i32
        %sub3A_421 = vector.broadcast %sub3A_420 : i32 to vector<16xi32>
        %sub3A_422 = arith.subi %shift_right_arithmetic3A_419, %sub3A_421 : vector<16xi32>
        %max3A_423 = arith.constant 0 : i32
        %max3A_424 = vector.broadcast %max3A_423 : i32 to vector<16xi32>
        %max3A_425 = arith.maxsi %sub3A_422, %max3A_424 : vector<16xi32>
        %min3A_426 = arith.constant 15 : i32
        %min3A_427 = vector.broadcast %min3A_426 : i32 to vector<16xi32>
        %min3A_428 = arith.minsi %max3A_425, %min3A_427 : vector<16xi32>
        %shift_right_arithmetic3A_429 = arith.constant 24 : i32
        %shift_right_arithmetic3A_430 = vector.broadcast %shift_right_arithmetic3A_429 : i32 to vector<16xi32>
        %shift_right_arithmetic3A_431 = arith.shrsi %get3A_339, %shift_right_arithmetic3A_430 : vector<16xi32>
        %sub3A_432 = arith.constant 62 : i32
        %sub3A_433 = vector.broadcast %sub3A_432 : i32 to vector<16xi32>
        %sub3A_434 = arith.subi %shift_right_arithmetic3A_431, %sub3A_433 : vector<16xi32>
        %max3A_435 = arith.constant 0 : i32
        %max3A_436 = vector.broadcast %max3A_435 : i32 to vector<16xi32>
        %max3A_437 = arith.maxsi %sub3A_434, %max3A_436 : vector<16xi32>
        %min3A_438 = arith.constant 15 : i32
        %min3A_439 = vector.broadcast %min3A_438 : i32 to vector<16xi32>
        %min3A_440 = arith.minsi %max3A_437, %min3A_439 : vector<16xi32>
        %shift_right_arithmetic3A_441 = arith.constant 24 : i32
        %shift_right_arithmetic3A_442 = vector.broadcast %shift_right_arithmetic3A_441 : i32 to vector<16xi32>
        %shift_right_arithmetic3A_443 = arith.shrsi %get3A_345, %shift_right_arithmetic3A_442 : vector<16xi32>
        %sub3A_444 = arith.constant 62 : i32
        %sub3A_445 = vector.broadcast %sub3A_444 : i32 to vector<16xi32>
        %sub3A_446 = arith.subi %shift_right_arithmetic3A_443, %sub3A_445 : vector<16xi32>
        %max3A_447 = arith.constant 0 : i32
        %max3A_448 = vector.broadcast %max3A_447 : i32 to vector<16xi32>
        %max3A_449 = arith.maxsi %sub3A_446, %max3A_448 : vector<16xi32>
        %min3A_450 = arith.constant 15 : i32
        %min3A_451 = vector.broadcast %min3A_450 : i32 to vector<16xi32>
        %min3A_452 = arith.minsi %max3A_449, %min3A_451 : vector<16xi32>
        %gather3A = tpu.vector_load_idx %arg5[%shift_right_logical3A_347] : memref<528xi32, #tpu.memory_space<vmem>>[vector<16xi32>], vector<16xi32>,
        %gather3A_453 = tpu.vector_load_idx %arg5[%shift_right_logical3A_350] : memref<528xi32, #tpu.memory_space<vmem>>[vector<16xi32>], vector<16xi32>,
        %gather3A_454 = tpu.vector_load_idx %arg5[%shift_right_logical3A_353] : memref<528xi32, #tpu.memory_space<vmem>>[vector<16xi32>], vector<16xi32>,
        %gather3A_455 = tpu.vector_load_idx %arg5[%shift_right_logical3A_356] : memref<528xi32, #tpu.memory_space<vmem>>[vector<16xi32>], vector<16xi32>,
        %gather3A_456 = tpu.vector_load_idx %arg5[%shift_right_logical3A_359] : memref<528xi32, #tpu.memory_space<vmem>>[vector<16xi32>], vector<16xi32>,
        %gather3A_457 = tpu.vector_load_idx %arg5[%shift_right_logical3A_362] : memref<528xi32, #tpu.memory_space<vmem>>[vector<16xi32>], vector<16xi32>,
        %gather3A_458 = tpu.vector_load_idx %arg5[%shift_right_logical3A_365] : memref<528xi32, #tpu.memory_space<vmem>>[vector<16xi32>], vector<16xi32>,
        %gather3A_459 = tpu.vector_load_idx %arg5[%shift_right_logical3A_368] : memref<528xi32, #tpu.memory_space<vmem>>[vector<16xi32>], vector<16xi32>,
        %gather3A_460 = tpu.vector_load_idx %arg5[%shift_right_logical3A_371] : memref<528xi32, #tpu.memory_space<vmem>>[vector<16xi32>], vector<16xi32>,
        %broadcast_in_dim3A = vector.shape_cast %min3A_380 : vector<16xi32> to vector<16x1xi32>
        %gather3A_461 = vector.shape_cast %broadcast_in_dim3A : vector<16x1xi32> to vector<16xi32>
        %gather3A_462 = tpu.dynamic_gather %get3A_3[%gather3A_461] in [0] : vector<16xi32>, vector<16xi32> -> vector<16xi32>
        %broadcast_in_dim3A_463 = vector.shape_cast %min3A_392 : vector<16xi32> to vector<16x1xi32>
        %gather3A_464 = vector.shape_cast %broadcast_in_dim3A_463 : vector<16x1xi32> to vector<16xi32>
        %gather3A_465 = tpu.dynamic_gather %get3A_3[%gather3A_464] in [0] : vector<16xi32>, vector<16xi32> -> vector<16xi32>
        %broadcast_in_dim3A_466 = vector.shape_cast %min3A_404 : vector<16xi32> to vector<16x1xi32>
        %gather3A_467 = vector.shape_cast %broadcast_in_dim3A_466 : vector<16x1xi32> to vector<16xi32>
        %gather3A_468 = tpu.dynamic_gather %get3A_3[%gather3A_467] in [0] : vector<16xi32>, vector<16xi32> -> vector<16xi32>
        %broadcast_in_dim3A_469 = vector.shape_cast %min3A_416 : vector<16xi32> to vector<16x1xi32>
        %gather3A_470 = vector.shape_cast %broadcast_in_dim3A_469 : vector<16x1xi32> to vector<16xi32>
        %gather3A_471 = tpu.dynamic_gather %get3A_3[%gather3A_470] in [0] : vector<16xi32>, vector<16xi32> -> vector<16xi32>
        %broadcast_in_dim3A_472 = vector.shape_cast %min3A_428 : vector<16xi32> to vector<16x1xi32>
        %gather3A_473 = vector.shape_cast %broadcast_in_dim3A_472 : vector<16x1xi32> to vector<16xi32>
        %gather3A_474 = tpu.dynamic_gather %get3A_3[%gather3A_473] in [0] : vector<16xi32>, vector<16xi32> -> vector<16xi32>
        %broadcast_in_dim3A_475 = vector.shape_cast %min3A_440 : vector<16xi32> to vector<16x1xi32>
        %gather3A_476 = vector.shape_cast %broadcast_in_dim3A_475 : vector<16x1xi32> to vector<16xi32>
        %gather3A_477 = tpu.dynamic_gather %get3A_3[%gather3A_476] in [0] : vector<16xi32>, vector<16xi32> -> vector<16xi32>
        %broadcast_in_dim3A_478 = vector.shape_cast %min3A_452 : vector<16xi32> to vector<16x1xi32>
        %gather3A_479 = vector.shape_cast %broadcast_in_dim3A_478 : vector<16x1xi32> to vector<16xi32>
        %gather3A_480 = tpu.dynamic_gather %get3A_3[%gather3A_479] in [0] : vector<16xi32>, vector<16xi32> -> vector<16xi32>
        %add3A_481 = arith.addi %gather3A, %get3A_255 : vector<16xi32>
        %shift_right_logical3A_482 = arith.constant 24 : i32
        %shift_right_logical3A_483 = vector.broadcast %shift_right_logical3A_482 : i32 to vector<16xi32>
        %shift_right_logical3A_484 = arith.shrui %add3A_481, %shift_right_logical3A_483 : vector<16xi32>
        %add3A_485 = arith.constant 0 : i32
        %add3A_486 = arith.addi %mul3A_249, %add3A_485 : i32
        %swap3A = arith.constant 1 : i32
        %swap3A_487 = arith.index_cast %swap3A : i32 to index
        %swap3A_488 = arith.index_cast %add3A_486 : i32 to index
        %swap3A_489 = tpu.vector_load %arg7[%swap3A_487, %swap3A_488] {strides = array<i32>} : memref<2x16384xi32, #tpu.memory_space<vmem>>, vector<16xi32>,
        tpu.vector_store %arg7[%swap3A_487, %swap3A_488], %shift_right_logical3A_484 {strides = array<i32>} : memref<2x16384xi32, #tpu.memory_space<vmem>>, vector<16xi32>,
        %add3A_490 = arith.addi %gather3A_453, %get3A_261 : vector<16xi32>
        %shift_right_logical3A_491 = arith.constant 24 : i32
        %shift_right_logical3A_492 = vector.broadcast %shift_right_logical3A_491 : i32 to vector<16xi32>
        %shift_right_logical3A_493 = arith.shrui %add3A_490, %shift_right_logical3A_492 : vector<16xi32>
        %add3A_494 = arith.constant 16 : i32
        %add3A_495 = arith.addi %mul3A_249, %add3A_494 : i32
        %swap3A_496 = arith.constant 1 : i32
        %swap3A_497 = arith.index_cast %swap3A_496 : i32 to index
        %swap3A_498 = arith.index_cast %add3A_495 : i32 to index
        %swap3A_499 = tpu.vector_load %arg7[%swap3A_497, %swap3A_498] {strides = array<i32>} : memref<2x16384xi32, #tpu.memory_space<vmem>>, vector<16xi32>,
        tpu.vector_store %arg7[%swap3A_497, %swap3A_498], %shift_right_logical3A_493 {strides = array<i32>} : memref<2x16384xi32, #tpu.memory_space<vmem>>, vector<16xi32>,
        %add3A_500 = arith.addi %gather3A_454, %get3A_267 : vector<16xi32>
        %shift_right_logical3A_501 = arith.constant 24 : i32
        %shift_right_logical3A_502 = vector.broadcast %shift_right_logical3A_501 : i32 to vector<16xi32>
        %shift_right_logical3A_503 = arith.shrui %add3A_500, %shift_right_logical3A_502 : vector<16xi32>
        %add3A_504 = arith.constant 32 : i32
        %add3A_505 = arith.addi %mul3A_249, %add3A_504 : i32
        %swap3A_506 = arith.constant 1 : i32
        %swap3A_507 = arith.index_cast %swap3A_506 : i32 to index
        %swap3A_508 = arith.index_cast %add3A_505 : i32 to index
        %swap3A_509 = tpu.vector_load %arg7[%swap3A_507, %swap3A_508] {strides = array<i32>} : memref<2x16384xi32, #tpu.memory_space<vmem>>, vector<16xi32>,
        tpu.vector_store %arg7[%swap3A_507, %swap3A_508], %shift_right_logical3A_503 {strides = array<i32>} : memref<2x16384xi32, #tpu.memory_space<vmem>>, vector<16xi32>,
        %add3A_510 = arith.addi %gather3A_455, %get3A_273 : vector<16xi32>
        %shift_right_logical3A_511 = arith.constant 24 : i32
        %shift_right_logical3A_512 = vector.broadcast %shift_right_logical3A_511 : i32 to vector<16xi32>
        %shift_right_logical3A_513 = arith.shrui %add3A_510, %shift_right_logical3A_512 : vector<16xi32>
        %add3A_514 = arith.constant 48 : i32
        %add3A_515 = arith.addi %mul3A_249, %add3A_514 : i32
        %swap3A_516 = arith.constant 1 : i32
        %swap3A_517 = arith.index_cast %swap3A_516 : i32 to index
        %swap3A_518 = arith.index_cast %add3A_515 : i32 to index
        %swap3A_519 = tpu.vector_load %arg7[%swap3A_517, %swap3A_518] {strides = array<i32>} : memref<2x16384xi32, #tpu.memory_space<vmem>>, vector<16xi32>,
        tpu.vector_store %arg7[%swap3A_517, %swap3A_518], %shift_right_logical3A_513 {strides = array<i32>} : memref<2x16384xi32, #tpu.memory_space<vmem>>, vector<16xi32>,
        %add3A_520 = arith.addi %gather3A_456, %get3A_279 : vector<16xi32>
        %shift_right_logical3A_521 = arith.constant 24 : i32
        %shift_right_logical3A_522 = vector.broadcast %shift_right_logical3A_521 : i32 to vector<16xi32>
        %shift_right_logical3A_523 = arith.shrui %add3A_520, %shift_right_logical3A_522 : vector<16xi32>
        %add3A_524 = arith.constant 64 : i32
        %add3A_525 = arith.addi %mul3A_249, %add3A_524 : i32
        %swap3A_526 = arith.constant 1 : i32
        %swap3A_527 = arith.index_cast %swap3A_526 : i32 to index
        %swap3A_528 = arith.index_cast %add3A_525 : i32 to index
        %swap3A_529 = tpu.vector_load %arg7[%swap3A_527, %swap3A_528] {strides = array<i32>} : memref<2x16384xi32, #tpu.memory_space<vmem>>, vector<16xi32>,
        tpu.vector_store %arg7[%swap3A_527, %swap3A_528], %shift_right_logical3A_523 {strides = array<i32>} : memref<2x16384xi32, #tpu.memory_space<vmem>>, vector<16xi32>,
        %add3A_530 = arith.addi %gather3A_457, %get3A_285 : vector<16xi32>
        %shift_right_logical3A_531 = arith.constant 24 : i32
        %shift_right_logical3A_532 = vector.broadcast %shift_right_logical3A_531 : i32 to vector<16xi32>
        %shift_right_logical3A_533 = arith.shrui %add3A_530, %shift_right_logical3A_532 : vector<16xi32>
        %add3A_534 = arith.constant 80 : i32
        %add3A_535 = arith.addi %mul3A_249, %add3A_534 : i32
        %swap3A_536 = arith.constant 1 : i32
        %swap3A_537 = arith.index_cast %swap3A_536 : i32 to index
        %swap3A_538 = arith.index_cast %add3A_535 : i32 to index
        %swap3A_539 = tpu.vector_load %arg7[%swap3A_537, %swap3A_538] {strides = array<i32>} : memref<2x16384xi32, #tpu.memory_space<vmem>>, vector<16xi32>,
        tpu.vector_store %arg7[%swap3A_537, %swap3A_538], %shift_right_logical3A_533 {strides = array<i32>} : memref<2x16384xi32, #tpu.memory_space<vmem>>, vector<16xi32>,
        %add3A_540 = arith.addi %gather3A_458, %get3A_291 : vector<16xi32>
        %shift_right_logical3A_541 = arith.constant 24 : i32
        %shift_right_logical3A_542 = vector.broadcast %shift_right_logical3A_541 : i32 to vector<16xi32>
        %shift_right_logical3A_543 = arith.shrui %add3A_540, %shift_right_logical3A_542 : vector<16xi32>
        %add3A_544 = arith.constant 96 : i32
        %add3A_545 = arith.addi %mul3A_249, %add3A_544 : i32
        %swap3A_546 = arith.constant 1 : i32
        %swap3A_547 = arith.index_cast %swap3A_546 : i32 to index
        %swap3A_548 = arith.index_cast %add3A_545 : i32 to index
        %swap3A_549 = tpu.vector_load %arg7[%swap3A_547, %swap3A_548] {strides = array<i32>} : memref<2x16384xi32, #tpu.memory_space<vmem>>, vector<16xi32>,
        tpu.vector_store %arg7[%swap3A_547, %swap3A_548], %shift_right_logical3A_543 {strides = array<i32>} : memref<2x16384xi32, #tpu.memory_space<vmem>>, vector<16xi32>,
        %add3A_550 = arith.addi %gather3A_459, %get3A_297 : vector<16xi32>
        %shift_right_logical3A_551 = arith.constant 24 : i32
        %shift_right_logical3A_552 = vector.broadcast %shift_right_logical3A_551 : i32 to vector<16xi32>
        %shift_right_logical3A_553 = arith.shrui %add3A_550, %shift_right_logical3A_552 : vector<16xi32>
        %add3A_554 = arith.constant 112 : i32
        %add3A_555 = arith.addi %mul3A_249, %add3A_554 : i32
        %swap3A_556 = arith.constant 1 : i32
        %swap3A_557 = arith.index_cast %swap3A_556 : i32 to index
        %swap3A_558 = arith.index_cast %add3A_555 : i32 to index
        %swap3A_559 = tpu.vector_load %arg7[%swap3A_557, %swap3A_558] {strides = array<i32>} : memref<2x16384xi32, #tpu.memory_space<vmem>>, vector<16xi32>,
        tpu.vector_store %arg7[%swap3A_557, %swap3A_558], %shift_right_logical3A_553 {strides = array<i32>} : memref<2x16384xi32, #tpu.memory_space<vmem>>, vector<16xi32>,
        %add3A_560 = arith.addi %gather3A_460, %get3A_303 : vector<16xi32>
        %shift_right_logical3A_561 = arith.constant 24 : i32
        %shift_right_logical3A_562 = vector.broadcast %shift_right_logical3A_561 : i32 to vector<16xi32>
        %shift_right_logical3A_563 = arith.shrui %add3A_560, %shift_right_logical3A_562 : vector<16xi32>
        %add3A_564 = arith.constant 128 : i32
        %add3A_565 = arith.addi %mul3A_249, %add3A_564 : i32
        %swap3A_566 = arith.constant 1 : i32
        %swap3A_567 = arith.index_cast %swap3A_566 : i32 to index
        %swap3A_568 = arith.index_cast %add3A_565 : i32 to index
        %swap3A_569 = tpu.vector_load %arg7[%swap3A_567, %swap3A_568] {strides = array<i32>} : memref<2x16384xi32, #tpu.memory_space<vmem>>, vector<16xi32>,
        tpu.vector_store %arg7[%swap3A_567, %swap3A_568], %shift_right_logical3A_563 {strides = array<i32>} : memref<2x16384xi32, #tpu.memory_space<vmem>>, vector<16xi32>,
        %and3A = arith.constant 16777215 : i32
        %and3A_570 = vector.broadcast %and3A : i32 to vector<16xi32>
        %and3A_571 = arith.andi %get3A_309, %and3A_570 : vector<16xi32>
        %add3A_572 = arith.addi %gather3A_462, %and3A_571 : vector<16xi32>
        %shift_right_logical3A_573 = arith.constant 24 : i32
        %shift_right_logical3A_574 = vector.broadcast %shift_right_logical3A_573 : i32 to vector<16xi32>
        %shift_right_logical3A_575 = arith.shrui %add3A_572, %shift_right_logical3A_574 : vector<16xi32>
        %add3A_576 = arith.constant 144 : i32
        %add3A_577 = arith.addi %mul3A_249, %add3A_576 : i32
        %swap3A_578 = arith.constant 1 : i32
        %swap3A_579 = arith.index_cast %swap3A_578 : i32 to index
        %swap3A_580 = arith.index_cast %add3A_577 : i32 to index
        %swap3A_581 = tpu.vector_load %arg7[%swap3A_579, %swap3A_580] {strides = array<i32>} : memref<2x16384xi32, #tpu.memory_space<vmem>>, vector<16xi32>,
        tpu.vector_store %arg7[%swap3A_579, %swap3A_580], %shift_right_logical3A_575 {strides = array<i32>} : memref<2x16384xi32, #tpu.memory_space<vmem>>, vector<16xi32>,
        %and3A_582 = arith.constant 16777215 : i32
        %and3A_583 = vector.broadcast %and3A_582 : i32 to vector<16xi32>
        %and3A_584 = arith.andi %get3A_315, %and3A_583 : vector<16xi32>
        %add3A_585 = arith.addi %gather3A_465, %and3A_584 : vector<16xi32>
        %shift_right_logical3A_586 = arith.constant 24 : i32
        %shift_right_logical3A_587 = vector.broadcast %shift_right_logical3A_586 : i32 to vector<16xi32>
        %shift_right_logical3A_588 = arith.shrui %add3A_585, %shift_right_logical3A_587 : vector<16xi32>
        %add3A_589 = arith.constant 160 : i32
        %add3A_590 = arith.addi %mul3A_249, %add3A_589 : i32
        %swap3A_591 = arith.constant 1 : i32
        %swap3A_592 = arith.index_cast %swap3A_591 : i32 to index
        %swap3A_593 = arith.index_cast %add3A_590 : i32 to index
        %swap3A_594 = tpu.vector_load %arg7[%swap3A_592, %swap3A_593] {strides = array<i32>} : memref<2x16384xi32, #tpu.memory_space<vmem>>, vector<16xi32>,
        tpu.vector_store %arg7[%swap3A_592, %swap3A_593], %shift_right_logical3A_588 {strides = array<i32>} : memref<2x16384xi32, #tpu.memory_space<vmem>>, vector<16xi32>,
        %and3A_595 = arith.constant 16777215 : i32
        %and3A_596 = vector.broadcast %and3A_595 : i32 to vector<16xi32>
        %and3A_597 = arith.andi %get3A_321, %and3A_596 : vector<16xi32>
        %add3A_598 = arith.addi %gather3A_468, %and3A_597 : vector<16xi32>
        %shift_right_logical3A_599 = arith.constant 24 : i32
        %shift_right_logical3A_600 = vector.broadcast %shift_right_logical3A_599 : i32 to vector<16xi32>
        %shift_right_logical3A_601 = arith.shrui %add3A_598, %shift_right_logical3A_600 : vector<16xi32>
        %add3A_602 = arith.constant 176 : i32
        %add3A_603 = arith.addi %mul3A_249, %add3A_602 : i32
        %swap3A_604 = arith.constant 1 : i32
        %swap3A_605 = arith.index_cast %swap3A_604 : i32 to index
        %swap3A_606 = arith.index_cast %add3A_603 : i32 to index
        %swap3A_607 = tpu.vector_load %arg7[%swap3A_605, %swap3A_606] {strides = array<i32>} : memref<2x16384xi32, #tpu.memory_space<vmem>>, vector<16xi32>,
        tpu.vector_store %arg7[%swap3A_605, %swap3A_606], %shift_right_logical3A_601 {strides = array<i32>} : memref<2x16384xi32, #tpu.memory_space<vmem>>, vector<16xi32>,
        %and3A_608 = arith.constant 16777215 : i32
        %and3A_609 = vector.broadcast %and3A_608 : i32 to vector<16xi32>
        %and3A_610 = arith.andi %get3A_327, %and3A_609 : vector<16xi32>
        %add3A_611 = arith.addi %gather3A_471, %and3A_610 : vector<16xi32>
        %shift_right_logical3A_612 = arith.constant 24 : i32
        %shift_right_logical3A_613 = vector.broadcast %shift_right_logical3A_612 : i32 to vector<16xi32>
        %shift_right_logical3A_614 = arith.shrui %add3A_611, %shift_right_logical3A_613 : vector<16xi32>
        %add3A_615 = arith.constant 192 : i32
        %add3A_616 = arith.addi %mul3A_249, %add3A_615 : i32
        %swap3A_617 = arith.constant 1 : i32
        %swap3A_618 = arith.index_cast %swap3A_617 : i32 to index
        %swap3A_619 = arith.index_cast %add3A_616 : i32 to index
        %swap3A_620 = tpu.vector_load %arg7[%swap3A_618, %swap3A_619] {strides = array<i32>} : memref<2x16384xi32, #tpu.memory_space<vmem>>, vector<16xi32>,
        tpu.vector_store %arg7[%swap3A_618, %swap3A_619], %shift_right_logical3A_614 {strides = array<i32>} : memref<2x16384xi32, #tpu.memory_space<vmem>>, vector<16xi32>,
        %and3A_621 = arith.constant 16777215 : i32
        %and3A_622 = vector.broadcast %and3A_621 : i32 to vector<16xi32>
        %and3A_623 = arith.andi %get3A_333, %and3A_622 : vector<16xi32>
        %add3A_624 = arith.addi %gather3A_474, %and3A_623 : vector<16xi32>
        %shift_right_logical3A_625 = arith.constant 24 : i32
        %shift_right_logical3A_626 = vector.broadcast %shift_right_logical3A_625 : i32 to vector<16xi32>
        %shift_right_logical3A_627 = arith.shrui %add3A_624, %shift_right_logical3A_626 : vector<16xi32>
        %add3A_628 = arith.constant 208 : i32
        %add3A_629 = arith.addi %mul3A_249, %add3A_628 : i32
        %swap3A_630 = arith.constant 1 : i32
        %swap3A_631 = arith.index_cast %swap3A_630 : i32 to index
        %swap3A_632 = arith.index_cast %add3A_629 : i32 to index
        %swap3A_633 = tpu.vector_load %arg7[%swap3A_631, %swap3A_632] {strides = array<i32>} : memref<2x16384xi32, #tpu.memory_space<vmem>>, vector<16xi32>,
        tpu.vector_store %arg7[%swap3A_631, %swap3A_632], %shift_right_logical3A_627 {strides = array<i32>} : memref<2x16384xi32, #tpu.memory_space<vmem>>, vector<16xi32>,
        %and3A_634 = arith.constant 16777215 : i32
        %and3A_635 = vector.broadcast %and3A_634 : i32 to vector<16xi32>
        %and3A_636 = arith.andi %get3A_339, %and3A_635 : vector<16xi32>
        %add3A_637 = arith.addi %gather3A_477, %and3A_636 : vector<16xi32>
        %shift_right_logical3A_638 = arith.constant 24 : i32
        %shift_right_logical3A_639 = vector.broadcast %shift_right_logical3A_638 : i32 to vector<16xi32>
        %shift_right_logical3A_640 = arith.shrui %add3A_637, %shift_right_logical3A_639 : vector<16xi32>
        %add3A_641 = arith.constant 224 : i32
        %add3A_642 = arith.addi %mul3A_249, %add3A_641 : i32
        %swap3A_643 = arith.constant 1 : i32
        %swap3A_644 = arith.index_cast %swap3A_643 : i32 to index
        %swap3A_645 = arith.index_cast %add3A_642 : i32 to index
        %swap3A_646 = tpu.vector_load %arg7[%swap3A_644, %swap3A_645] {strides = array<i32>} : memref<2x16384xi32, #tpu.memory_space<vmem>>, vector<16xi32>,
        tpu.vector_store %arg7[%swap3A_644, %swap3A_645], %shift_right_logical3A_640 {strides = array<i32>} : memref<2x16384xi32, #tpu.memory_space<vmem>>, vector<16xi32>,
        %and3A_647 = arith.constant 16777215 : i32
        %and3A_648 = vector.broadcast %and3A_647 : i32 to vector<16xi32>
        %and3A_649 = arith.andi %get3A_345, %and3A_648 : vector<16xi32>
        %add3A_650 = arith.addi %gather3A_480, %and3A_649 : vector<16xi32>
        %shift_right_logical3A_651 = arith.constant 24 : i32
        %shift_right_logical3A_652 = vector.broadcast %shift_right_logical3A_651 : i32 to vector<16xi32>
        %shift_right_logical3A_653 = arith.shrui %add3A_650, %shift_right_logical3A_652 : vector<16xi32>
        %add3A_654 = arith.constant 240 : i32
        %add3A_655 = arith.addi %mul3A_249, %add3A_654 : i32
        %swap3A_656 = arith.constant 1 : i32
        %swap3A_657 = arith.index_cast %swap3A_656 : i32 to index
        %swap3A_658 = arith.index_cast %add3A_655 : i32 to index
        %swap3A_659 = tpu.vector_load %arg7[%swap3A_657, %swap3A_658] {strides = array<i32>} : memref<2x16384xi32, #tpu.memory_space<vmem>>, vector<16xi32>,
        tpu.vector_store %arg7[%swap3A_657, %swap3A_658], %shift_right_logical3A_653 {strides = array<i32>} : memref<2x16384xi32, #tpu.memory_space<vmem>>, vector<16xi32>,
      }
      %scan3A_224 = arith.constant 64 : i32
      %dma_start3A_225 = arith.constant 1 : i32
      %dma_start3A_226 = arith.constant 0 : i32
      %dma_start3A_227 = tpu.memref_slice %arg7[%dma_start3A_225, %dma_start3A_226] : memref<2x16384xi32, #tpu.memory_space<vmem>> -> memref<1x16384xi32, #tpu.memory_space<vmem>>
      %dma_start3A_228 = tpu.memref_squeeze %dma_start3A_227 : memref<1x16384xi32, #tpu.memory_space<vmem>> -> memref<16384xi32, #tpu.memory_space<vmem>>
      %dma_start3A_229 = tpu.memref_slice %arg4[%add3A_200] : memref<16777216xi32, #tpu.memory_space<hbm>> -> memref<16384xi32, #tpu.memory_space<hbm>>
      %dma_start3A_230 = tpu.memref_slice %arg4[%add3A_200] : memref<16777216xi32, #tpu.memory_space<hbm>> -> memref<16384xi32, #tpu.memory_space<hbm>>
      %dma_start3A_231 = arith.constant 0 : i32
      %dma_start3A_232 = tpu.memref_slice %arg7[%dma_start3A_225, %dma_start3A_231] : memref<2x16384xi32, #tpu.memory_space<vmem>> -> memref<1x16384xi32, #tpu.memory_space<vmem>>
      %dma_start3A_233 = tpu.memref_squeeze %dma_start3A_232 : memref<1x16384xi32, #tpu.memory_space<vmem>> -> memref<16384xi32, #tpu.memory_space<vmem>>
      tpu.enqueue_dma source(%dma_start3A_233 : memref<16384xi32, #tpu.memory_space<vmem>>) target(%dma_start3A_230 : memref<16384xi32, #tpu.memory_space<hbm>>) target_semaphore(%arg11 : memref<!tpu.dma_semaphore, #tpu.memory_space<semaphore_mem>>)
      %add3A_234 = arith.constant 32768 : i32
      %add3A_235 = arith.addi %add3A_200, %add3A_234 : i32
      %min3A_236 = arith.constant 16760832 : i32
      %min3A_237 = arith.minsi %add3A_235, %min3A_236 : i32
      %dma_start3A_238 = arith.constant 1 : i32
      %dma_start3A_239 = arith.constant 0 : i32
      %dma_start3A_240 = tpu.memref_slice %arg6[%dma_start3A_238, %dma_start3A_239] : memref<2x16384xi32, #tpu.memory_space<vmem>> -> memref<1x16384xi32, #tpu.memory_space<vmem>>
      %dma_start3A_241 = tpu.memref_squeeze %dma_start3A_240 : memref<1x16384xi32, #tpu.memory_space<vmem>> -> memref<16384xi32, #tpu.memory_space<vmem>>
      %dma_start3A_242 = tpu.memref_slice %arg2[%min3A_237] : memref<16777216xi32, #tpu.memory_space<hbm>> -> memref<16384xi32, #tpu.memory_space<hbm>>
      %dma_start3A_243 = arith.constant 0 : i32
      %dma_start3A_244 = tpu.memref_slice %arg6[%dma_start3A_238, %dma_start3A_243] : memref<2x16384xi32, #tpu.memory_space<vmem>> -> memref<1x16384xi32, #tpu.memory_space<vmem>>
      %dma_start3A_245 = tpu.memref_squeeze %dma_start3A_244 : memref<1x16384xi32, #tpu.memory_space<vmem>> -> memref<16384xi32, #tpu.memory_space<vmem>>
      %dma_start3A_246 = tpu.memref_slice %arg2[%min3A_237] : memref<16777216xi32, #tpu.memory_space<hbm>> -> memref<16384xi32, #tpu.memory_space<hbm>>
      tpu.enqueue_dma source(%dma_start3A_246 : memref<16384xi32, #tpu.memory_space<hbm>>) target(%dma_start3A_245 : memref<16384xi32, #tpu.memory_space<vmem>>) target_semaphore(%arg9 : memref<!tpu.dma_semaphore, #tpu.memory_space<semaphore_mem>>)
    }
    %scan3A_103 = arith.constant 15 : i32
    %dma_wait3A_104 = arith.constant 0 : i32
    %dma_wait3A_105 = arith.constant 0 : i32
    %dma_wait3A_106 = tpu.memref_slice %arg6[%dma_wait3A_104, %dma_wait3A_105] : memref<2x16384xi32, #tpu.memory_space<vmem>> -> memref<1x16384xi32, #tpu.memory_space<vmem>>
    %dma_wait3A_107 = tpu.memref_squeeze %dma_wait3A_106 : memref<1x16384xi32, #tpu.memory_space<vmem>> -> memref<16384xi32, #tpu.memory_space<vmem>>
    %dma_wait3A_108 = tpu.memref_slice %arg2[%mul3A_2] : memref<16777216xi32, #tpu.memory_space<hbm>> -> memref<16384xi32, #tpu.memory_space<hbm>>
    %dma_wait3A_109 = arith.constant 0 : i32
    %dma_wait3A_110 = tpu.memref_slice %arg6[%dma_wait3A_104, %dma_wait3A_109] : memref<2x16384xi32, #tpu.memory_space<vmem>> -> memref<1x16384xi32, #tpu.memory_space<vmem>>
    %dma_wait3A_111 = tpu.memref_squeeze %dma_wait3A_110 : memref<1x16384xi32, #tpu.memory_space<vmem>> -> memref<16384xi32, #tpu.memory_space<vmem>>
    %dma_wait3A_112 = tpu.memref_slice %arg2[%mul3A_2] : memref<16777216xi32, #tpu.memory_space<hbm>> -> memref<16384xi32, #tpu.memory_space<hbm>>
    tpu.wait_dma2 semaphore(%arg8 : memref<!tpu.dma_semaphore, #tpu.memory_space<semaphore_mem>>) src(%dma_wait3A_112 : memref<16384xi32, #tpu.memory_space<hbm>>) dst(%dma_wait3A_111 : memref<16384xi32, #tpu.memory_space<vmem>>)
    %dma_wait3A_113 = arith.constant 0 : i32
    %dma_wait3A_114 = arith.constant 0 : i32
    %dma_wait3A_115 = tpu.memref_slice %arg7[%dma_wait3A_113, %dma_wait3A_114] : memref<2x16384xi32, #tpu.memory_space<vmem>> -> memref<1x16384xi32, #tpu.memory_space<vmem>>
    %dma_wait3A_116 = tpu.memref_squeeze %dma_wait3A_115 : memref<1x16384xi32, #tpu.memory_space<vmem>> -> memref<16384xi32, #tpu.memory_space<vmem>>
    %dma_wait3A_117 = tpu.memref_slice %arg4[%mul3A_2] : memref<16777216xi32, #tpu.memory_space<hbm>> -> memref<16384xi32, #tpu.memory_space<hbm>>
    %dma_wait3A_118 = tpu.memref_slice %arg4[%mul3A_2] : memref<16777216xi32, #tpu.memory_space<hbm>> -> memref<16384xi32, #tpu.memory_space<hbm>>
    %dma_wait3A_119 = arith.constant 0 : i32
    %dma_wait3A_120 = tpu.memref_slice %arg7[%dma_wait3A_113, %dma_wait3A_119] : memref<2x16384xi32, #tpu.memory_space<vmem>> -> memref<1x16384xi32, #tpu.memory_space<vmem>>
    %dma_wait3A_121 = tpu.memref_squeeze %dma_wait3A_120 : memref<1x16384xi32, #tpu.memory_space<vmem>> -> memref<16384xi32, #tpu.memory_space<vmem>>
    tpu.wait_dma2 semaphore(%arg10 : memref<!tpu.dma_semaphore, #tpu.memory_space<semaphore_mem>>) src(%dma_wait3A_121 : memref<16384xi32, #tpu.memory_space<vmem>>) dst(%dma_wait3A_118 : memref<16384xi32, #tpu.memory_space<hbm>>)
    %dma_wait3A_122 = arith.constant 1 : i32
    %dma_wait3A_123 = arith.constant 0 : i32
    %dma_wait3A_124 = tpu.memref_slice %arg6[%dma_wait3A_122, %dma_wait3A_123] : memref<2x16384xi32, #tpu.memory_space<vmem>> -> memref<1x16384xi32, #tpu.memory_space<vmem>>
    %dma_wait3A_125 = tpu.memref_squeeze %dma_wait3A_124 : memref<1x16384xi32, #tpu.memory_space<vmem>> -> memref<16384xi32, #tpu.memory_space<vmem>>
    %dma_wait3A_126 = tpu.memref_slice %arg2[%mul3A_2] : memref<16777216xi32, #tpu.memory_space<hbm>> -> memref<16384xi32, #tpu.memory_space<hbm>>
    %dma_wait3A_127 = arith.constant 0 : i32
    %dma_wait3A_128 = tpu.memref_slice %arg6[%dma_wait3A_122, %dma_wait3A_127] : memref<2x16384xi32, #tpu.memory_space<vmem>> -> memref<1x16384xi32, #tpu.memory_space<vmem>>
    %dma_wait3A_129 = tpu.memref_squeeze %dma_wait3A_128 : memref<1x16384xi32, #tpu.memory_space<vmem>> -> memref<16384xi32, #tpu.memory_space<vmem>>
    %dma_wait3A_130 = tpu.memref_slice %arg2[%mul3A_2] : memref<16777216xi32, #tpu.memory_space<hbm>> -> memref<16384xi32, #tpu.memory_space<hbm>>
    tpu.wait_dma2 semaphore(%arg9 : memref<!tpu.dma_semaphore, #tpu.memory_space<semaphore_mem>>) src(%dma_wait3A_130 : memref<16384xi32, #tpu.memory_space<hbm>>) dst(%dma_wait3A_129 : memref<16384xi32, #tpu.memory_space<vmem>>)
    %dma_wait3A_131 = arith.constant 1 : i32
    %dma_wait3A_132 = arith.constant 0 : i32
    %dma_wait3A_133 = tpu.memref_slice %arg7[%dma_wait3A_131, %dma_wait3A_132] : memref<2x16384xi32, #tpu.memory_space<vmem>> -> memref<1x16384xi32, #tpu.memory_space<vmem>>
    %dma_wait3A_134 = tpu.memref_squeeze %dma_wait3A_133 : memref<1x16384xi32, #tpu.memory_space<vmem>> -> memref<16384xi32, #tpu.memory_space<vmem>>
    %dma_wait3A_135 = tpu.memref_slice %arg4[%mul3A_2] : memref<16777216xi32, #tpu.memory_space<hbm>> -> memref<16384xi32, #tpu.memory_space<hbm>>
    %dma_wait3A_136 = tpu.memref_slice %arg4[%mul3A_2] : memref<16777216xi32, #tpu.memory_space<hbm>> -> memref<16384xi32, #tpu.memory_space<hbm>>
    %dma_wait3A_137 = arith.constant 0 : i32
    %dma_wait3A_138 = tpu.memref_slice %arg7[%dma_wait3A_131, %dma_wait3A_137] : memref<2x16384xi32, #tpu.memory_space<vmem>> -> memref<1x16384xi32, #tpu.memory_space<vmem>>
    %dma_wait3A_139 = tpu.memref_squeeze %dma_wait3A_138 : memref<1x16384xi32, #tpu.memory_space<vmem>> -> memref<16384xi32, #tpu.memory_space<vmem>>
    tpu.wait_dma2 semaphore(%arg11 : memref<!tpu.dma_semaphore, #tpu.memory_space<semaphore_mem>>) src(%dma_wait3A_139 : memref<16384xi32, #tpu.memory_space<vmem>>) dst(%dma_wait3A_136 : memref<16384xi32, #tpu.memory_space<hbm>>)
    return
  }
}

</mosaic_0001>

<sc_bundles>
// kernel: kernel.3.cloned.1.call-start
scs
__scs_entry_jumppad:
0x0: {  	(pc) =	sbr.rel $0x88, $3  }
0x1: {  	(tag) =	ssettag $0x0;
	lr =	simm.s32 $0x1  }
0x2: {  	[smem:$0x3F9F] =	sst lr;
	_ =	strace $0xD0000000  }
0x3: {  	_ = 	snop  }
0x4: {  	_ = 	snop  }
0x5: {  	_ = 	snop  }
0x6: {  	_ = 	snop  }
0x7: {  	_ = 	snop  }
__scs_overlays_trampoline_lowered:
0x8: {  	[smem:$0x3FAE] =	sst s0  }
0x9: {  	[smem:$0x3FAF] =	sst s1  }
0xa: {  	[smem:$0x3FB0] =	sst s2  }
0xb: {  	[smem:$0x3FB1] =	sst s3  }
0xc: {  	[smem:$0x3FB2] =	sst s4  }
0xd: {  	[smem:$0x3FB3] =	sst s5  }
0xe: {  	[smem:$0x3FB4] =	sst s6  }
0xf: {  	[smem:$0x3FB5] =	sst s7  }
0x10: {  	[smem:$0x3FB6] =	sst s8  }
0x11: {  	[smem:$0x3FB7] =	sst s9;
	s0 =	simm.s32 @!p0 $0x0  }
0x12: {  	s1 =	sld [smem:$0x3F9D];
	s0 =	simm.s32 @p0 $0x1  }
0x13: {  	[smem:$0x3FB8] =	sst s0;
	s0 =	simm.s32 @!p1 $0x0  }
0x14: {  	s2 =	sld [smem:$0x3F9C];
	s0 =	simm.s32 @p1 $0x1  }
0x15: {  	[smem:$0x3FB9] =	sst s0;
	s0 =	simm.s32 @!p2 $0x0  }
0x16: {  	s3 =	sld [smem:$0x3FDB];
	s0 =	simm.s32 @p2 $0x1  }
0x17: {  	s4 =	simm.s32 $0x1BF5;
	[smem:$0x3FBB] =	sst s0  }
0x18: {  	s0 =	sld [smem:$0x3F9E];
	_ =	swait.ge [sflag:s4], $0x0  }
0x19: {  	s7 =	sld [smem:$0x3F9F]  }
0x1a: {  	s8 =	sadd.s32 $0xFFFFE003, lr  }
0x1b: {  	s9 =	sadd.s32 $0xFFFFFEF7, lr;
	s5 =	simm.s32 $0xFFFFFFFF;
	p2 =	slt.u32 s8, $0xFFFFF086  }
0x1c: {  	p1 =	slt.u32 s9, $0xF7A;
	s5 =	simm.s32 @!p2 $0x0  }
0x1d: {  	s5 =	simm.s32 @p1 $0x1;
	p0 =	seq.s32 s7, s2  }
0x1e: {  	s7 =	smul.u32 @!p0 $0xF7A, s2;
	p2 =	seq.s32 @!p0 s5, $0x0  }
0x1f: {  	s9 =	smul.u32 $0xF7A, s1;
	s8 =	simm.s32 @!p0 $0x1BF5;
	p2 =	por !p2, p0  }
0x20: {  	[sflag:s8] =	ssyncset.s32 @!p0 $0xFFFFF086;
	s6 =	sadd.s32 @!p0 s3, s7;
	s7 =	simm.s32 @!p0 $0x108  }
0x21: {  	s3 =	sadd.s32 s3, s9;
	s6 =	sadd.s32 @!p0 $0x88, s6;
	s7 =	simm.s32 @p2 $0x1082  }
0x22: {  	[simem:s7], [sflag:s8] =	dma.local @!p0 [hbm:s6], $0xF7A  }
0x23: {  	s9 =	sor.u32 $0xD0000000, s2;
	s6 =	simm.s32 $0x108;
	_ =	swait.ge @!p0 [sflag:s8], $0x0  }
0x24: {  	s3 =	sadd.s32 $0x88, s3;
	s6 =	simm.s32 @!p1 $0x1082;
	[sflag:s4] =	ssyncset.s32 $0xFFFFF086  }
0x25: {  	[simem:s6], [sflag:s4] =	dma.local [hbm:s3], $0xF7A  }
0x26: {  	[smem:$0x3F9F] =	sst s1;
	(tag) =	ssettag s2;
	_ =	strace s9  }
0x27: {  	s1 =	sld [smem:$0x3FAF]  }
0x28: {  	s2 =	sld [smem:$0x3FB0]  }
0x29: {  	s4 =	sld [smem:$0x3FB2]  }
0x2a: {  	p0 =	seq.s32 s5, $0x0;
	s5 =	sld [smem:$0x3FB3]  }
0x2b: {  	s6 =	sld [smem:$0x3FB4]  }
0x2c: {  	s7 =	sld [smem:$0x3FB5]  }
0x2d: {  	s3 =	simm.s32 $0x108;
	s8 =	sld [smem:$0x3FB6]  }
0x2e: {  	s3 =	simm.s32 @!p0 $0x1082;
	s9 =	sld [smem:$0x3FB7]  }
0x2f: {  	lr =	sadd.s32 s0, s3;
	s0 =	sld [smem:$0x3FAE]  }
0x30: {  	s3 =	sld [smem:$0x3FB1]  }
0x31: {  	[smem:$0x3FBA] =	sst s10  }
0x32: {  	s10 =	sld [smem:$0x3FB8];
	_ =	sdelay $0x3  }
0x33: {  	p0 =	seq.s32 s10, $0x1;
	s10 =	sld [smem:$0x3FBA];
	_ =	sdelay $0x3  }
0x34: {  	[smem:$0x3FBA] =	sst s10  }
0x35: {  	s10 =	sld [smem:$0x3FB9];
	_ =	sdelay $0x3  }
0x36: {  	p1 =	seq.s32 s10, $0x1;
	s10 =	sld [smem:$0x3FBA];
	_ =	sdelay $0x3  }
0x37: {  	[smem:$0x3FBA] =	sst s10  }
0x38: {  	s10 =	sld [smem:$0x3FBB]  }
0x39: {  	_ = 	snop;
	(pc) =	sbr.ind lr, $3  }
0x3a: {  	_ = 	snop  }
0x3b: {  	_ = 	snop  }
0x3c: {  	p2 =	seq.s32 s10, $0x1;
	s10 =	sld [smem:$0x3FBA]  }
0x3d: {  	_ =	shalt  }
0x3e: {  	_ =	shalt  }
0x3f: {  	_ =	shalt  }
0x40: {  	_ =	shalt  }
0x41: {  	_ =	shalt  }
0x42: {  	_ =	shalt  }
0x43: {  	_ =	shalt  }
0x44: {  	_ =	shalt  }
0x45: {  	_ =	shalt  }
0x46: {  	_ =	shalt  }
0x47: {  	_ =	shalt  }
0x48: {  	_ =	shalt  }
0x49: {  	_ =	shalt  }
0x4a: {  	_ =	shalt  }
0x4b: {  	_ =	shalt  }
0x4c: {  	_ =	shalt  }
0x4d: {  	_ =	shalt  }
0x4e: {  	_ =	shalt  }
0x4f: {  	_ =	shalt  }
0x50: {  	_ =	shalt  }
0x51: {  	_ =	shalt  }
0x52: {  	_ =	shalt  }
0x53: {  	_ =	shalt  }
0x54: {  	_ =	shalt  }
0x55: {  	_ =	shalt  }
0x56: {  	_ =	shalt  }
0x57: {  	_ =	shalt  }
0x58: {  	_ =	shalt  }
0x59: {  	_ =	shalt  }
0x5a: {  	_ =	shalt  }
0x5b: {  	_ =	shalt  }
0x5c: {  	_ =	shalt  }
0x5d: {  	_ =	shalt  }
0x5e: {  	_ =	shalt  }
0x5f: {  	_ =	shalt  }
0x60: {  	_ =	shalt  }
0x61: {  	_ =	shalt  }
0x62: {  	_ =	shalt  }
0x63: {  	_ =	shalt  }
0x64: {  	_ =	shalt  }
0x65: {  	_ =	shalt  }
0x66: {  	_ =	shalt  }
0x67: {  	_ =	shalt  }
0x68: {  	_ =	shalt  }
0x69: {  	_ =	shalt  }
0x6a: {  	_ =	shalt  }
0x6b: {  	_ =	shalt  }
0x6c: {  	_ =	shalt  }
0x6d: {  	_ =	shalt  }
0x6e: {  	_ =	shalt  }
0x6f: {  	_ =	shalt  }
0x70: {  	_ =	shalt  }
0x71: {  	_ =	shalt  }
0x72: {  	_ =	shalt  }
0x73: {  	_ =	shalt  }
0x74: {  	_ =	shalt  }
0x75: {  	_ =	shalt  }
0x76: {  	_ =	shalt  }
0x77: {  	_ =	shalt  }
0x78: {  	_ =	shalt  }
0x79: {  	_ =	shalt  }
0x7a: {  	_ =	shalt  }
0x7b: {  	_ =	shalt  }
0x7c: {  	_ =	shalt  }
0x7d: {  	_ =	shalt  }
0x7e: {  	_ =	shalt  }
0x7f: {  	_ =	shalt  }
0x80: {  	_ =	shalt  }
0x81: {  	_ =	shalt  }
0x82: {  	_ =	shalt  }
0x83: {  	_ =	shalt  }
0x84: {  	_ =	shalt  }
0x85: {  	_ =	shalt  }
0x86: {  	_ =	shalt  }
0x87: {  	_ =	shalt  }
.Lfunc_end0:
.L_simem_size_0:
called_computation_lowered:
.L_overlay_start_0:
0x88: {  	s2 =	sld [smem:$0x3FD9]  }
0x89: {  	s3 =	sld [smem:$0x3FFE];
	_ =	sdelay $0x1  }
0x8a: {  	s1 =	srdreg.scid  }
0x8b: {  	s0 =	sand.u32 $0x1, s1  }
0x8c: {  	s17 =	sshll.u32 s0, $0xA;
	s2 =	sadd.s32 s3, s2  }
0x8d: {  	s2 =	sadd.s32 s2, s17  }
0x8e: {  	[smem:$0x3FC6] =	sst s2  }
0x8f: {  	_ = 	snop  }
0x90: {  	s2 =	sld [smem:$0x3FD0];
	(tm) =	ssettm $0x1  }
0x91: {  	s18 =	sld [smem:$0x3FFB];
	_ =	sdelay $0x3  }
0x92: {  	_ =	strace s18  }
0x93: {  	s3 =	sld [smem:$0x3FFC];
	_ =	sdelay $0x3  }
0x94: {  	_ =	strace s3  }
0x95: {  	s3 =	sld [smem:$0x3FFD];
	_ =	sdelay $0x3  }
0x96: {  	_ =	strace s3  }
0x97: {  	_ =	strace $0x8FFFFFFF  }
0x98: {  	s19 =	sld [smem:$0x3FDB];
	_ =	sdelay $0x1  }
0x99: {  	s4 =	simm.s32 $_scs_section_size  }
0x9a: {  	s5 =	simm.s32 $_size__tile_overlayer_lowered;
	s6 =	simm.s32 $_tile_overlayer_lowered  }
0x9b: {  	s22 =	simm.s32 $0x1BFF;
	s21 =	sshll.u32 s6, $0x1;
	s3 =	sadd.s32 s4, s19  }
0x9c: {  	s7 =	simm.s32 $0x0;
	s20 =	sshll.u32 s5, $0x1;
	s5 =	sadd.s32 s21, s3  }
0x9d: {  	[timem:s7], [sflag:s22] =	dma.local [hbm:s5], s20  }
0x9e: {  	_ =	swait.ge [sflag:s22], s20  }
0x9f: {  	s4 =	ssub.s32 $0x0, s20;
	[sflag:s22] =	ssyncset.done $0x0  }
0xa0: {  	[sflag:s22] =	ssyncadd.s32 s4;
	_ =	sdelay $0x1  }
0xa1: {  	s23 =	simm.s32 $0x1B8B  }
0xa2: {  	_ =	swait.ge [sflag:s23], $0x1  }
0xa3: {  	[sflag:s23] =	ssyncset.done $0x0  }
0xa4: {  	s25 =	simm.s32 $0x1B8E;
	s24 =	sld [smem:$0x3FFE];
	[sflag:s23] =	ssyncadd.s32 $0xFFFFFFFF  }
0xa5: {  	s26 =	simm.s32 $execute0_lowered;
	[smem:$0x3FD2] =	sst s25  }
0xa6: {  	s5 =	sshll.u32 s26, $0x1;
	_ =	strace $0x80000046;
	[dreg:$0x1] =	wrdreg $0xFFFFFFFF  }
0xa7: {  	s28 =	simm.s32 $_size_execute0_lowered;
	s3 =	sadd.s32 s3, s5;
	[dreg:$0x0] =	wrdreg $0x0  }
0xa8: {  	s5 =	sshll.u32 s28, $0x1;
	[dreg:$0x2] =	wrdreg s3  }
0xa9: {  	[dreg:$0x3] =	wrdreg s5  }
0xaa: {  	[dreg:$0x4] =	wrdreg $0xC0  }
0xab: {  	_ =	task [dreg:s7], $0x5FFFF  }
0xac: {  	[dreg:$0x1] =	wrdreg $0xFFFFFFFF  }
0xad: {  	[dreg:$0x0] =	wrdreg $0x60  }
0xae: {  	[dreg:$0x2] =	wrdreg s24  }
0xaf: {  	[dreg:$0x3] =	wrdreg s2  }
0xb0: {  	[dreg:$0x4] =	wrdreg $0x9  }
0xb1: {  	_ =	task.clear_ibuf [dreg:s7], $0x5FFFF;
	_ =	strace $0x90000046  }
0xb2: {  	s29 =	simm.s32 $0x9;
	_ =	strace $0x80000048  }
0xb3: {  	_ =	swait.ge [sflag:s29], $0x1  }
0xb4: {  	[sflag:s29] =	ssyncadd.s32 $0xFFFFFFFF  }
0xb5: {  	_ =	strace $0x90000048  }
0xb6: {  	_ =	sfence  }
0xb7: {  	s30 =	sld [smem:$0x0];
	_ =	sdelay $0x2  }
0xb8: {  	s31 =	sshll.u32 s1, $0xD;
	s1 =	sshrl.u32 s1, $0x2  }
0xb9: {  	s3 =	sand.u32 $0x4000, s31;
	s1 =	sadd.s32 s1, s30  }
0xba: {  	s0 =	sor.u32 s3, s0;
	s1 =	sshll.u32 s1, $0x11  }
0xbb: {  	s0 =	sor.u32 s1, s0  }
0xbc: {  	s0 =	sadd.s32 $0x8F2B, s0  }
0xbd: {  	[sflag:s0] =	ssyncadd.remote.s32 $0x1  }
0xbe: {  	_ =	sfence.sel $0xFFFF  }
0xbf: {  	[dreg:$0x0] =	wrdreg $0xFFFFFFFF;
	(pc) =	sbr.abs _section_cstart, $3  }
0xc0: {  	[dreg:$0x1] =	wrdreg $0xFFFFFFFF  }
0xc1: {  	_ =	task.clear_ibuf [dreg:s7], $0x2FFFF;
	_ =	strace $0x9FFFFFFF  }
0xc2: {  	(tm) =	ssettm $0x7FFFFFFF  }
0xc3: {  	_ =	shalt  }
tec
execute0_lowered:
.L_overlay_start_1:
0x0: {  	(tag) =	ssettag $0x1  }
0x1: {  	s1 =	rddreg [dreg:$0x0]  }
0x2: {  	s3 =	rddreg [dreg:$0x1]  }
0x3: {  	s0 =	rddreg [dreg:$0x2];
	s5 =	srdreg.scid  }
0x4: {  	s4 =	simm.s32 $0x0;
	s2 =	stileid.u32;
	s14 =	simm.s32 $0x5  }
0x5: {  	s15 =	simm.s32 $0x1;
	s16 =	simm.s32 $0x2;
	s17 =	simm.s32 $0x3  }
0x6: {  	s18 =	simm.s32 $0x4;
	s19 =	simm.s32 $0x0;
	s5 =	sand.u32 $0x1, s5  }
0x7: {  	[smem:$0x7FF] =	sst s4;
	s6 =	sshll.u32 s2, $0x14;
	s7 =	sshll.u32 s5, $0x13  }
0x8: {  	_ =	strace $0x80000047;
	s8 =	ssub.s32 $0x2, s5;
	s5 =	sor.u32 s7, s6  }
0x9: {  	s6 =	sadd.s32 $0x200000, s1;
	s31 =	sshrl.u32 s8, $0x1;
	s9 =	sshrl.u32 s5, $0x3  }
0xa: {  	s13 =	ssub.s32 s8, s31;
	s7 =	sadd.s32 s1, s9;
	s11 =	sor.u32 $0x800, s9  }
0xb: {  	s9 =	sadd.s32 s3, s9;
	s13 =	smax.u32 s13, $0x1;
	s8 =	sadd.s32 s1, s11  }
0xc: {  	s10 =	sadd.s32 $0x1000, s7;
	s11 =	sadd.s32 s3, s11;
	s12 =	sadd.s32 $0x1800, s7  }
.LBB2_1:
0xd: {  	[tilespmem:s4], [sflag:$0x5] =	stream.linear.gather [hbm4b:s6+s4], $0x280, $0x38;
	[tilespmem:$0x10280] =	vst v63  }
0xe: {  	_ =	swait.ge [sflag:s14], $0x280  }
0xf: {  	[sflag:s14] =	ssyncset.done $0x0  }
0x10: {  	s20 =	simm.s32 $0x280;
	[sflag:s14] =	ssyncadd.s32 $0xFFFFFD80  }
0x11: {  	s21 =	simm.s32 $0x10;
	s23 =	sadd.s32 $0x0, s7;
	s22 =	simm.s32 $0x380;
	v0 =	vld [tilespmem:$0x200]  }
.LBB2_2:
0x12: {  	[tilespmem:s20], [sflag:$0x1] =	stream.linear.gather [hbm4b:s23+s4], $0x80, $0x38;
	[tilespmem:$0x10280] =	vst v63  }
0x13: {  	s23 =	smov.u32 s21;
	s20 =	smov.u32 s22;
	p0 =	sne.s32 s21, $0x7F0  }
.Ltmp0:
0x14: {  	s21 =	sadd.s32 $0x10, s21;
	(pc) =	sbr.rel @p0 .LBB2_2-.Ltmp0, $2  }
0x15: {  	_ =	sdelay $0x2  }
0x16: {  	s22 =	sadd.s32 $0x100, s22;
	s23 =	sadd.s32 s23, s7  }
0x17: {  	[tilespmem:s20], [sflag:$0x1] =	stream.linear.gather [hbm4b:s23+s4], $0x80, $0x38;
	[tilespmem:$0x10280] =	vst v63  }
0x18: {  	s20 =	simm.s32 $0x300  }
0x19: {  	s21 =	simm.s32 $0x10;
	s23 =	sadd.s32 $0x0, s8;
	s22 =	simm.s32 $0x400  }
.LBB2_4:
0x1a: {  	[tilespmem:s20], [sflag:$0x2] =	stream.linear.gather [hbm4b:s23+s4], $0x80, $0x38;
	[tilespmem:$0x10280] =	vst v63  }
0x1b: {  	s23 =	smov.u32 s21;
	s20 =	smov.u32 s22;
	p0 =	sne.s32 s21, $0x7F0  }
.Ltmp1:
0x1c: {  	s21 =	sadd.s32 $0x10, s21;
	(pc) =	sbr.rel @p0 .LBB2_4-.Ltmp1, $2  }
0x1d: {  	_ =	sdelay $0x2  }
0x1e: {  	s22 =	sadd.s32 $0x100, s22;
	s23 =	sadd.s32 s23, s8  }
0x1f: {  	[tilespmem:s20], [sflag:$0x2] =	stream.linear.gather [hbm4b:s23+s4], $0x80, $0x38;
	[tilespmem:$0x10280] =	vst v63  }
0x20: {  	_ =	swait.ge [sflag:s15], $0x4000  }
0x21: {  	[sflag:s15] =	ssyncset.done $0x0  }
0x22: {  	s21 =	simm.s32 $0x0;
	[sflag:s15] =	ssyncadd.s32 $0xFFFFC000  }
0x23: {  	v1 =	vld [tilespmem:s21+$0x390]  }
0x24: {  	v4 =	vld [tilespmem:s21+$0x3A0]  }
0x25: {  	v5 =	vld [tilespmem:s21+$0x3B0]  }
0x26: {  	v8 =	vld [tilespmem:s21+$0x2F0]  }
0x27: {  	v9 =	vld [tilespmem:s21+$0x280]  }
0x28: {  	v11 =	vld [tilespmem:s21+$0x290]  }
0x29: {  	v12 =	vld [tilespmem:s21+$0x2A0]  }
0x2a: {  	v14 =	vld [tilespmem:s21+$0x2B0]  }
0x2b: {  	v15 =	vld [tilespmem:s21+$0x2C0]  }
0x2c: {  	v16 =	vld [tilespmem:s21+$0x2D0]  }
0x2d: {  	v18 =	vld [tilespmem:s21+$0x2E0]  }
0x2e: {  	v20 =	vld [tilespmem:s21+$0x380];
	v10 =	vshrl.u32 v8, $0x17  }
0x2f: {  	v6 =	vld [tilespmem:s21+$0x3C0];
	v17 =	vshrl.u32 v9, $0x17  }
0x30: {  	v7 =	vld [tilespmem:s21+$0x3F0];
	v19 =	vshrl.u32 v11, $0x17  }
0x31: {  	v21 =	vshrl.u32 v12, $0x17  }
0x32: {  	v13 =	vld [tilespmem:s21+$0x3E0];
	v22 =	vshrl.u32 v14, $0x17;
	v23 =	vshrl.u32 v15, $0x17;
	v24 =	vshrl.u32 v16, $0x17  }
0x33: {  	v25 =	vshrl.u32 v18, $0x17;
	v26 =	vshrl.u32 v20, $0x17;
	v27 =	vand.u32 $0xFFFFFF, v1;
	v10 =	vld.idx.msk [tilespmem:v10+s4+$0x0], $0xffff  }
0x34: {  	v28 =	vand.u32 $0xFFFFFF, v4;
	v29 =	vand.u32 $0xFFFFFF, v5;
	v30 =	vand.u32 $0xFFFFFF, v6;
	v17 =	vld.idx.msk [tilespmem:v17+s4+$0x0], $0xffff  }
0x35: {  	v1 =	vshra.s32 v1, $0x18;
	v4 =	vshra.s32 v4, $0x18;
	v31 =	vand.u32 $0xFFFFFF, v7;
	v19 =	vld.idx.msk [tilespmem:v19+s4+$0x0], $0xffff  }
0x36: {  	v5 =	vshra.s32 v5, $0x18;
	v6 =	vshra.s32 v6, $0x18;
	v7 =	vshra.s32 v7, $0x18;
	v21 =	vld.idx.msk [tilespmem:v21+s4+$0x0], $0xffff  }
0x37: {  	vm0 =	vgt.s32 v1, $0x3E;
	vm1 =	vgt.s32 v4, $0x3E;
	vm6 =	vgt.s32 v7, $0x3E;
	v22 =	vld.idx.msk [tilespmem:v22+s4+$0x0], $0xffff  }
0x38: {  	vm2 =	vgt.s32 v5, $0x3E;
	vm3 =	vgt.s32 v6, $0x3E;
	v7 =	vnsel vm6, $0x3E, v7;
	v23 =	vld.idx.msk [tilespmem:v23+s4+$0x0], $0xffff  }
0x39: {  	s20 =	simm.s32 $0x200;
	v2 =	vld [tilespmem:s21+$0x3D0];
	v63 =	vnsel vm2, $0x3E, v5;
	v5 =	vnsel vm3, $0x3E, v6;
	v7 =	vmin.u32 v7, $0x4D  }
0x3a: {  	v3 =	vld [tilespmem:s20+$0x390];
	v5 =	vmin.u32 v5, $0x4D;
	v8 =	vadd.s32 v8, v10;
	v9 =	vadd.s32 v9, v17  }
0x3b: {  	v24 =	vld.idx.msk [tilespmem:v24+s4+$0x0], $0xffff;
	v17 =	vshra.s32 v13, $0x18;
	v11 =	vadd.s32 v11, v19;
	v12 =	vadd.s32 v12, v21  }
0x3c: {  	v25 =	vld.idx.msk [tilespmem:v25+s4+$0x0], $0xffff;
	v14 =	vadd.s32 v14, v22;
	v19 =	vnsel vm1, $0x3E, v4;
	v8 =	vshrl.u32 v8, $0x18  }
0x3d: {  	v26 =	vld.idx.msk [tilespmem:v26+s4+$0x0], $0xffff;
	v6 =	vadd.s32 v15, v23;
	vm5 =	vgt.s32 v17, $0x3E;
	[tilespmem:s21+$0x82F0] =	vst v8;
	v8 =	vshrl.u32 v9, $0x18  }
0x3e: {  	v6 =	vshrl.u32 v6, $0x18;
	v9 =	vshra.s32 v2, $0x18;
	v10 =	vld [tilespmem:s20+$0x3A0];
	[tilespmem:s21+$0x8280] =	vst v8;
	v8 =	vshrl.u32 v11, $0x18  }
0x3f: {  	v15 =	vnsel vm5, $0x3E, v17;
	v17 =	vadd.s32 $0xFFFFFFC2, v5;
	v11 =	vld [tilespmem:s20+$0x3B0];
	[tilespmem:s21+$0x8290] =	vst v8;
	v8 =	vshrl.u32 v12, $0x18  }
0x40: {  	vm4 =	vgt.s32 v9, $0x3E;
	v12 =	vld [tilespmem:s20+$0x3C0];
	[tilespmem:s21+$0x82A0] =	vst v8;
	v8 =	vnsel vm0, $0x3E, v1;
	v1 =	vshrl.u32 v14, $0x18  }
0x41: {  	v17 =	vperm.xlane v0, v17;
	v15 =	vmin.u32 v15, $0x4D;
	v9 =	vnsel vm4, $0x3E, v9;
	v4 =	vld [tilespmem:s20+$0x3D0];
	[tilespmem:s21+$0x82B0] =	vst v1  }
0x42: {  	v15 =	vadd.s32 $0xFFFFFFC2, v15;
	v14 =	vadd.s32 v16, v24;
	v1 =	vld [tilespmem:s20+$0x3E0];
	[tilespmem:s21+$0x82C0] =	vst v6;
	v6 =	vadd.s32 $0xFFFFFFC2, v7  }
0x43: {  	v16 =	vadd.s32 v18, v25;
	v18 =	vmin.u32 v63, $0x4D;
	v6 =	vperm.xlane v0, v6  }
0x44: {  	v9 =	vmin.u32 v9, $0x4D;
	v17 =	vadd.s32 v30, v17;
	v7 =	vshrl.u32 v14, $0x18  }
0x45: {  	v15 =	vperm.xlane v0, v15;
	v16 =	vshrl.u32 v16, $0x18;
	v14 =	vld [tilespmem:s20+$0x3F0];
	[tilespmem:s21+$0x82D0] =	vst v7;
	v6 =	vadd.s32 v31, v6  }
0x46: {  	v7 =	vmin.u32 v19, $0x4D;
	v5 =	vld [tilespmem:s20+$0x280];
	[tilespmem:s21+$0x82E0] =	vst v16;
	v16 =	vadd.s32 $0xFFFFFFC2, v18;
	v18 =	vshrl.u32 v6, $0x18  }
0x47: {  	v8 =	vmin.u32 v8, $0x4D;
	v16 =	vperm.xlane v0, v16;
	v6 =	vld [tilespmem:s20+$0x290];
	[tilespmem:s21+$0x83F0] =	vst v18;
	v18 =	vadd.s32 $0xFFFFFFC2, v7  }
0x48: {  	v8 =	vadd.s32 $0xFFFFFFC2, v8;
	v19 =	vadd.s32 $0xFFFFFFC2, v9;
	v9 =	vperm.xlane v0, v18  }
0x49: {  	v17 =	vshrl.u32 v17, $0x18;
	v16 =	vadd.s32 v29, v16;
	v18 =	vperm.xlane v0, v8  }
0x4a: {  	v7 =	vld [tilespmem:s20+$0x2A0];
	[tilespmem:s21+$0x83C0] =	vst v17;
	v17 =	vadd.s32 v20, v26;
	v20 =	vshrl.u32 v16, $0x18;
	v9 =	vadd.s32 v28, v9  }
0x4b: {  	v8 =	vld [tilespmem:s20+$0x2B0];
	v16 =	vshrl.u32 v17, $0x18;
	[tilespmem:s21+$0x83B0] =	vst v20;
	v18 =	vadd.s32 v27, v18;
	v20 =	vshrl.u32 v9, $0x18  }
0x4c: {  	s22 =	simm.s32 $0x1000;
	v17 =	vperm.xlane v0, v19;
	v9 =	vld [tilespmem:s20+$0x2C0];
	v19 =	vshrl.u32 v18, $0x18;
	v18 =	vand.u32 $0xFFFFFF, v13;
	[tilespmem:s21+$0x83A0] =	vst v20  }
.LBB2_6:
0x4d: {  	p0 =	sne.s32 s22, $0x1F800;
	v20 =	vld [tilespmem:s20+$0x2F0];
	v13 =	vand.u32 $0xFFFFFF, v3;
	[tilespmem:s21+$0x8390] =	vst v19;
	v19 =	vand.u32 $0xFFFFFF, v2;
	v18 =	vadd.s32 v18, v15;
	v2 =	vmovc v4  }
0x4e: {  	v15 =	vand.u32 $0xFFFFFF, v10;
	v21 =	vld [tilespmem:s20+$0x2D0];
	[tilespmem:s21+$0x8380] =	vst v16;
	v4 =	vadd.s32 v19, v17;
	v16 =	vshrl.u32 v18, $0x18  }
0x4f: {  	v18 =	vand.u32 $0xFFFFFF, v11;
	v19 =	vand.u32 $0xFFFFFF, v12;
	v17 =	vld [tilespmem:s20+$0x2E0];
	v4 =	vshrl.u32 v4, $0x18;
	[tilespmem:s21+$0x83E0] =	vst v16  }
0x50: {  	v22 =	vshra.s32 v3, $0x18;
	v10 =	vshra.s32 v10, $0x18;
	v23 =	vand.u32 $0xFFFFFF, v14;
	v16 =	vld [tilespmem:s20+$0x380];
	[tilespmem:s21+$0x83D0] =	vst v4;
	s21 =	smov.u32 s20  }
0x51: {  	v4 =	vshra.s32 v11, $0x18;
	v11 =	vshra.s32 v12, $0x18;
	v12 =	vshra.s32 v2, $0x18  }
0x52: {  	v25 =	vshra.s32 v1, $0x18;
	v14 =	vshra.s32 v14, $0x18;
	v24 =	vshrl.u32 v20, $0x17  }
0x53: {  	v26 =	vshrl.u32 v5, $0x17;
	v27 =	vshrl.u32 v6, $0x17;
	v28 =	vshrl.u32 v7, $0x17  }
0x54: {  	v29 =	vshrl.u32 v8, $0x17;
	v30 =	vshrl.u32 v9, $0x17;
	v31 =	vshrl.u32 v21, $0x17  }
0x55: {  	vm0 =	vgt.s32 v22, $0x3E;
	s20 =	sshra.s32 s22, $0x2;
	v32 =	vshrl.u32 v17, $0x17;
	v33 =	vshrl.u32 v16, $0x17  }
0x56: {  	vm1 =	vgt.s32 v10, $0x3E;
	vm2 =	vgt.s32 v4, $0x3E;
	vm3 =	vgt.s32 v11, $0x3E;
	v3 =	vld [tilespmem:s20+$0x390]  }
0x57: {  	vm5 =	vgt.s32 v25, $0x3E;
	vm6 =	vgt.s32 v14, $0x3E;
	vm4 =	vgt.s32 v12, $0x3E;
	v24 =	vld.idx.msk [tilespmem:v24+s4+$0x0], $0xffff  }
0x58: {  	v22 =	vnsel vm0, $0x3E, v22;
	v10 =	vnsel vm1, $0x3E, v10;
	v4 =	vnsel vm2, $0x3E, v4;
	v26 =	vld.idx.msk [tilespmem:v26+s4+$0x0], $0xffff  }
0x59: {  	v25 =	vnsel vm5, $0x3E, v25;
	v11 =	vnsel vm3, $0x3E, v11;
	v12 =	vnsel vm4, $0x3E, v12;
	v27 =	vld.idx.msk [tilespmem:v27+s4+$0x0], $0xffff  }
0x5a: {  	v14 =	vnsel vm6, $0x3E, v14;
	v22 =	vmin.u32 v22, $0x4D;
	v10 =	vmin.u32 v10, $0x4D;
	v28 =	vld.idx.msk [tilespmem:v28+s4+$0x0], $0xffff  }
0x5b: {  	v4 =	vmin.u32 v4, $0x4D;
	v11 =	vmin.u32 v11, $0x4D;
	v12 =	vmin.u32 v12, $0x4D;
	v29 =	vld.idx.msk [tilespmem:v29+s4+$0x0], $0xffff  }
0x5c: {  	v25 =	vmin.u32 v25, $0x4D;
	v14 =	vmin.u32 v14, $0x4D;
	v22 =	vadd.s32 $0xFFFFFFC2, v22;
	v30 =	vld.idx.msk [tilespmem:v30+s4+$0x0], $0xffff  }
0x5d: {  	v34 =	vadd.s32 $0xFFFFFFC2, v10;
	v4 =	vadd.s32 $0xFFFFFFC2, v4;
	v10 =	vadd.s32 v20, v24;
	v31 =	vld.idx.msk [tilespmem:v31+s4+$0x0], $0xffff  }
0x5e: {  	v20 =	vadd.s32 $0xFFFFFFC2, v11;
	v5 =	vadd.s32 v5, v26;
	v10 =	vshrl.u32 v10, $0x18;
	v24 =	vld.idx.msk [tilespmem:v32+s4+$0x0], $0xffff  }
0x5f: {  	v26 =	vadd.s32 $0xFFFFFFC2, v12;
	v5 =	vshrl.u32 v5, $0x18;
	v6 =	vadd.s32 v6, v27;
	v32 =	vld.idx.msk [tilespmem:v33+s4+$0x0], $0xffff;
	[tilespmem:s21+$0x82F0] =	vst v10  }
0x60: {  	v14 =	vadd.s32 $0xFFFFFFC2, v14;
	v10 =	vld [tilespmem:s20+$0x3A0];
	[tilespmem:s21+$0x8280] =	vst v5;
	v5 =	vshrl.u32 v6, $0x18;
	v6 =	vadd.s32 v7, v28  }
0x61: {  	v27 =	vperm.xlane v0, v34;
	v11 =	vld [tilespmem:s20+$0x3B0];
	[tilespmem:s21+$0x8290] =	vst v5;
	v5 =	vshrl.u32 v6, $0x18;
	v6 =	vadd.s32 v8, v29  }
0x62: {  	v7 =	vperm.xlane v0, v4;
	v12 =	vld [tilespmem:s20+$0x3C0];
	[tilespmem:s21+$0x82A0] =	vst v5;
	v5 =	vshrl.u32 v6, $0x18;
	v6 =	vadd.s32 v9, v30  }
0x63: {  	v8 =	vperm.xlane v0, v14;
	v4 =	vld [tilespmem:s20+$0x3D0];
	[tilespmem:s21+$0x82B0] =	vst v5;
	v5 =	vshrl.u32 v6, $0x18;
	v6 =	vadd.s32 v21, v31  }
0x64: {  	v9 =	vperm.xlane v0, v20;
	v21 =	vld [tilespmem:s20+$0x3E0];
	[tilespmem:s21+$0x82C0] =	vst v5;
	v5 =	vshrl.u32 v6, $0x18;
	v6 =	vadd.s32 v17, v24  }
0x65: {  	v8 =	vadd.s32 v23, v8;
	v16 =	vadd.s32 v16, v32;
	v14 =	vld [tilespmem:s20+$0x3F0];
	[tilespmem:s21+$0x82D0] =	vst v5;
	v6 =	vshrl.u32 v6, $0x18  }
.Ltmp2:
0x66: {  	v9 =	vadd.s32 v19, v9;
	v8 =	vshrl.u32 v8, $0x18;
	v16 =	vshrl.u32 v16, $0x18;
	v5 =	vld [tilespmem:s20+$0x280];
	[tilespmem:s21+$0x82E0] =	vst v6;
	(pc) =	sbr.rel @p0 .LBB2_6-.Ltmp2, $4  }
0x67: {  	v18 =	vadd.s32 v18, v7;
	v17 =	vperm.xlane v0, v22;
	v9 =	vshrl.u32 v9, $0x18;
	v6 =	vld [tilespmem:s20+$0x290];
	[tilespmem:s21+$0x83F0] =	vst v8  }
0x68: {  	v20 =	vadd.s32 v15, v27;
	v18 =	vshrl.u32 v18, $0x18;
	v19 =	vadd.s32 $0xFFFFFFC2, v25;
	v7 =	vld [tilespmem:s20+$0x2A0];
	[tilespmem:s21+$0x83C0] =	vst v9  }
0x69: {  	v20 =	vshrl.u32 v20, $0x18;
	v15 =	vperm.xlane v0, v19;
	v13 =	vadd.s32 v13, v17;
	v8 =	vld [tilespmem:s20+$0x2B0];
	[tilespmem:s21+$0x83B0] =	vst v18  }
0x6a: {  	s22 =	sadd.s32 $0x800, s22;
	v17 =	vperm.xlane v0, v26;
	v19 =	vshrl.u32 v13, $0x18;
	v18 =	vand.u32 $0xFFFFFF, v1;
	v1 =	vmovc v21;
	v9 =	vld [tilespmem:s20+$0x2C0];
	[tilespmem:s21+$0x83A0] =	vst v20  }
0x6b: {  	v20 =	vand.u32 $0xFFFFFF, v3;
	v15 =	vadd.s32 v18, v15  }
0x6c: {  	v2 =	vand.u32 $0xFFFFFF, v2;
	v61 =	vand.u32 $0xFFFFFF, v10;
	v63 =	vand.u32 $0xFFFFFF, v11  }
0x6d: {  	v21 =	vand.u32 $0xFFFFFF, v12;
	v3 =	vshra.s32 v3, $0x18;
	v36 =	vshra.s32 v10, $0x18  }
0x6e: {  	v22 =	vand.u32 $0xFFFFFF, v14;
	v37 =	vshra.s32 v11, $0x18;
	v38 =	vshra.s32 v12, $0x18  }
0x6f: {  	v24 =	vshra.s32 v4, $0x18;
	v25 =	vshrl.u32 v5, $0x17;
	v26 =	vshra.s32 v1, $0x18  }
0x70: {  	v13 =	vld [tilespmem:s20+$0x2F0];
	[tilespmem:s21+$0x8390] =	vst v19;
	v39 =	vshra.s32 v14, $0x18;
	v1 =	vand.u32 $0xFFFFFF, v1;
	v15 =	vshrl.u32 v15, $0x18  }
0x71: {  	v19 =	vld [tilespmem:s20+$0x2D0];
	[tilespmem:s21+$0x8380] =	vst v16;
	v2 =	vadd.s32 v2, v17;
	v27 =	vshrl.u32 v6, $0x17;
	vm0 =	vgt.s32 v3, $0x3E  }
0x72: {  	vm1 =	vgt.s32 v36, $0x3E;
	vm2 =	vgt.s32 v37, $0x3E;
	v62 =	vld [tilespmem:s20+$0x2E0];
	[tilespmem:s21+$0x83E0] =	vst v15;
	v28 =	vshrl.u32 v7, $0x17  }
0x73: {  	vm3 =	vgt.s32 v38, $0x3E;
	v2 =	vshrl.u32 v2, $0x18;
	v15 =	vld [tilespmem:s20+$0x380];
	v29 =	vshrl.u32 v8, $0x17  }
0x74: {  	vm4 =	vgt.s32 v24, $0x3E;
	vm5 =	vgt.s32 v26, $0x3E;
	[tilespmem:s21+$0x83D0] =	vst v2;
	v30 =	vshrl.u32 v9, $0x17  }
0x75: {  	vm6 =	vgt.s32 v39, $0x3E;
	v3 =	vnsel vm0, $0x3E, v3;
	v23 =	vshrl.u32 v13, $0x17;
	v25 =	vld.idx.msk [tilespmem:v25+s4+$0x0], $0xffff  }
0x76: {  	v10 =	vnsel vm1, $0x3E, v36;
	v11 =	vnsel vm2, $0x3E, v37;
	v2 =	vshrl.u32 v19, $0x17;
	v27 =	vld.idx.msk [tilespmem:v27+s4+$0x0], $0xffff  }
0x77: {  	v12 =	vnsel vm3, $0x3E, v38;
	v24 =	vnsel vm4, $0x3E, v24;
	v31 =	vshrl.u32 v62, $0x17;
	v28 =	vld.idx.msk [tilespmem:v28+s4+$0x0], $0xffff  }
0x78: {  	v26 =	vnsel vm5, $0x3E, v26;
	v14 =	vnsel vm6, $0x3E, v39;
	v32 =	vshrl.u32 v15, $0x17;
	v29 =	vld.idx.msk [tilespmem:v29+s4+$0x0], $0xffff  }
0x79: {  	v3 =	vmin.u32 v3, $0x4D;
	v10 =	vmin.u32 v10, $0x4D;
	v11 =	vmin.u32 v11, $0x4D;
	v30 =	vld.idx.msk [tilespmem:v30+s4+$0x0], $0xffff  }
0x7a: {  	v12 =	vmin.u32 v12, $0x4D;
	v24 =	vmin.u32 v24, $0x4D;
	v11 =	vadd.s32 $0xFFFFFFC2, v11;
	v23 =	vld.idx.msk [tilespmem:v23+s4+$0x0], $0xffff  }
0x7b: {  	v3 =	vadd.s32 $0xFFFFFFC2, v3;
	v56 =	vperm.xlane v0, v11;
	v41 =	vadd.s32 v5, v25;
	v2 =	vld.idx.msk [tilespmem:v2+s4+$0x0], $0xffff  }
0x7c: {  	v3 =	vperm.xlane v0, v3;
	v5 =	vshrl.u32 v41, $0x18;
	v43 =	vadd.s32 v6, v27;
	v40 =	vld.idx.msk [tilespmem:v31+s4+$0x0], $0xffff  }
0x7d: {  	v26 =	vmin.u32 v26, $0x4D;
	v59 =	vadd.s32 v63, v56;
	v45 =	vshrl.u32 v43, $0x18;
	v42 =	vld.idx.msk [tilespmem:v32+s4+$0x0], $0xffff;
	[tilespmem:s20+$0x8280] =	vst v5  }
0x7e: {  	v10 =	vadd.s32 $0xFFFFFFC2, v10;
	v3 =	vadd.s32 v20, v3;
	v6 =	vshrl.u32 v59, $0x18;
	[tilespmem:s20+$0x8290] =	vst v45  }
0x7f: {  	v50 =	vperm.xlane v0, v10;
	v3 =	vshrl.u32 v3, $0x18;
	v46 =	vadd.s32 v7, v28;
	[tilespmem:s20+$0x83B0] =	vst v6  }
0x80: {  	v14 =	vmin.u32 v14, $0x4D;
	v48 =	vshrl.u32 v46, $0x18;
	v49 =	vadd.s32 v8, v29;
	[tilespmem:s20+$0x8390] =	vst v3  }
0x81: {  	v12 =	vadd.s32 $0xFFFFFFC2, v12;
	v8 =	vadd.s32 v61, v50;
	[tilespmem:s20+$0x82A0] =	vst v48;
	v51 =	vshrl.u32 v49, $0x18  }
0x82: {  	v47 =	vadd.s32 $0xFFFFFFC2, v14;
	v61 =	vshrl.u32 v8, $0x18;
	[tilespmem:s20+$0x82B0] =	vst v51;
	v2 =	vadd.s32 v19, v2  }
0x83: {  	v54 =	vperm.xlane v0, v12;
	[tilespmem:s20+$0x83A0] =	vst v61;
	v2 =	vshrl.u32 v2, $0x18;
	v55 =	vadd.s32 v62, v40  }
0x84: {  	v7 =	vperm.xlane v0, v47;
	v52 =	vadd.s32 v9, v30;
	[tilespmem:s20+$0x82D0] =	vst v2;
	v2 =	vshrl.u32 v55, $0x18  }
0x85: {  	v44 =	vadd.s32 $0xFFFFFFC2, v24;
	v53 =	vshrl.u32 v52, $0x18;
	[tilespmem:s20+$0x82E0] =	vst v2;
	v2 =	vadd.s32 v21, v54  }
0x86: {  	v60 =	vadd.s32 $0xFFFFFFC2, v26;
	v57 =	vadd.s32 v22, v7;
	[tilespmem:s20+$0x82C0] =	vst v53;
	v2 =	vshrl.u32 v2, $0x18  }
0x87: {  	v13 =	vadd.s32 v13, v23;
	v5 =	vshrl.u32 v57, $0x18;
	[tilespmem:s20+$0x83C0] =	vst v2;
	v2 =	vperm.xlane v0, v60  }
0x88: {  	v13 =	vshrl.u32 v13, $0x18;
	[tilespmem:s20+$0x83F0] =	vst v5;
	v62 =	vperm.xlane v0, v44;
	v58 =	vadd.s32 v15, v42  }
0x89: {  	v3 =	vand.u32 $0xFFFFFF, v4;
	[tilespmem:s20+$0x82F0] =	vst v13;
	v63 =	vshrl.u32 v58, $0x18;
	v1 =	vadd.s32 v1, v2  }
0x8a: {  	[tilespmem:s20+$0x8380] =	vst v63;
	v2 =	vadd.s32 v3, v62;
	v1 =	vshrl.u32 v1, $0x18  }
0x8b: {  	s23 =	sadd.s32 $0x0, s9;
	v2 =	vshrl.u32 v2, $0x18;
	[tilespmem:s20+$0x83E0] =	vst v1  }
0x8c: {  	s22 =	simm.s32 $0x8380;
	s21 =	simm.s32 $0x8280;
	[tilespmem:s20+$0x83D0] =	vst v2;
	s20 =	simm.s32 $0x10  }
.LBB2_8:
0x8d: {  	[hbm4b:s23+s4] =	stream.linear.scatter [tilespmem:s21], [sflag:$0x3], $0x80, $0x38;
	[tilespmem:$0x10280] =	vst v63  }
0x8e: {  	s23 =	smov.u32 s20;
	s21 =	smov.u32 s22;
	p0 =	sne.s32 s20, $0x7F0  }
.Ltmp3:
0x8f: {  	s20 =	sadd.s32 $0x10, s20;
	(pc) =	sbr.rel @p0 .LBB2_8-.Ltmp3, $2  }
0x90: {  	_ =	sdelay $0x2  }
0x91: {  	s22 =	sadd.s32 $0x100, s22;
	s23 =	sadd.s32 s23, s9  }
0x92: {  	[hbm4b:s23+s4] =	stream.linear.scatter [tilespmem:s21], [sflag:$0x3], $0x80, $0x38;
	[tilespmem:$0x10280] =	vst v63  }
0x93: {  	s20 =	simm.s32 $0x280  }
0x94: {  	s21 =	simm.s32 $0x10;
	s23 =	sadd.s32 $0x0, s10;
	s22 =	simm.s32 $0x380  }
.LBB2_10:
0x95: {  	[tilespmem:s20], [sflag:$0x1] =	stream.linear.gather [hbm4b:s23+s4], $0x80, $0x38;
	[tilespmem:$0x10280] =	vst v63  }
0x96: {  	s23 =	smov.u32 s21;
	s20 =	smov.u32 s22;
	p0 =	sne.s32 s21, $0x7F0  }
.Ltmp4:
0x97: {  	s21 =	sadd.s32 $0x10, s21;
	(pc) =	sbr.rel @p0 .LBB2_10-.Ltmp4, $2  }
0x98: {  	_ =	sdelay $0x2  }
0x99: {  	s22 =	sadd.s32 $0x100, s22;
	s23 =	sadd.s32 s23, s10  }
0x9a: {  	[tilespmem:s20], [sflag:$0x1] =	stream.linear.gather [hbm4b:s23+s4], $0x80, $0x38;
	[tilespmem:$0x10280] =	vst v63  }
0x9b: {  	_ =	swait.ge [sflag:s16], $0x4000  }
0x9c: {  	[sflag:s16] =	ssyncset.done $0x0  }
0x9d: {  	s21 =	simm.s32 $0x0;
	[sflag:s16] =	ssyncadd.s32 $0xFFFFC000  }
0x9e: {  	v1 =	vld [tilespmem:s21+$0x410]  }
0x9f: {  	v4 =	vld [tilespmem:s21+$0x420]  }
0xa0: {  	v5 =	vld [tilespmem:s21+$0x430]  }
0xa1: {  	v8 =	vld [tilespmem:s21+$0x370]  }
0xa2: {  	v9 =	vld [tilespmem:s21+$0x300]  }
0xa3: {  	v11 =	vld [tilespmem:s21+$0x310]  }
0xa4: {  	v12 =	vld [tilespmem:s21+$0x320]  }
0xa5: {  	v14 =	vld [tilespmem:s21+$0x330]  }
0xa6: {  	v15 =	vld [tilespmem:s21+$0x340]  }
0xa7: {  	v16 =	vld [tilespmem:s21+$0x350]  }
0xa8: {  	v18 =	vld [tilespmem:s21+$0x360]  }
0xa9: {  	v20 =	vld [tilespmem:s21+$0x400];
	v10 =	vshrl.u32 v8, $0x17  }
0xaa: {  	v6 =	vld [tilespmem:s21+$0x440];
	v17 =	vshrl.u32 v9, $0x17  }
0xab: {  	v7 =	vld [tilespmem:s21+$0x470];
	v19 =	vshrl.u32 v11, $0x17  }
0xac: {  	v21 =	vshrl.u32 v12, $0x17  }
0xad: {  	v13 =	vld [tilespmem:s21+$0x460];
	v22 =	vshrl.u32 v14, $0x17;
	v23 =	vshrl.u32 v15, $0x17;
	v24 =	vshrl.u32 v16, $0x17  }
0xae: {  	v25 =	vshrl.u32 v18, $0x17;
	v26 =	vshrl.u32 v20, $0x17;
	v27 =	vand.u32 $0xFFFFFF, v1;
	v10 =	vld.idx.msk [tilespmem:v10+s4+$0x0], $0xffff  }
0xaf: {  	v28 =	vand.u32 $0xFFFFFF, v4;
	v29 =	vand.u32 $0xFFFFFF, v5;
	v30 =	vand.u32 $0xFFFFFF, v6;
	v17 =	vld.idx.msk [tilespmem:v17+s4+$0x0], $0xffff  }
0xb0: {  	v1 =	vshra.s32 v1, $0x18;
	v4 =	vshra.s32 v4, $0x18;
	v31 =	vand.u32 $0xFFFFFF, v7;
	v19 =	vld.idx.msk [tilespmem:v19+s4+$0x0], $0xffff  }
0xb1: {  	v5 =	vshra.s32 v5, $0x18;
	v6 =	vshra.s32 v6, $0x18;
	v7 =	vshra.s32 v7, $0x18;
	v21 =	vld.idx.msk [tilespmem:v21+s4+$0x0], $0xffff  }
0xb2: {  	vm0 =	vgt.s32 v1, $0x3E;
	vm1 =	vgt.s32 v4, $0x3E;
	vm6 =	vgt.s32 v7, $0x3E;
	v22 =	vld.idx.msk [tilespmem:v22+s4+$0x0], $0xffff  }
0xb3: {  	vm2 =	vgt.s32 v5, $0x3E;
	vm3 =	vgt.s32 v6, $0x3E;
	v7 =	vnsel vm6, $0x3E, v7;
	v23 =	vld.idx.msk [tilespmem:v23+s4+$0x0], $0xffff  }
0xb4: {  	s20 =	simm.s32 $0x200;
	v2 =	vld [tilespmem:s21+$0x450];
	v63 =	vnsel vm2, $0x3E, v5;
	v5 =	vnsel vm3, $0x3E, v6;
	v7 =	vmin.u32 v7, $0x4D  }
0xb5: {  	v3 =	vld [tilespmem:s20+$0x410];
	v5 =	vmin.u32 v5, $0x4D;
	v8 =	vadd.s32 v8, v10;
	v9 =	vadd.s32 v9, v17  }
0xb6: {  	v24 =	vld.idx.msk [tilespmem:v24+s4+$0x0], $0xffff;
	v17 =	vshra.s32 v13, $0x18;
	v11 =	vadd.s32 v11, v19;
	v12 =	vadd.s32 v12, v21  }
0xb7: {  	v25 =	vld.idx.msk [tilespmem:v25+s4+$0x0], $0xffff;
	v14 =	vadd.s32 v14, v22;
	v19 =	vnsel vm1, $0x3E, v4;
	v8 =	vshrl.u32 v8, $0x18  }
0xb8: {  	v26 =	vld.idx.msk [tilespmem:v26+s4+$0x0], $0xffff;
	v6 =	vadd.s32 v15, v23;
	vm5 =	vgt.s32 v17, $0x3E;
	[tilespmem:s21+$0x8370] =	vst v8;
	v8 =	vshrl.u32 v9, $0x18  }
0xb9: {  	v6 =	vshrl.u32 v6, $0x18;
	v9 =	vshra.s32 v2, $0x18;
	v10 =	vld [tilespmem:s20+$0x420];
	[tilespmem:s21+$0x8300] =	vst v8;
	v8 =	vshrl.u32 v11, $0x18  }
0xba: {  	v15 =	vnsel vm5, $0x3E, v17;
	v17 =	vadd.s32 $0xFFFFFFC2, v5;
	v11 =	vld [tilespmem:s20+$0x430];
	[tilespmem:s21+$0x8310] =	vst v8;
	v8 =	vshrl.u32 v12, $0x18  }
0xbb: {  	vm4 =	vgt.s32 v9, $0x3E;
	v12 =	vld [tilespmem:s20+$0x440];
	[tilespmem:s21+$0x8320] =	vst v8;
	v8 =	vnsel vm0, $0x3E, v1;
	v1 =	vshrl.u32 v14, $0x18  }
0xbc: {  	v17 =	vperm.xlane v0, v17;
	v15 =	vmin.u32 v15, $0x4D;
	v9 =	vnsel vm4, $0x3E, v9;
	v4 =	vld [tilespmem:s20+$0x450];
	[tilespmem:s21+$0x8330] =	vst v1  }
0xbd: {  	v15 =	vadd.s32 $0xFFFFFFC2, v15;
	v14 =	vadd.s32 v16, v24;
	v1 =	vld [tilespmem:s20+$0x460];
	[tilespmem:s21+$0x8340] =	vst v6;
	v6 =	vadd.s32 $0xFFFFFFC2, v7  }
0xbe: {  	v16 =	vadd.s32 v18, v25;
	v18 =	vmin.u32 v63, $0x4D;
	v6 =	vperm.xlane v0, v6  }
0xbf: {  	v9 =	vmin.u32 v9, $0x4D;
	v17 =	vadd.s32 v30, v17;
	v7 =	vshrl.u32 v14, $0x18  }
0xc0: {  	v15 =	vperm.xlane v0, v15;
	v16 =	vshrl.u32 v16, $0x18;
	v14 =	vld [tilespmem:s20+$0x470];
	[tilespmem:s21+$0x8350] =	vst v7;
	v6 =	vadd.s32 v31, v6  }
0xc1: {  	v7 =	vmin.u32 v19, $0x4D;
	v5 =	vld [tilespmem:s20+$0x300];
	[tilespmem:s21+$0x8360] =	vst v16;
	v16 =	vadd.s32 $0xFFFFFFC2, v18;
	v18 =	vshrl.u32 v6, $0x18  }
0xc2: {  	v8 =	vmin.u32 v8, $0x4D;
	v16 =	vperm.xlane v0, v16;
	v6 =	vld [tilespmem:s20+$0x310];
	[tilespmem:s21+$0x8470] =	vst v18;
	v18 =	vadd.s32 $0xFFFFFFC2, v7  }
0xc3: {  	v8 =	vadd.s32 $0xFFFFFFC2, v8;
	v19 =	vadd.s32 $0xFFFFFFC2, v9;
	v9 =	vperm.xlane v0, v18  }
0xc4: {  	v17 =	vshrl.u32 v17, $0x18;
	v16 =	vadd.s32 v29, v16;
	v18 =	vperm.xlane v0, v8  }
0xc5: {  	v7 =	vld [tilespmem:s20+$0x320];
	[tilespmem:s21+$0x8440] =	vst v17;
	v17 =	vadd.s32 v20, v26;
	v20 =	vshrl.u32 v16, $0x18;
	v9 =	vadd.s32 v28, v9  }
0xc6: {  	v8 =	vld [tilespmem:s20+$0x330];
	v16 =	vshrl.u32 v17, $0x18;
	[tilespmem:s21+$0x8430] =	vst v20;
	v18 =	vadd.s32 v27, v18;
	v20 =	vshrl.u32 v9, $0x18  }
0xc7: {  	s22 =	simm.s32 $0x1000;
	v17 =	vperm.xlane v0, v19;
	v9 =	vld [tilespmem:s20+$0x340];
	v19 =	vshrl.u32 v18, $0x18;
	v18 =	vand.u32 $0xFFFFFF, v13;
	[tilespmem:s21+$0x8420] =	vst v20  }
.LBB2_12:
0xc8: {  	p0 =	sne.s32 s22, $0x1F800;
	v20 =	vld [tilespmem:s20+$0x370];
	v13 =	vand.u32 $0xFFFFFF, v3;
	[tilespmem:s21+$0x8410] =	vst v19;
	v19 =	vand.u32 $0xFFFFFF, v2;
	v18 =	vadd.s32 v18, v15;
	v2 =	vmovc v4  }
0xc9: {  	v15 =	vand.u32 $0xFFFFFF, v10;
	v21 =	vld [tilespmem:s20+$0x350];
	[tilespmem:s21+$0x8400] =	vst v16;
	v4 =	vadd.s32 v19, v17;
	v16 =	vshrl.u32 v18, $0x18  }
0xca: {  	v18 =	vand.u32 $0xFFFFFF, v11;
	v19 =	vand.u32 $0xFFFFFF, v12;
	v17 =	vld [tilespmem:s20+$0x360];
	v4 =	vshrl.u32 v4, $0x18;
	[tilespmem:s21+$0x8460] =	vst v16  }
0xcb: {  	v22 =	vshra.s32 v3, $0x18;
	v10 =	vshra.s32 v10, $0x18;
	v23 =	vand.u32 $0xFFFFFF, v14;
	v16 =	vld [tilespmem:s20+$0x400];
	[tilespmem:s21+$0x8450] =	vst v4;
	s21 =	smov.u32 s20  }
0xcc: {  	v4 =	vshra.s32 v11, $0x18;
	v11 =	vshra.s32 v12, $0x18;
	v12 =	vshra.s32 v2, $0x18  }
0xcd: {  	v25 =	vshra.s32 v1, $0x18;
	v14 =	vshra.s32 v14, $0x18;
	v24 =	vshrl.u32 v20, $0x17  }
0xce: {  	v26 =	vshrl.u32 v5, $0x17;
	v27 =	vshrl.u32 v6, $0x17;
	v28 =	vshrl.u32 v7, $0x17  }
0xcf: {  	v29 =	vshrl.u32 v8, $0x17;
	v30 =	vshrl.u32 v9, $0x17;
	v31 =	vshrl.u32 v21, $0x17  }
0xd0: {  	vm0 =	vgt.s32 v22, $0x3E;
	s20 =	sshra.s32 s22, $0x2;
	v32 =	vshrl.u32 v17, $0x17;
	v33 =	vshrl.u32 v16, $0x17  }
0xd1: {  	vm1 =	vgt.s32 v10, $0x3E;
	vm2 =	vgt.s32 v4, $0x3E;
	vm3 =	vgt.s32 v11, $0x3E;
	v3 =	vld [tilespmem:s20+$0x410]  }
0xd2: {  	vm5 =	vgt.s32 v25, $0x3E;
	vm6 =	vgt.s32 v14, $0x3E;
	vm4 =	vgt.s32 v12, $0x3E;
	v24 =	vld.idx.msk [tilespmem:v24+s4+$0x0], $0xffff  }
0xd3: {  	v22 =	vnsel vm0, $0x3E, v22;
	v10 =	vnsel vm1, $0x3E, v10;
	v4 =	vnsel vm2, $0x3E, v4;
	v26 =	vld.idx.msk [tilespmem:v26+s4+$0x0], $0xffff  }
0xd4: {  	v25 =	vnsel vm5, $0x3E, v25;
	v11 =	vnsel vm3, $0x3E, v11;
	v12 =	vnsel vm4, $0x3E, v12;
	v27 =	vld.idx.msk [tilespmem:v27+s4+$0x0], $0xffff  }
0xd5: {  	v14 =	vnsel vm6, $0x3E, v14;
	v22 =	vmin.u32 v22, $0x4D;
	v10 =	vmin.u32 v10, $0x4D;
	v28 =	vld.idx.msk [tilespmem:v28+s4+$0x0], $0xffff  }
0xd6: {  	v4 =	vmin.u32 v4, $0x4D;
	v11 =	vmin.u32 v11, $0x4D;
	v12 =	vmin.u32 v12, $0x4D;
	v29 =	vld.idx.msk [tilespmem:v29+s4+$0x0], $0xffff  }
0xd7: {  	v25 =	vmin.u32 v25, $0x4D;
	v14 =	vmin.u32 v14, $0x4D;
	v22 =	vadd.s32 $0xFFFFFFC2, v22;
	v30 =	vld.idx.msk [tilespmem:v30+s4+$0x0], $0xffff  }
0xd8: {  	v34 =	vadd.s32 $0xFFFFFFC2, v10;
	v4 =	vadd.s32 $0xFFFFFFC2, v4;
	v10 =	vadd.s32 v20, v24;
	v31 =	vld.idx.msk [tilespmem:v31+s4+$0x0], $0xffff  }
0xd9: {  	v20 =	vadd.s32 $0xFFFFFFC2, v11;
	v5 =	vadd.s32 v5, v26;
	v10 =	vshrl.u32 v10, $0x18;
	v24 =	vld.idx.msk [tilespmem:v32+s4+$0x0], $0xffff  }
0xda: {  	v26 =	vadd.s32 $0xFFFFFFC2, v12;
	v5 =	vshrl.u32 v5, $0x18;
	v6 =	vadd.s32 v6, v27;
	v32 =	vld.idx.msk [tilespmem:v33+s4+$0x0], $0xffff;
	[tilespmem:s21+$0x8370] =	vst v10  }
0xdb: {  	v14 =	vadd.s32 $0xFFFFFFC2, v14;
	v10 =	vld [tilespmem:s20+$0x420];
	[tilespmem:s21+$0x8300] =	vst v5;
	v5 =	vshrl.u32 v6, $0x18;
	v6 =	vadd.s32 v7, v28  }
0xdc: {  	v27 =	vperm.xlane v0, v34;
	v11 =	vld [tilespmem:s20+$0x430];
	[tilespmem:s21+$0x8310] =	vst v5;
	v5 =	vshrl.u32 v6, $0x18;
	v6 =	vadd.s32 v8, v29  }
0xdd: {  	v7 =	vperm.xlane v0, v4;
	v12 =	vld [tilespmem:s20+$0x440];
	[tilespmem:s21+$0x8320] =	vst v5;
	v5 =	vshrl.u32 v6, $0x18;
	v6 =	vadd.s32 v9, v30  }
0xde: {  	v8 =	vperm.xlane v0, v14;
	v4 =	vld [tilespmem:s20+$0x450];
	[tilespmem:s21+$0x8330] =	vst v5;
	v5 =	vshrl.u32 v6, $0x18;
	v6 =	vadd.s32 v21, v31  }
0xdf: {  	v9 =	vperm.xlane v0, v20;
	v21 =	vld [tilespmem:s20+$0x460];
	[tilespmem:s21+$0x8340] =	vst v5;
	v5 =	vshrl.u32 v6, $0x18;
	v6 =	vadd.s32 v17, v24  }
0xe0: {  	v8 =	vadd.s32 v23, v8;
	v16 =	vadd.s32 v16, v32;
	v14 =	vld [tilespmem:s20+$0x470];
	[tilespmem:s21+$0x8350] =	vst v5;
	v6 =	vshrl.u32 v6, $0x18  }
.Ltmp5:
0xe1: {  	v9 =	vadd.s32 v19, v9;
	v8 =	vshrl.u32 v8, $0x18;
	v16 =	vshrl.u32 v16, $0x18;
	v5 =	vld [tilespmem:s20+$0x300];
	[tilespmem:s21+$0x8360] =	vst v6;
	(pc) =	sbr.rel @p0 .LBB2_12-.Ltmp5, $4  }
0xe2: {  	v18 =	vadd.s32 v18, v7;
	v17 =	vperm.xlane v0, v22;
	v9 =	vshrl.u32 v9, $0x18;
	v6 =	vld [tilespmem:s20+$0x310];
	[tilespmem:s21+$0x8470] =	vst v8  }
0xe3: {  	v20 =	vadd.s32 v15, v27;
	v18 =	vshrl.u32 v18, $0x18;
	v19 =	vadd.s32 $0xFFFFFFC2, v25;
	v7 =	vld [tilespmem:s20+$0x320];
	[tilespmem:s21+$0x8440] =	vst v9  }
0xe4: {  	v20 =	vshrl.u32 v20, $0x18;
	v15 =	vperm.xlane v0, v19;
	v13 =	vadd.s32 v13, v17;
	v8 =	vld [tilespmem:s20+$0x330];
	[tilespmem:s21+$0x8430] =	vst v18  }
0xe5: {  	s22 =	sadd.s32 $0x800, s22;
	v17 =	vperm.xlane v0, v26;
	v19 =	vshrl.u32 v13, $0x18;
	v18 =	vand.u32 $0xFFFFFF, v1;
	v1 =	vmovc v21;
	v9 =	vld [tilespmem:s20+$0x340];
	[tilespmem:s21+$0x8420] =	vst v20  }
0xe6: {  	v20 =	vand.u32 $0xFFFFFF, v3;
	v15 =	vadd.s32 v18, v15  }
0xe7: {  	v2 =	vand.u32 $0xFFFFFF, v2;
	v61 =	vand.u32 $0xFFFFFF, v10;
	v63 =	vand.u32 $0xFFFFFF, v11  }
0xe8: {  	v21 =	vand.u32 $0xFFFFFF, v12;
	v3 =	vshra.s32 v3, $0x18;
	v36 =	vshra.s32 v10, $0x18  }
0xe9: {  	v22 =	vand.u32 $0xFFFFFF, v14;
	v37 =	vshra.s32 v11, $0x18;
	v38 =	vshra.s32 v12, $0x18  }
0xea: {  	v24 =	vshra.s32 v4, $0x18;
	v25 =	vshrl.u32 v5, $0x17;
	v26 =	vshra.s32 v1, $0x18  }
0xeb: {  	v13 =	vld [tilespmem:s20+$0x370];
	[tilespmem:s21+$0x8410] =	vst v19;
	v39 =	vshra.s32 v14, $0x18;
	v1 =	vand.u32 $0xFFFFFF, v1;
	v15 =	vshrl.u32 v15, $0x18  }
0xec: {  	v19 =	vld [tilespmem:s20+$0x350];
	[tilespmem:s21+$0x8400] =	vst v16;
	v2 =	vadd.s32 v2, v17;
	v27 =	vshrl.u32 v6, $0x17;
	vm0 =	vgt.s32 v3, $0x3E  }
0xed: {  	vm1 =	vgt.s32 v36, $0x3E;
	vm2 =	vgt.s32 v37, $0x3E;
	v62 =	vld [tilespmem:s20+$0x360];
	[tilespmem:s21+$0x8460] =	vst v15;
	v28 =	vshrl.u32 v7, $0x17  }
0xee: {  	vm3 =	vgt.s32 v38, $0x3E;
	v2 =	vshrl.u32 v2, $0x18;
	v15 =	vld [tilespmem:s20+$0x400];
	v29 =	vshrl.u32 v8, $0x17  }
0xef: {  	vm4 =	vgt.s32 v24, $0x3E;
	vm5 =	vgt.s32 v26, $0x3E;
	[tilespmem:s21+$0x8450] =	vst v2;
	v30 =	vshrl.u32 v9, $0x17  }
0xf0: {  	vm6 =	vgt.s32 v39, $0x3E;
	v3 =	vnsel vm0, $0x3E, v3;
	v23 =	vshrl.u32 v13, $0x17;
	v25 =	vld.idx.msk [tilespmem:v25+s4+$0x0], $0xffff  }
0xf1: {  	v10 =	vnsel vm1, $0x3E, v36;
	v11 =	vnsel vm2, $0x3E, v37;
	v2 =	vshrl.u32 v19, $0x17;
	v27 =	vld.idx.msk [tilespmem:v27+s4+$0x0], $0xffff  }
0xf2: {  	v12 =	vnsel vm3, $0x3E, v38;
	v24 =	vnsel vm4, $0x3E, v24;
	v31 =	vshrl.u32 v62, $0x17;
	v28 =	vld.idx.msk [tilespmem:v28+s4+$0x0], $0xffff  }
0xf3: {  	v26 =	vnsel vm5, $0x3E, v26;
	v14 =	vnsel vm6, $0x3E, v39;
	v32 =	vshrl.u32 v15, $0x17;
	v29 =	vld.idx.msk [tilespmem:v29+s4+$0x0], $0xffff  }
0xf4: {  	v3 =	vmin.u32 v3, $0x4D;
	v10 =	vmin.u32 v10, $0x4D;
	v11 =	vmin.u32 v11, $0x4D;
	v30 =	vld.idx.msk [tilespmem:v30+s4+$0x0], $0xffff  }
0xf5: {  	v12 =	vmin.u32 v12, $0x4D;
	v24 =	vmin.u32 v24, $0x4D;
	v11 =	vadd.s32 $0xFFFFFFC2, v11;
	v23 =	vld.idx.msk [tilespmem:v23+s4+$0x0], $0xffff  }
0xf6: {  	v3 =	vadd.s32 $0xFFFFFFC2, v3;
	v56 =	vperm.xlane v0, v11;
	v41 =	vadd.s32 v5, v25;
	v2 =	vld.idx.msk [tilespmem:v2+s4+$0x0], $0xffff  }
0xf7: {  	v3 =	vperm.xlane v0, v3;
	v5 =	vshrl.u32 v41, $0x18;
	v43 =	vadd.s32 v6, v27;
	v40 =	vld.idx.msk [tilespmem:v31+s4+$0x0], $0xffff  }
0xf8: {  	v26 =	vmin.u32 v26, $0x4D;
	v59 =	vadd.s32 v63, v56;
	v45 =	vshrl.u32 v43, $0x18;
	v42 =	vld.idx.msk [tilespmem:v32+s4+$0x0], $0xffff;
	[tilespmem:s20+$0x8300] =	vst v5  }
0xf9: {  	v10 =	vadd.s32 $0xFFFFFFC2, v10;
	v3 =	vadd.s32 v20, v3;
	v6 =	vshrl.u32 v59, $0x18;
	[tilespmem:s20+$0x8310] =	vst v45  }
0xfa: {  	v50 =	vperm.xlane v0, v10;
	v3 =	vshrl.u32 v3, $0x18;
	v46 =	vadd.s32 v7, v28;
	[tilespmem:s20+$0x8430] =	vst v6  }
0xfb: {  	v14 =	vmin.u32 v14, $0x4D;
	v48 =	vshrl.u32 v46, $0x18;
	v49 =	vadd.s32 v8, v29;
	[tilespmem:s20+$0x8410] =	vst v3  }
0xfc: {  	v12 =	vadd.s32 $0xFFFFFFC2, v12;
	v8 =	vadd.s32 v61, v50;
	[tilespmem:s20+$0x8320] =	vst v48;
	v51 =	vshrl.u32 v49, $0x18  }
0xfd: {  	v47 =	vadd.s32 $0xFFFFFFC2, v14;
	v61 =	vshrl.u32 v8, $0x18;
	[tilespmem:s20+$0x8330] =	vst v51;
	v2 =	vadd.s32 v19, v2  }
0xfe: {  	v54 =	vperm.xlane v0, v12;
	[tilespmem:s20+$0x8420] =	vst v61;
	v2 =	vshrl.u32 v2, $0x18;
	v55 =	vadd.s32 v62, v40  }
0xff: {  	v7 =	vperm.xlane v0, v47;
	v52 =	vadd.s32 v9, v30;
	[tilespmem:s20+$0x8350] =	vst v2;
	v2 =	vshrl.u32 v55, $0x18  }
0x100: {  	v44 =	vadd.s32 $0xFFFFFFC2, v24;
	v53 =	vshrl.u32 v52, $0x18;
	[tilespmem:s20+$0x8360] =	vst v2;
	v2 =	vadd.s32 v21, v54  }
0x101: {  	v60 =	vadd.s32 $0xFFFFFFC2, v26;
	v57 =	vadd.s32 v22, v7;
	[tilespmem:s20+$0x8340] =	vst v53;
	v2 =	vshrl.u32 v2, $0x18  }
0x102: {  	v13 =	vadd.s32 v13, v23;
	v5 =	vshrl.u32 v57, $0x18;
	[tilespmem:s20+$0x8440] =	vst v2;
	v2 =	vperm.xlane v0, v60  }
0x103: {  	v13 =	vshrl.u32 v13, $0x18;
	[tilespmem:s20+$0x8470] =	vst v5;
	v62 =	vperm.xlane v0, v44;
	v58 =	vadd.s32 v15, v42  }
0x104: {  	v3 =	vand.u32 $0xFFFFFF, v4;
	[tilespmem:s20+$0x8370] =	vst v13;
	v63 =	vshrl.u32 v58, $0x18;
	v1 =	vadd.s32 v1, v2  }
0x105: {  	[tilespmem:s20+$0x8400] =	vst v63;
	v2 =	vadd.s32 v3, v62;
	v1 =	vshrl.u32 v1, $0x18  }
0x106: {  	s23 =	sadd.s32 $0x0, s11;
	v2 =	vshrl.u32 v2, $0x18;
	[tilespmem:s20+$0x8460] =	vst v1  }
0x107: {  	s22 =	simm.s32 $0x8400;
	s21 =	simm.s32 $0x8300;
	[tilespmem:s20+$0x8450] =	vst v2;
	s20 =	simm.s32 $0x10  }
.LBB2_14:
0x108: {  	[hbm4b:s23+s4] =	stream.linear.scatter [tilespmem:s21], [sflag:$0x4], $0x80, $0x38;
	[tilespmem:$0x10280] =	vst v63  }
0x109: {  	s23 =	smov.u32 s20;
	s21 =	smov.u32 s22;
	p0 =	sne.s32 s20, $0x7F0  }
.Ltmp6:
0x10a: {  	s20 =	sadd.s32 $0x10, s20;
	(pc) =	sbr.rel @p0 .LBB2_14-.Ltmp6, $2  }
0x10b: {  	_ =	sdelay $0x2  }
0x10c: {  	s22 =	sadd.s32 $0x100, s22;
	s23 =	sadd.s32 s23, s11  }
0x10d: {  	[hbm4b:s23+s4] =	stream.linear.scatter [tilespmem:s21], [sflag:$0x4], $0x80, $0x38;
	[tilespmem:$0x10280] =	vst v63  }
0x10e: {  	s20 =	simm.s32 $0x0;
	s21 =	simm.s32 $0x300  }
.LBB2_16:
0x10f: {  	p0 =	sne.s32 s20, $0x7F0  }
.Ltmp7:
0x110: {  	_ = 	snop;
	(pc) =	sbr.rel @p0 .LBB2_16-.Ltmp7, $4  }
0x111: {  	_ = 	snop  }
0x112: {  	s22 =	sadd.s32 s20, s12  }
0x113: {  	[tilespmem:s21], [sflag:$0x2] =	stream.linear.gather [hbm4b:s22+s4], $0x80, $0x38;
	[tilespmem:$0x10280] =	vst v63  }
0x114: {  	s20 =	sadd.s32 $0x10, s20;
	s21 =	sadd.s32 $0x100, s21  }
0x115: {  	s20 =	simm.s32 $0x1  }
.LBB2_18:
0x116: {  	_ =	swait.ge [sflag:s15], $0x4000  }
0x117: {  	[sflag:s15] =	ssyncset.done $0x0  }
0x118: {  	[sflag:s15] =	ssyncadd.s32 $0xFFFFC000  }
0x119: {  	_ =	swait.ge [sflag:s17], $0x4000  }
0x11a: {  	[sflag:s17] =	ssyncset.done $0x0  }
0x11b: {  	s24 =	simm.s32 $0x0;
	[sflag:s17] =	ssyncadd.s32 $0xFFFFC000  }
0x11c: {  	v1 =	vld [tilespmem:s24+$0x390]  }
0x11d: {  	v4 =	vld [tilespmem:s24+$0x3A0]  }
0x11e: {  	v5 =	vld [tilespmem:s24+$0x3B0]  }
0x11f: {  	v8 =	vld [tilespmem:s24+$0x2F0]  }
0x120: {  	v9 =	vld [tilespmem:s24+$0x280]  }
0x121: {  	v11 =	vld [tilespmem:s24+$0x290]  }
0x122: {  	v12 =	vld [tilespmem:s24+$0x2A0]  }
0x123: {  	v14 =	vld [tilespmem:s24+$0x2B0]  }
0x124: {  	v15 =	vld [tilespmem:s24+$0x2C0]  }
0x125: {  	v16 =	vld [tilespmem:s24+$0x2D0]  }
0x126: {  	v18 =	vld [tilespmem:s24+$0x2E0]  }
0x127: {  	v20 =	vld [tilespmem:s24+$0x380];
	v10 =	vshrl.u32 v8, $0x17  }
0x128: {  	v6 =	vld [tilespmem:s24+$0x3C0];
	v17 =	vshrl.u32 v9, $0x17  }
0x129: {  	v7 =	vld [tilespmem:s24+$0x3F0];
	v19 =	vshrl.u32 v11, $0x17  }
0x12a: {  	v21 =	vshrl.u32 v12, $0x17  }
0x12b: {  	v13 =	vld [tilespmem:s24+$0x3E0];
	v22 =	vshrl.u32 v14, $0x17;
	v23 =	vshrl.u32 v15, $0x17;
	v24 =	vshrl.u32 v16, $0x17  }
0x12c: {  	v25 =	vshrl.u32 v18, $0x17;
	v26 =	vshrl.u32 v20, $0x17;
	v27 =	vand.u32 $0xFFFFFF, v1;
	v10 =	vld.idx.msk [tilespmem:v10+s4+$0x0], $0xffff  }
0x12d: {  	v28 =	vand.u32 $0xFFFFFF, v4;
	v29 =	vand.u32 $0xFFFFFF, v5;
	v30 =	vand.u32 $0xFFFFFF, v6;
	v17 =	vld.idx.msk [tilespmem:v17+s4+$0x0], $0xffff  }
0x12e: {  	v1 =	vshra.s32 v1, $0x18;
	v4 =	vshra.s32 v4, $0x18;
	v31 =	vand.u32 $0xFFFFFF, v7;
	v19 =	vld.idx.msk [tilespmem:v19+s4+$0x0], $0xffff  }
0x12f: {  	v5 =	vshra.s32 v5, $0x18;
	v6 =	vshra.s32 v6, $0x18;
	v7 =	vshra.s32 v7, $0x18;
	v21 =	vld.idx.msk [tilespmem:v21+s4+$0x0], $0xffff  }
0x130: {  	vm0 =	vgt.s32 v1, $0x3E;
	vm1 =	vgt.s32 v4, $0x3E;
	vm6 =	vgt.s32 v7, $0x3E;
	v22 =	vld.idx.msk [tilespmem:v22+s4+$0x0], $0xffff  }
0x131: {  	vm2 =	vgt.s32 v5, $0x3E;
	vm3 =	vgt.s32 v6, $0x3E;
	v7 =	vnsel vm6, $0x3E, v7;
	v23 =	vld.idx.msk [tilespmem:v23+s4+$0x0], $0xffff  }
0x132: {  	s23 =	simm.s32 $0x200;
	v2 =	vld [tilespmem:s24+$0x3D0];
	v63 =	vnsel vm2, $0x3E, v5;
	v5 =	vnsel vm3, $0x3E, v6;
	v7 =	vmin.u32 v7, $0x4D  }
0x133: {  	v3 =	vld [tilespmem:s23+$0x390];
	v5 =	vmin.u32 v5, $0x4D;
	v8 =	vadd.s32 v8, v10;
	v9 =	vadd.s32 v9, v17  }
0x134: {  	v24 =	vld.idx.msk [tilespmem:v24+s4+$0x0], $0xffff;
	v17 =	vshra.s32 v13, $0x18;
	v11 =	vadd.s32 v11, v19;
	v12 =	vadd.s32 v12, v21  }
0x135: {  	v25 =	vld.idx.msk [tilespmem:v25+s4+$0x0], $0xffff;
	v14 =	vadd.s32 v14, v22;
	v19 =	vnsel vm1, $0x3E, v4;
	v8 =	vshrl.u32 v8, $0x18  }
0x136: {  	v26 =	vld.idx.msk [tilespmem:v26+s4+$0x0], $0xffff;
	v6 =	vadd.s32 v15, v23;
	vm5 =	vgt.s32 v17, $0x3E;
	[tilespmem:s24+$0x82F0] =	vst v8;
	v8 =	vshrl.u32 v9, $0x18  }
0x137: {  	v6 =	vshrl.u32 v6, $0x18;
	v9 =	vshra.s32 v2, $0x18;
	v10 =	vld [tilespmem:s23+$0x3A0];
	[tilespmem:s24+$0x8280] =	vst v8;
	v8 =	vshrl.u32 v11, $0x18  }
0x138: {  	v15 =	vnsel vm5, $0x3E, v17;
	v17 =	vadd.s32 $0xFFFFFFC2, v5;
	v11 =	vld [tilespmem:s23+$0x3B0];
	[tilespmem:s24+$0x8290] =	vst v8;
	v8 =	vshrl.u32 v12, $0x18  }
0x139: {  	vm4 =	vgt.s32 v9, $0x3E;
	v12 =	vld [tilespmem:s23+$0x3C0];
	[tilespmem:s24+$0x82A0] =	vst v8;
	v8 =	vnsel vm0, $0x3E, v1;
	v1 =	vshrl.u32 v14, $0x18  }
0x13a: {  	v17 =	vperm.xlane v0, v17;
	v15 =	vmin.u32 v15, $0x4D;
	v9 =	vnsel vm4, $0x3E, v9;
	v4 =	vld [tilespmem:s23+$0x3D0];
	[tilespmem:s24+$0x82B0] =	vst v1  }
0x13b: {  	v15 =	vadd.s32 $0xFFFFFFC2, v15;
	v14 =	vadd.s32 v16, v24;
	v1 =	vld [tilespmem:s23+$0x3E0];
	[tilespmem:s24+$0x82C0] =	vst v6;
	v6 =	vadd.s32 $0xFFFFFFC2, v7  }
0x13c: {  	v16 =	vadd.s32 v18, v25;
	v18 =	vmin.u32 v63, $0x4D;
	v6 =	vperm.xlane v0, v6  }
0x13d: {  	v9 =	vmin.u32 v9, $0x4D;
	v17 =	vadd.s32 v30, v17;
	v7 =	vshrl.u32 v14, $0x18  }
0x13e: {  	v15 =	vperm.xlane v0, v15;
	v16 =	vshrl.u32 v16, $0x18;
	v14 =	vld [tilespmem:s23+$0x3F0];
	[tilespmem:s24+$0x82D0] =	vst v7;
	v6 =	vadd.s32 v31, v6  }
0x13f: {  	v7 =	vmin.u32 v19, $0x4D;
	v5 =	vld [tilespmem:s23+$0x280];
	[tilespmem:s24+$0x82E0] =	vst v16;
	v16 =	vadd.s32 $0xFFFFFFC2, v18;
	v18 =	vshrl.u32 v6, $0x18  }
0x140: {  	v8 =	vmin.u32 v8, $0x4D;
	v16 =	vperm.xlane v0, v16;
	v6 =	vld [tilespmem:s23+$0x290];
	[tilespmem:s24+$0x83F0] =	vst v18;
	v18 =	vadd.s32 $0xFFFFFFC2, v7  }
0x141: {  	v8 =	vadd.s32 $0xFFFFFFC2, v8;
	v19 =	vadd.s32 $0xFFFFFFC2, v9;
	v9 =	vperm.xlane v0, v18  }
0x142: {  	s21 =	sshll.u32 s20, $0xF;
	v17 =	vshrl.u32 v17, $0x18;
	v16 =	vadd.s32 v29, v16;
	v18 =	vperm.xlane v0, v8  }
0x143: {  	s21 =	sor.u32 s5, s21;
	v7 =	vld [tilespmem:s23+$0x2A0];
	[tilespmem:s24+$0x83C0] =	vst v17;
	v17 =	vadd.s32 v20, v26;
	v20 =	vshrl.u32 v16, $0x18;
	v9 =	vadd.s32 v28, v9  }
0x144: {  	s22 =	sshrl.u32 s21, $0x3;
	v8 =	vld [tilespmem:s23+$0x2B0];
	v16 =	vshrl.u32 v17, $0x18;
	[tilespmem:s24+$0x83B0] =	vst v20;
	v18 =	vadd.s32 v27, v18;
	v20 =	vshrl.u32 v9, $0x18  }
0x145: {  	s25 =	simm.s32 $0x1000;
	s22 =	sadd.s32 s3, s22;
	v17 =	vperm.xlane v0, v19;
	v9 =	vld [tilespmem:s23+$0x2C0];
	v19 =	vshrl.u32 v18, $0x18;
	v18 =	vand.u32 $0xFFFFFF, v13;
	[tilespmem:s24+$0x83A0] =	vst v20  }
.LBB2_19:
0x146: {  	p0 =	seq.s32 s25, $0x1F800;
	v20 =	vld [tilespmem:s23+$0x2F0];
	v13 =	vand.u32 $0xFFFFFF, v3;
	[tilespmem:s24+$0x8390] =	vst v19;
	v19 =	vand.u32 $0xFFFFFF, v2;
	v18 =	vadd.s32 v18, v15;
	v2 =	vmovc v4  }
0x147: {  	v15 =	vand.u32 $0xFFFFFF, v10;
	v21 =	vld [tilespmem:s23+$0x2D0];
	[tilespmem:s24+$0x8380] =	vst v16;
	v4 =	vadd.s32 v19, v17;
	v16 =	vshrl.u32 v18, $0x18  }
0x148: {  	v18 =	vand.u32 $0xFFFFFF, v11;
	v19 =	vand.u32 $0xFFFFFF, v12;
	v17 =	vld [tilespmem:s23+$0x2E0];
	v4 =	vshrl.u32 v4, $0x18;
	[tilespmem:s24+$0x83E0] =	vst v16  }
0x149: {  	v22 =	vshra.s32 v3, $0x18;
	v10 =	vshra.s32 v10, $0x18;
	v23 =	vand.u32 $0xFFFFFF, v14;
	v16 =	vld [tilespmem:s23+$0x380];
	[tilespmem:s24+$0x83D0] =	vst v4;
	s24 =	smov.u32 s23  }
0x14a: {  	v4 =	vshra.s32 v11, $0x18;
	v11 =	vshra.s32 v12, $0x18;
	v12 =	vshra.s32 v2, $0x18  }
0x14b: {  	v25 =	vshra.s32 v1, $0x18;
	v14 =	vshra.s32 v14, $0x18;
	v24 =	vshrl.u32 v20, $0x17  }
0x14c: {  	v26 =	vshrl.u32 v5, $0x17;
	v27 =	vshrl.u32 v6, $0x17;
	v28 =	vshrl.u32 v7, $0x17  }
0x14d: {  	v29 =	vshrl.u32 v8, $0x17;
	v30 =	vshrl.u32 v9, $0x17;
	v31 =	vshrl.u32 v21, $0x17  }
0x14e: {  	vm0 =	vgt.s32 v22, $0x3E;
	s23 =	sshra.s32 s25, $0x2;
	v32 =	vshrl.u32 v17, $0x17;
	v33 =	vshrl.u32 v16, $0x17  }
0x14f: {  	vm1 =	vgt.s32 v10, $0x3E;
	vm2 =	vgt.s32 v4, $0x3E;
	vm3 =	vgt.s32 v11, $0x3E;
	v3 =	vld [tilespmem:s23+$0x390]  }
0x150: {  	vm5 =	vgt.s32 v25, $0x3E;
	vm6 =	vgt.s32 v14, $0x3E;
	vm4 =	vgt.s32 v12, $0x3E;
	v24 =	vld.idx.msk [tilespmem:v24+s4+$0x0], $0xffff  }
0x151: {  	v22 =	vnsel vm0, $0x3E, v22;
	v10 =	vnsel vm1, $0x3E, v10;
	v4 =	vnsel vm2, $0x3E, v4;
	v26 =	vld.idx.msk [tilespmem:v26+s4+$0x0], $0xffff  }
0x152: {  	v25 =	vnsel vm5, $0x3E, v25;
	v11 =	vnsel vm3, $0x3E, v11;
	v12 =	vnsel vm4, $0x3E, v12;
	v27 =	vld.idx.msk [tilespmem:v27+s4+$0x0], $0xffff  }
0x153: {  	v14 =	vnsel vm6, $0x3E, v14;
	v22 =	vmin.u32 v22, $0x4D;
	v10 =	vmin.u32 v10, $0x4D;
	v28 =	vld.idx.msk [tilespmem:v28+s4+$0x0], $0xffff  }
0x154: {  	v4 =	vmin.u32 v4, $0x4D;
	v11 =	vmin.u32 v11, $0x4D;
	v12 =	vmin.u32 v12, $0x4D;
	v29 =	vld.idx.msk [tilespmem:v29+s4+$0x0], $0xffff  }
0x155: {  	v25 =	vmin.u32 v25, $0x4D;
	v14 =	vmin.u32 v14, $0x4D;
	v22 =	vadd.s32 $0xFFFFFFC2, v22;
	v30 =	vld.idx.msk [tilespmem:v30+s4+$0x0], $0xffff  }
0x156: {  	v34 =	vadd.s32 $0xFFFFFFC2, v10;
	v4 =	vadd.s32 $0xFFFFFFC2, v4;
	v10 =	vadd.s32 v20, v24;
	v31 =	vld.idx.msk [tilespmem:v31+s4+$0x0], $0xffff  }
0x157: {  	v20 =	vadd.s32 $0xFFFFFFC2, v11;
	v5 =	vadd.s32 v5, v26;
	v10 =	vshrl.u32 v10, $0x18;
	v24 =	vld.idx.msk [tilespmem:v32+s4+$0x0], $0xffff  }
0x158: {  	v26 =	vadd.s32 $0xFFFFFFC2, v12;
	v5 =	vshrl.u32 v5, $0x18;
	v6 =	vadd.s32 v6, v27;
	v32 =	vld.idx.msk [tilespmem:v33+s4+$0x0], $0xffff;
	[tilespmem:s24+$0x82F0] =	vst v10  }
0x159: {  	v14 =	vadd.s32 $0xFFFFFFC2, v14;
	v10 =	vld [tilespmem:s23+$0x3A0];
	[tilespmem:s24+$0x8280] =	vst v5;
	v5 =	vshrl.u32 v6, $0x18;
	v6 =	vadd.s32 v7, v28  }
0x15a: {  	v27 =	vperm.xlane v0, v34;
	v11 =	vld [tilespmem:s23+$0x3B0];
	[tilespmem:s24+$0x8290] =	vst v5;
	v5 =	vshrl.u32 v6, $0x18;
	v6 =	vadd.s32 v8, v29  }
0x15b: {  	v7 =	vperm.xlane v0, v4;
	v12 =	vld [tilespmem:s23+$0x3C0];
	[tilespmem:s24+$0x82A0] =	vst v5;
	v5 =	vshrl.u32 v6, $0x18;
	v6 =	vadd.s32 v9, v30  }
0x15c: {  	v8 =	vperm.xlane v0, v14;
	v4 =	vld [tilespmem:s23+$0x3D0];
	[tilespmem:s24+$0x82B0] =	vst v5;
	v5 =	vshrl.u32 v6, $0x18;
	v6 =	vadd.s32 v21, v31  }
0x15d: {  	v9 =	vperm.xlane v0, v20;
	v21 =	vld [tilespmem:s23+$0x3E0];
	[tilespmem:s24+$0x82C0] =	vst v5;
	v5 =	vshrl.u32 v6, $0x18;
	v6 =	vadd.s32 v17, v24  }
0x15e: {  	v8 =	vadd.s32 v23, v8;
	v16 =	vadd.s32 v16, v32;
	v14 =	vld [tilespmem:s23+$0x3F0];
	[tilespmem:s24+$0x82D0] =	vst v5;
	v6 =	vshrl.u32 v6, $0x18  }
.Ltmp8:
0x15f: {  	v9 =	vadd.s32 v19, v9;
	v8 =	vshrl.u32 v8, $0x18;
	v16 =	vshrl.u32 v16, $0x18;
	v5 =	vld [tilespmem:s23+$0x280];
	[tilespmem:s24+$0x82E0] =	vst v6;
	(pc) =	sbr.rel @!p0 .LBB2_19-.Ltmp8, $4  }
0x160: {  	v18 =	vadd.s32 v18, v7;
	v17 =	vperm.xlane v0, v22;
	v9 =	vshrl.u32 v9, $0x18;
	v6 =	vld [tilespmem:s23+$0x290];
	[tilespmem:s24+$0x83F0] =	vst v8  }
0x161: {  	v20 =	vadd.s32 v15, v27;
	v18 =	vshrl.u32 v18, $0x18;
	v19 =	vadd.s32 $0xFFFFFFC2, v25;
	v7 =	vld [tilespmem:s23+$0x2A0];
	[tilespmem:s24+$0x83C0] =	vst v9  }
0x162: {  	v20 =	vshrl.u32 v20, $0x18;
	v15 =	vperm.xlane v0, v19;
	v13 =	vadd.s32 v13, v17;
	v8 =	vld [tilespmem:s23+$0x2B0];
	[tilespmem:s24+$0x83B0] =	vst v18  }
0x163: {  	s25 =	sadd.s32 $0x800, s25;
	v17 =	vperm.xlane v0, v26;
	v19 =	vshrl.u32 v13, $0x18;
	v18 =	vand.u32 $0xFFFFFF, v1;
	v1 =	vmovc v21;
	v9 =	vld [tilespmem:s23+$0x2C0];
	[tilespmem:s24+$0x83A0] =	vst v20  }
0x164: {  	v20 =	vand.u32 $0xFFFFFF, v3;
	v15 =	vadd.s32 v18, v15  }
0x165: {  	v2 =	vand.u32 $0xFFFFFF, v2;
	v61 =	vand.u32 $0xFFFFFF, v10;
	v63 =	vand.u32 $0xFFFFFF, v11  }
0x166: {  	v21 =	vand.u32 $0xFFFFFF, v12;
	v3 =	vshra.s32 v3, $0x18;
	v36 =	vshra.s32 v10, $0x18  }
0x167: {  	v22 =	vand.u32 $0xFFFFFF, v14;
	v37 =	vshra.s32 v11, $0x18;
	v38 =	vshra.s32 v12, $0x18  }
0x168: {  	v24 =	vshra.s32 v4, $0x18;
	v25 =	vshrl.u32 v5, $0x17;
	v26 =	vshra.s32 v1, $0x18  }
0x169: {  	v13 =	vld [tilespmem:s23+$0x2F0];
	[tilespmem:s24+$0x8390] =	vst v19;
	v39 =	vshra.s32 v14, $0x18;
	v1 =	vand.u32 $0xFFFFFF, v1;
	v15 =	vshrl.u32 v15, $0x18  }
0x16a: {  	v19 =	vld [tilespmem:s23+$0x2D0];
	[tilespmem:s24+$0x8380] =	vst v16;
	v2 =	vadd.s32 v2, v17;
	v27 =	vshrl.u32 v6, $0x17;
	vm0 =	vgt.s32 v3, $0x3E  }
0x16b: {  	vm1 =	vgt.s32 v36, $0x3E;
	vm2 =	vgt.s32 v37, $0x3E;
	v62 =	vld [tilespmem:s23+$0x2E0];
	[tilespmem:s24+$0x83E0] =	vst v15;
	v28 =	vshrl.u32 v7, $0x17  }
0x16c: {  	vm3 =	vgt.s32 v38, $0x3E;
	v2 =	vshrl.u32 v2, $0x18;
	v15 =	vld [tilespmem:s23+$0x380];
	v29 =	vshrl.u32 v8, $0x17  }
0x16d: {  	vm4 =	vgt.s32 v24, $0x3E;
	vm5 =	vgt.s32 v26, $0x3E;
	[tilespmem:s24+$0x83D0] =	vst v2;
	v30 =	vshrl.u32 v9, $0x17  }
0x16e: {  	vm6 =	vgt.s32 v39, $0x3E;
	v3 =	vnsel vm0, $0x3E, v3;
	v23 =	vshrl.u32 v13, $0x17;
	v25 =	vld.idx.msk [tilespmem:v25+s4+$0x0], $0xffff  }
0x16f: {  	v10 =	vnsel vm1, $0x3E, v36;
	v11 =	vnsel vm2, $0x3E, v37;
	v2 =	vshrl.u32 v19, $0x17;
	v27 =	vld.idx.msk [tilespmem:v27+s4+$0x0], $0xffff  }
0x170: {  	v12 =	vnsel vm3, $0x3E, v38;
	v24 =	vnsel vm4, $0x3E, v24;
	v31 =	vshrl.u32 v62, $0x17;
	v28 =	vld.idx.msk [tilespmem:v28+s4+$0x0], $0xffff  }
0x171: {  	v26 =	vnsel vm5, $0x3E, v26;
	v14 =	vnsel vm6, $0x3E, v39;
	v32 =	vshrl.u32 v15, $0x17;
	v29 =	vld.idx.msk [tilespmem:v29+s4+$0x0], $0xffff  }
0x172: {  	v3 =	vmin.u32 v3, $0x4D;
	v10 =	vmin.u32 v10, $0x4D;
	v11 =	vmin.u32 v11, $0x4D;
	v30 =	vld.idx.msk [tilespmem:v30+s4+$0x0], $0xffff  }
0x173: {  	v12 =	vmin.u32 v12, $0x4D;
	v24 =	vmin.u32 v24, $0x4D;
	v11 =	vadd.s32 $0xFFFFFFC2, v11;
	v23 =	vld.idx.msk [tilespmem:v23+s4+$0x0], $0xffff  }
0x174: {  	v3 =	vadd.s32 $0xFFFFFFC2, v3;
	v56 =	vperm.xlane v0, v11;
	v41 =	vadd.s32 v5, v25;
	v2 =	vld.idx.msk [tilespmem:v2+s4+$0x0], $0xffff  }
0x175: {  	v3 =	vperm.xlane v0, v3;
	v5 =	vshrl.u32 v41, $0x18;
	v43 =	vadd.s32 v6, v27;
	v40 =	vld.idx.msk [tilespmem:v31+s4+$0x0], $0xffff  }
0x176: {  	v26 =	vmin.u32 v26, $0x4D;
	v59 =	vadd.s32 v63, v56;
	v45 =	vshrl.u32 v43, $0x18;
	v42 =	vld.idx.msk [tilespmem:v32+s4+$0x0], $0xffff;
	[tilespmem:s23+$0x8280] =	vst v5  }
0x177: {  	v10 =	vadd.s32 $0xFFFFFFC2, v10;
	v3 =	vadd.s32 v20, v3;
	v6 =	vshrl.u32 v59, $0x18;
	[tilespmem:s23+$0x8290] =	vst v45  }
0x178: {  	v50 =	vperm.xlane v0, v10;
	v3 =	vshrl.u32 v3, $0x18;
	v46 =	vadd.s32 v7, v28;
	[tilespmem:s23+$0x83B0] =	vst v6  }
0x179: {  	v14 =	vmin.u32 v14, $0x4D;
	v48 =	vshrl.u32 v46, $0x18;
	v49 =	vadd.s32 v8, v29;
	[tilespmem:s23+$0x8390] =	vst v3  }
0x17a: {  	v12 =	vadd.s32 $0xFFFFFFC2, v12;
	v8 =	vadd.s32 v61, v50;
	[tilespmem:s23+$0x82A0] =	vst v48;
	v51 =	vshrl.u32 v49, $0x18  }
0x17b: {  	v47 =	vadd.s32 $0xFFFFFFC2, v14;
	v61 =	vshrl.u32 v8, $0x18;
	[tilespmem:s23+$0x82B0] =	vst v51;
	v2 =	vadd.s32 v19, v2  }
0x17c: {  	v54 =	vperm.xlane v0, v12;
	[tilespmem:s23+$0x83A0] =	vst v61;
	v2 =	vshrl.u32 v2, $0x18;
	v55 =	vadd.s32 v62, v40  }
0x17d: {  	v7 =	vperm.xlane v0, v47;
	v52 =	vadd.s32 v9, v30;
	[tilespmem:s23+$0x82D0] =	vst v2;
	v2 =	vshrl.u32 v55, $0x18  }
0x17e: {  	v44 =	vadd.s32 $0xFFFFFFC2, v24;
	v53 =	vshrl.u32 v52, $0x18;
	[tilespmem:s23+$0x82E0] =	vst v2;
	v2 =	vadd.s32 v21, v54  }
0x17f: {  	v60 =	vadd.s32 $0xFFFFFFC2, v26;
	v57 =	vadd.s32 v22, v7;
	[tilespmem:s23+$0x82C0] =	vst v53;
	v2 =	vshrl.u32 v2, $0x18  }
0x180: {  	v13 =	vadd.s32 v13, v23;
	v5 =	vshrl.u32 v57, $0x18;
	[tilespmem:s23+$0x83C0] =	vst v2;
	v2 =	vperm.xlane v0, v60  }
0x181: {  	v13 =	vshrl.u32 v13, $0x18;
	[tilespmem:s23+$0x83F0] =	vst v5;
	v62 =	vperm.xlane v0, v44;
	v58 =	vadd.s32 v15, v42  }
0x182: {  	v3 =	vand.u32 $0xFFFFFF, v4;
	[tilespmem:s23+$0x82F0] =	vst v13;
	v63 =	vshrl.u32 v58, $0x18;
	v1 =	vadd.s32 v1, v2  }
0x183: {  	[tilespmem:s23+$0x8380] =	vst v63;
	v2 =	vadd.s32 v3, v62;
	v1 =	vshrl.u32 v1, $0x18  }
0x184: {  	s26 =	sadd.s32 $0x0, s22;
	v2 =	vshrl.u32 v2, $0x18;
	[tilespmem:s23+$0x83E0] =	vst v1  }
0x185: {  	s25 =	simm.s32 $0x8380;
	s24 =	simm.s32 $0x10;
	[tilespmem:s23+$0x83D0] =	vst v2;
	s23 =	simm.s32 $0x8280  }
.LBB2_21:
0x186: {  	[hbm4b:s26+s4] =	stream.linear.scatter [tilespmem:s23], [sflag:$0x3], $0x80, $0x38;
	[tilespmem:$0x10280] =	vst v63  }
0x187: {  	s26 =	smov.u32 s24;
	s23 =	smov.u32 s25;
	p0 =	sne.s32 s24, $0x7F0  }
.Ltmp9:
0x188: {  	s24 =	sadd.s32 $0x10, s24;
	(pc) =	sbr.rel @p0 .LBB2_21-.Ltmp9, $2  }
0x189: {  	_ =	sdelay $0x2  }
0x18a: {  	s25 =	sadd.s32 $0x100, s25;
	s26 =	sadd.s32 s26, s22  }
0x18b: {  	[hbm4b:s26+s4] =	stream.linear.scatter [tilespmem:s23], [sflag:$0x3], $0x80, $0x38;
	[tilespmem:$0x10280] =	vst v63  }
0x18c: {  	s22 =	smin.u32 s21, $0xFF4000  }
0x18d: {  	s22 =	sshrl.u32 s22, $0x3  }
0x18e: {  	s22 =	sadd.s32 s1, s22  }
0x18f: {  	s23 =	simm.s32 $0x280;
	s22 =	sadd.s32 $0x1000, s22  }
0x190: {  	s24 =	simm.s32 $0x10;
	s25 =	simm.s32 $0x380;
	s26 =	sadd.s32 $0x0, s22  }
.LBB2_23:
0x191: {  	[tilespmem:s23], [sflag:$0x1] =	stream.linear.gather [hbm4b:s26+s4], $0x80, $0x38;
	[tilespmem:$0x10280] =	vst v63  }
0x192: {  	s26 =	smov.u32 s24;
	s23 =	smov.u32 s25;
	p0 =	sne.s32 s24, $0x7F0  }
.Ltmp10:
0x193: {  	s24 =	sadd.s32 $0x10, s24;
	(pc) =	sbr.rel @p0 .LBB2_23-.Ltmp10, $2  }
0x194: {  	_ =	sdelay $0x2  }
0x195: {  	s25 =	sadd.s32 $0x100, s25;
	s26 =	sadd.s32 s26, s22  }
0x196: {  	[tilespmem:s23], [sflag:$0x1] =	stream.linear.gather [hbm4b:s26+s4], $0x80, $0x38;
	[tilespmem:$0x10280] =	vst v63  }
0x197: {  	_ =	swait.ge [sflag:s16], $0x4000  }
0x198: {  	[sflag:s16] =	ssyncset.done $0x0  }
0x199: {  	[sflag:s16] =	ssyncadd.s32 $0xFFFFC000  }
0x19a: {  	_ =	swait.ge [sflag:s18], $0x4000  }
0x19b: {  	[sflag:s18] =	ssyncset.done $0x0  }
0x19c: {  	s24 =	simm.s32 $0x0;
	[sflag:s18] =	ssyncadd.s32 $0xFFFFC000  }
0x19d: {  	v1 =	vld [tilespmem:s24+$0x410]  }
0x19e: {  	v4 =	vld [tilespmem:s24+$0x420]  }
0x19f: {  	v5 =	vld [tilespmem:s24+$0x430]  }
0x1a0: {  	v8 =	vld [tilespmem:s24+$0x370]  }
0x1a1: {  	v9 =	vld [tilespmem:s24+$0x300]  }
0x1a2: {  	v11 =	vld [tilespmem:s24+$0x310]  }
0x1a3: {  	v12 =	vld [tilespmem:s24+$0x320]  }
0x1a4: {  	v14 =	vld [tilespmem:s24+$0x330]  }
0x1a5: {  	v15 =	vld [tilespmem:s24+$0x340]  }
0x1a6: {  	v16 =	vld [tilespmem:s24+$0x350]  }
0x1a7: {  	v18 =	vld [tilespmem:s24+$0x360]  }
0x1a8: {  	v20 =	vld [tilespmem:s24+$0x400];
	v10 =	vshrl.u32 v8, $0x17  }
0x1a9: {  	v6 =	vld [tilespmem:s24+$0x440];
	v17 =	vshrl.u32 v9, $0x17  }
0x1aa: {  	v7 =	vld [tilespmem:s24+$0x470];
	v19 =	vshrl.u32 v11, $0x17  }
0x1ab: {  	v21 =	vshrl.u32 v12, $0x17  }
0x1ac: {  	v13 =	vld [tilespmem:s24+$0x460];
	v22 =	vshrl.u32 v14, $0x17;
	v23 =	vshrl.u32 v15, $0x17;
	v24 =	vshrl.u32 v16, $0x17  }
0x1ad: {  	v25 =	vshrl.u32 v18, $0x17;
	v26 =	vshrl.u32 v20, $0x17;
	v27 =	vand.u32 $0xFFFFFF, v1;
	v10 =	vld.idx.msk [tilespmem:v10+s4+$0x0], $0xffff  }
0x1ae: {  	v28 =	vand.u32 $0xFFFFFF, v4;
	v29 =	vand.u32 $0xFFFFFF, v5;
	v30 =	vand.u32 $0xFFFFFF, v6;
	v17 =	vld.idx.msk [tilespmem:v17+s4+$0x0], $0xffff  }
0x1af: {  	v1 =	vshra.s32 v1, $0x18;
	v4 =	vshra.s32 v4, $0x18;
	v31 =	vand.u32 $0xFFFFFF, v7;
	v19 =	vld.idx.msk [tilespmem:v19+s4+$0x0], $0xffff  }
0x1b0: {  	v5 =	vshra.s32 v5, $0x18;
	v6 =	vshra.s32 v6, $0x18;
	v7 =	vshra.s32 v7, $0x18;
	v21 =	vld.idx.msk [tilespmem:v21+s4+$0x0], $0xffff  }
0x1b1: {  	vm0 =	vgt.s32 v1, $0x3E;
	vm1 =	vgt.s32 v4, $0x3E;
	vm6 =	vgt.s32 v7, $0x3E;
	v22 =	vld.idx.msk [tilespmem:v22+s4+$0x0], $0xffff  }
0x1b2: {  	vm2 =	vgt.s32 v5, $0x3E;
	vm3 =	vgt.s32 v6, $0x3E;
	v7 =	vnsel vm6, $0x3E, v7;
	v23 =	vld.idx.msk [tilespmem:v23+s4+$0x0], $0xffff  }
0x1b3: {  	s23 =	simm.s32 $0x200;
	v2 =	vld [tilespmem:s24+$0x450];
	v63 =	vnsel vm2, $0x3E, v5;
	v5 =	vnsel vm3, $0x3E, v6;
	v7 =	vmin.u32 v7, $0x4D  }
0x1b4: {  	v3 =	vld [tilespmem:s23+$0x410];
	v5 =	vmin.u32 v5, $0x4D;
	v8 =	vadd.s32 v8, v10;
	v9 =	vadd.s32 v9, v17  }
0x1b5: {  	v24 =	vld.idx.msk [tilespmem:v24+s4+$0x0], $0xffff;
	v17 =	vshra.s32 v13, $0x18;
	v11 =	vadd.s32 v11, v19;
	v12 =	vadd.s32 v12, v21  }
0x1b6: {  	v25 =	vld.idx.msk [tilespmem:v25+s4+$0x0], $0xffff;
	v14 =	vadd.s32 v14, v22;
	v19 =	vnsel vm1, $0x3E, v4;
	v8 =	vshrl.u32 v8, $0x18  }
0x1b7: {  	v26 =	vld.idx.msk [tilespmem:v26+s4+$0x0], $0xffff;
	v6 =	vadd.s32 v15, v23;
	vm5 =	vgt.s32 v17, $0x3E;
	[tilespmem:s24+$0x8370] =	vst v8;
	v8 =	vshrl.u32 v9, $0x18  }
0x1b8: {  	v6 =	vshrl.u32 v6, $0x18;
	v9 =	vshra.s32 v2, $0x18;
	v10 =	vld [tilespmem:s23+$0x420];
	[tilespmem:s24+$0x8300] =	vst v8;
	v8 =	vshrl.u32 v11, $0x18  }
0x1b9: {  	v15 =	vnsel vm5, $0x3E, v17;
	v17 =	vadd.s32 $0xFFFFFFC2, v5;
	v11 =	vld [tilespmem:s23+$0x430];
	[tilespmem:s24+$0x8310] =	vst v8;
	v8 =	vshrl.u32 v12, $0x18  }
0x1ba: {  	vm4 =	vgt.s32 v9, $0x3E;
	v12 =	vld [tilespmem:s23+$0x440];
	[tilespmem:s24+$0x8320] =	vst v8;
	v8 =	vnsel vm0, $0x3E, v1;
	v1 =	vshrl.u32 v14, $0x18  }
0x1bb: {  	v17 =	vperm.xlane v0, v17;
	v15 =	vmin.u32 v15, $0x4D;
	v9 =	vnsel vm4, $0x3E, v9;
	v4 =	vld [tilespmem:s23+$0x450];
	[tilespmem:s24+$0x8330] =	vst v1  }
0x1bc: {  	v15 =	vadd.s32 $0xFFFFFFC2, v15;
	v14 =	vadd.s32 v16, v24;
	v1 =	vld [tilespmem:s23+$0x460];
	[tilespmem:s24+$0x8340] =	vst v6;
	v6 =	vadd.s32 $0xFFFFFFC2, v7  }
0x1bd: {  	v16 =	vadd.s32 v18, v25;
	v18 =	vmin.u32 v63, $0x4D;
	v6 =	vperm.xlane v0, v6  }
0x1be: {  	v9 =	vmin.u32 v9, $0x4D;
	v17 =	vadd.s32 v30, v17;
	v7 =	vshrl.u32 v14, $0x18  }
0x1bf: {  	v15 =	vperm.xlane v0, v15;
	v16 =	vshrl.u32 v16, $0x18;
	v14 =	vld [tilespmem:s23+$0x470];
	[tilespmem:s24+$0x8350] =	vst v7;
	v6 =	vadd.s32 v31, v6  }
0x1c0: {  	v7 =	vmin.u32 v19, $0x4D;
	v5 =	vld [tilespmem:s23+$0x300];
	[tilespmem:s24+$0x8360] =	vst v16;
	v16 =	vadd.s32 $0xFFFFFFC2, v18;
	v18 =	vshrl.u32 v6, $0x18  }
0x1c1: {  	v8 =	vmin.u32 v8, $0x4D;
	v16 =	vperm.xlane v0, v16;
	v6 =	vld [tilespmem:s23+$0x310];
	[tilespmem:s24+$0x8470] =	vst v18;
	v18 =	vadd.s32 $0xFFFFFFC2, v7  }
0x1c2: {  	v8 =	vadd.s32 $0xFFFFFFC2, v8;
	v19 =	vadd.s32 $0xFFFFFFC2, v9;
	v9 =	vperm.xlane v0, v18  }
0x1c3: {  	v17 =	vshrl.u32 v17, $0x18;
	v16 =	vadd.s32 v29, v16;
	v18 =	vperm.xlane v0, v8  }
0x1c4: {  	s21 =	sor.u32 $0x4000, s21;
	v7 =	vld [tilespmem:s23+$0x320];
	[tilespmem:s24+$0x8440] =	vst v17;
	v17 =	vadd.s32 v20, v26;
	v20 =	vshrl.u32 v16, $0x18;
	v9 =	vadd.s32 v28, v9  }
0x1c5: {  	s22 =	sshrl.u32 s21, $0x3;
	v8 =	vld [tilespmem:s23+$0x330];
	v16 =	vshrl.u32 v17, $0x18;
	[tilespmem:s24+$0x8430] =	vst v20;
	v18 =	vadd.s32 v27, v18;
	v20 =	vshrl.u32 v9, $0x18  }
0x1c6: {  	s25 =	simm.s32 $0x1000;
	s22 =	sadd.s32 s3, s22;
	v17 =	vperm.xlane v0, v19;
	v9 =	vld [tilespmem:s23+$0x340];
	v19 =	vshrl.u32 v18, $0x18;
	v18 =	vand.u32 $0xFFFFFF, v13;
	[tilespmem:s24+$0x8420] =	vst v20  }
.LBB2_25:
0x1c7: {  	p0 =	seq.s32 s25, $0x1F800;
	v20 =	vld [tilespmem:s23+$0x370];
	v13 =	vand.u32 $0xFFFFFF, v3;
	[tilespmem:s24+$0x8410] =	vst v19;
	v19 =	vand.u32 $0xFFFFFF, v2;
	v18 =	vadd.s32 v18, v15;
	v2 =	vmovc v4  }
0x1c8: {  	v15 =	vand.u32 $0xFFFFFF, v10;
	v21 =	vld [tilespmem:s23+$0x350];
	[tilespmem:s24+$0x8400] =	vst v16;
	v4 =	vadd.s32 v19, v17;
	v16 =	vshrl.u32 v18, $0x18  }
0x1c9: {  	v18 =	vand.u32 $0xFFFFFF, v11;
	v19 =	vand.u32 $0xFFFFFF, v12;
	v17 =	vld [tilespmem:s23+$0x360];
	v4 =	vshrl.u32 v4, $0x18;
	[tilespmem:s24+$0x8460] =	vst v16  }
0x1ca: {  	v22 =	vshra.s32 v3, $0x18;
	v10 =	vshra.s32 v10, $0x18;
	v23 =	vand.u32 $0xFFFFFF, v14;
	v16 =	vld [tilespmem:s23+$0x400];
	[tilespmem:s24+$0x8450] =	vst v4;
	s24 =	smov.u32 s23  }
0x1cb: {  	v4 =	vshra.s32 v11, $0x18;
	v11 =	vshra.s32 v12, $0x18;
	v12 =	vshra.s32 v2, $0x18  }
0x1cc: {  	v25 =	vshra.s32 v1, $0x18;
	v14 =	vshra.s32 v14, $0x18;
	v24 =	vshrl.u32 v20, $0x17  }
0x1cd: {  	v26 =	vshrl.u32 v5, $0x17;
	v27 =	vshrl.u32 v6, $0x17;
	v28 =	vshrl.u32 v7, $0x17  }
0x1ce: {  	v29 =	vshrl.u32 v8, $0x17;
	v30 =	vshrl.u32 v9, $0x17;
	v31 =	vshrl.u32 v21, $0x17  }
0x1cf: {  	vm0 =	vgt.s32 v22, $0x3E;
	s23 =	sshra.s32 s25, $0x2;
	v32 =	vshrl.u32 v17, $0x17;
	v33 =	vshrl.u32 v16, $0x17  }
0x1d0: {  	vm1 =	vgt.s32 v10, $0x3E;
	vm2 =	vgt.s32 v4, $0x3E;
	vm3 =	vgt.s32 v11, $0x3E;
	v3 =	vld [tilespmem:s23+$0x410]  }
0x1d1: {  	vm5 =	vgt.s32 v25, $0x3E;
	vm6 =	vgt.s32 v14, $0x3E;
	vm4 =	vgt.s32 v12, $0x3E;
	v24 =	vld.idx.msk [tilespmem:v24+s4+$0x0], $0xffff  }
0x1d2: {  	v22 =	vnsel vm0, $0x3E, v22;
	v10 =	vnsel vm1, $0x3E, v10;
	v4 =	vnsel vm2, $0x3E, v4;
	v26 =	vld.idx.msk [tilespmem:v26+s4+$0x0], $0xffff  }
0x1d3: {  	v25 =	vnsel vm5, $0x3E, v25;
	v11 =	vnsel vm3, $0x3E, v11;
	v12 =	vnsel vm4, $0x3E, v12;
	v27 =	vld.idx.msk [tilespmem:v27+s4+$0x0], $0xffff  }
0x1d4: {  	v14 =	vnsel vm6, $0x3E, v14;
	v22 =	vmin.u32 v22, $0x4D;
	v10 =	vmin.u32 v10, $0x4D;
	v28 =	vld.idx.msk [tilespmem:v28+s4+$0x0], $0xffff  }
0x1d5: {  	v4 =	vmin.u32 v4, $0x4D;
	v11 =	vmin.u32 v11, $0x4D;
	v12 =	vmin.u32 v12, $0x4D;
	v29 =	vld.idx.msk [tilespmem:v29+s4+$0x0], $0xffff  }
0x1d6: {  	v25 =	vmin.u32 v25, $0x4D;
	v14 =	vmin.u32 v14, $0x4D;
	v22 =	vadd.s32 $0xFFFFFFC2, v22;
	v30 =	vld.idx.msk [tilespmem:v30+s4+$0x0], $0xffff  }
0x1d7: {  	v34 =	vadd.s32 $0xFFFFFFC2, v10;
	v4 =	vadd.s32 $0xFFFFFFC2, v4;
	v10 =	vadd.s32 v20, v24;
	v31 =	vld.idx.msk [tilespmem:v31+s4+$0x0], $0xffff  }
0x1d8: {  	v20 =	vadd.s32 $0xFFFFFFC2, v11;
	v5 =	vadd.s32 v5, v26;
	v10 =	vshrl.u32 v10, $0x18;
	v24 =	vld.idx.msk [tilespmem:v32+s4+$0x0], $0xffff  }
0x1d9: {  	v26 =	vadd.s32 $0xFFFFFFC2, v12;
	v5 =	vshrl.u32 v5, $0x18;
	v6 =	vadd.s32 v6, v27;
	v32 =	vld.idx.msk [tilespmem:v33+s4+$0x0], $0xffff;
	[tilespmem:s24+$0x8370] =	vst v10  }
0x1da: {  	v14 =	vadd.s32 $0xFFFFFFC2, v14;
	v10 =	vld [tilespmem:s23+$0x420];
	[tilespmem:s24+$0x8300] =	vst v5;
	v5 =	vshrl.u32 v6, $0x18;
	v6 =	vadd.s32 v7, v28  }
0x1db: {  	v27 =	vperm.xlane v0, v34;
	v11 =	vld [tilespmem:s23+$0x430];
	[tilespmem:s24+$0x8310] =	vst v5;
	v5 =	vshrl.u32 v6, $0x18;
	v6 =	vadd.s32 v8, v29  }
0x1dc: {  	v7 =	vperm.xlane v0, v4;
	v12 =	vld [tilespmem:s23+$0x440];
	[tilespmem:s24+$0x8320] =	vst v5;
	v5 =	vshrl.u32 v6, $0x18;
	v6 =	vadd.s32 v9, v30  }
0x1dd: {  	v8 =	vperm.xlane v0, v14;
	v4 =	vld [tilespmem:s23+$0x450];
	[tilespmem:s24+$0x8330] =	vst v5;
	v5 =	vshrl.u32 v6, $0x18;
	v6 =	vadd.s32 v21, v31  }
0x1de: {  	v9 =	vperm.xlane v0, v20;
	v21 =	vld [tilespmem:s23+$0x460];
	[tilespmem:s24+$0x8340] =	vst v5;
	v5 =	vshrl.u32 v6, $0x18;
	v6 =	vadd.s32 v17, v24  }
0x1df: {  	v8 =	vadd.s32 v23, v8;
	v16 =	vadd.s32 v16, v32;
	v14 =	vld [tilespmem:s23+$0x470];
	[tilespmem:s24+$0x8350] =	vst v5;
	v6 =	vshrl.u32 v6, $0x18  }
.Ltmp11:
0x1e0: {  	v9 =	vadd.s32 v19, v9;
	v8 =	vshrl.u32 v8, $0x18;
	v16 =	vshrl.u32 v16, $0x18;
	v5 =	vld [tilespmem:s23+$0x300];
	[tilespmem:s24+$0x8360] =	vst v6;
	(pc) =	sbr.rel @!p0 .LBB2_25-.Ltmp11, $4  }
0x1e1: {  	v18 =	vadd.s32 v18, v7;
	v17 =	vperm.xlane v0, v22;
	v9 =	vshrl.u32 v9, $0x18;
	v6 =	vld [tilespmem:s23+$0x310];
	[tilespmem:s24+$0x8470] =	vst v8  }
0x1e2: {  	v20 =	vadd.s32 v15, v27;
	v18 =	vshrl.u32 v18, $0x18;
	v19 =	vadd.s32 $0xFFFFFFC2, v25;
	v7 =	vld [tilespmem:s23+$0x320];
	[tilespmem:s24+$0x8440] =	vst v9  }
0x1e3: {  	v20 =	vshrl.u32 v20, $0x18;
	v15 =	vperm.xlane v0, v19;
	v13 =	vadd.s32 v13, v17;
	v8 =	vld [tilespmem:s23+$0x330];
	[tilespmem:s24+$0x8430] =	vst v18  }
0x1e4: {  	s25 =	sadd.s32 $0x800, s25;
	v17 =	vperm.xlane v0, v26;
	v19 =	vshrl.u32 v13, $0x18;
	v18 =	vand.u32 $0xFFFFFF, v1;
	v1 =	vmovc v21;
	v9 =	vld [tilespmem:s23+$0x340];
	[tilespmem:s24+$0x8420] =	vst v20  }
0x1e5: {  	v20 =	vand.u32 $0xFFFFFF, v3;
	v15 =	vadd.s32 v18, v15  }
0x1e6: {  	v2 =	vand.u32 $0xFFFFFF, v2;
	v61 =	vand.u32 $0xFFFFFF, v10;
	v63 =	vand.u32 $0xFFFFFF, v11  }
0x1e7: {  	v21 =	vand.u32 $0xFFFFFF, v12;
	v3 =	vshra.s32 v3, $0x18;
	v36 =	vshra.s32 v10, $0x18  }
0x1e8: {  	v22 =	vand.u32 $0xFFFFFF, v14;
	v37 =	vshra.s32 v11, $0x18;
	v38 =	vshra.s32 v12, $0x18  }
0x1e9: {  	v24 =	vshra.s32 v4, $0x18;
	v25 =	vshrl.u32 v5, $0x17;
	v26 =	vshra.s32 v1, $0x18  }
0x1ea: {  	v13 =	vld [tilespmem:s23+$0x370];
	[tilespmem:s24+$0x8410] =	vst v19;
	v39 =	vshra.s32 v14, $0x18;
	v1 =	vand.u32 $0xFFFFFF, v1;
	v15 =	vshrl.u32 v15, $0x18  }
0x1eb: {  	v19 =	vld [tilespmem:s23+$0x350];
	[tilespmem:s24+$0x8400] =	vst v16;
	v2 =	vadd.s32 v2, v17;
	v27 =	vshrl.u32 v6, $0x17;
	vm0 =	vgt.s32 v3, $0x3E  }
0x1ec: {  	vm1 =	vgt.s32 v36, $0x3E;
	vm2 =	vgt.s32 v37, $0x3E;
	v62 =	vld [tilespmem:s23+$0x360];
	[tilespmem:s24+$0x8460] =	vst v15;
	v28 =	vshrl.u32 v7, $0x17  }
0x1ed: {  	vm3 =	vgt.s32 v38, $0x3E;
	v2 =	vshrl.u32 v2, $0x18;
	v15 =	vld [tilespmem:s23+$0x400];
	v29 =	vshrl.u32 v8, $0x17  }
0x1ee: {  	vm4 =	vgt.s32 v24, $0x3E;
	vm5 =	vgt.s32 v26, $0x3E;
	[tilespmem:s24+$0x8450] =	vst v2;
	v30 =	vshrl.u32 v9, $0x17  }
0x1ef: {  	vm6 =	vgt.s32 v39, $0x3E;
	v3 =	vnsel vm0, $0x3E, v3;
	v23 =	vshrl.u32 v13, $0x17;
	v25 =	vld.idx.msk [tilespmem:v25+s4+$0x0], $0xffff  }
0x1f0: {  	v10 =	vnsel vm1, $0x3E, v36;
	v11 =	vnsel vm2, $0x3E, v37;
	v2 =	vshrl.u32 v19, $0x17;
	v27 =	vld.idx.msk [tilespmem:v27+s4+$0x0], $0xffff  }
0x1f1: {  	v12 =	vnsel vm3, $0x3E, v38;
	v24 =	vnsel vm4, $0x3E, v24;
	v31 =	vshrl.u32 v62, $0x17;
	v28 =	vld.idx.msk [tilespmem:v28+s4+$0x0], $0xffff  }
0x1f2: {  	v26 =	vnsel vm5, $0x3E, v26;
	v14 =	vnsel vm6, $0x3E, v39;
	v32 =	vshrl.u32 v15, $0x17;
	v29 =	vld.idx.msk [tilespmem:v29+s4+$0x0], $0xffff  }
0x1f3: {  	v3 =	vmin.u32 v3, $0x4D;
	v10 =	vmin.u32 v10, $0x4D;
	v11 =	vmin.u32 v11, $0x4D;
	v30 =	vld.idx.msk [tilespmem:v30+s4+$0x0], $0xffff  }
0x1f4: {  	v12 =	vmin.u32 v12, $0x4D;
	v24 =	vmin.u32 v24, $0x4D;
	v11 =	vadd.s32 $0xFFFFFFC2, v11;
	v23 =	vld.idx.msk [tilespmem:v23+s4+$0x0], $0xffff  }
0x1f5: {  	v3 =	vadd.s32 $0xFFFFFFC2, v3;
	v56 =	vperm.xlane v0, v11;
	v41 =	vadd.s32 v5, v25;
	v2 =	vld.idx.msk [tilespmem:v2+s4+$0x0], $0xffff  }
0x1f6: {  	v3 =	vperm.xlane v0, v3;
	v5 =	vshrl.u32 v41, $0x18;
	v43 =	vadd.s32 v6, v27;
	v40 =	vld.idx.msk [tilespmem:v31+s4+$0x0], $0xffff  }
0x1f7: {  	v26 =	vmin.u32 v26, $0x4D;
	v59 =	vadd.s32 v63, v56;
	v45 =	vshrl.u32 v43, $0x18;
	v42 =	vld.idx.msk [tilespmem:v32+s4+$0x0], $0xffff;
	[tilespmem:s23+$0x8300] =	vst v5  }
0x1f8: {  	v10 =	vadd.s32 $0xFFFFFFC2, v10;
	v3 =	vadd.s32 v20, v3;
	v6 =	vshrl.u32 v59, $0x18;
	[tilespmem:s23+$0x8310] =	vst v45  }
0x1f9: {  	v50 =	vperm.xlane v0, v10;
	v3 =	vshrl.u32 v3, $0x18;
	v46 =	vadd.s32 v7, v28;
	[tilespmem:s23+$0x8430] =	vst v6  }
0x1fa: {  	v14 =	vmin.u32 v14, $0x4D;
	v48 =	vshrl.u32 v46, $0x18;
	v49 =	vadd.s32 v8, v29;
	[tilespmem:s23+$0x8410] =	vst v3  }
0x1fb: {  	v12 =	vadd.s32 $0xFFFFFFC2, v12;
	v8 =	vadd.s32 v61, v50;
	[tilespmem:s23+$0x8320] =	vst v48;
	v51 =	vshrl.u32 v49, $0x18  }
0x1fc: {  	v47 =	vadd.s32 $0xFFFFFFC2, v14;
	v61 =	vshrl.u32 v8, $0x18;
	[tilespmem:s23+$0x8330] =	vst v51;
	v2 =	vadd.s32 v19, v2  }
0x1fd: {  	v54 =	vperm.xlane v0, v12;
	[tilespmem:s23+$0x8420] =	vst v61;
	v2 =	vshrl.u32 v2, $0x18;
	v55 =	vadd.s32 v62, v40  }
0x1fe: {  	v7 =	vperm.xlane v0, v47;
	v52 =	vadd.s32 v9, v30;
	[tilespmem:s23+$0x8350] =	vst v2;
	v2 =	vshrl.u32 v55, $0x18  }
0x1ff: {  	v44 =	vadd.s32 $0xFFFFFFC2, v24;
	v53 =	vshrl.u32 v52, $0x18;
	[tilespmem:s23+$0x8360] =	vst v2;
	v2 =	vadd.s32 v21, v54  }
0x200: {  	v60 =	vadd.s32 $0xFFFFFFC2, v26;
	v57 =	vadd.s32 v22, v7;
	[tilespmem:s23+$0x8340] =	vst v53;
	v2 =	vshrl.u32 v2, $0x18  }
0x201: {  	v13 =	vadd.s32 v13, v23;
	v5 =	vshrl.u32 v57, $0x18;
	[tilespmem:s23+$0x8440] =	vst v2;
	v2 =	vperm.xlane v0, v60  }
0x202: {  	v13 =	vshrl.u32 v13, $0x18;
	[tilespmem:s23+$0x8470] =	vst v5;
	v62 =	vperm.xlane v0, v44;
	v58 =	vadd.s32 v15, v42  }
0x203: {  	v3 =	vand.u32 $0xFFFFFF, v4;
	[tilespmem:s23+$0x8370] =	vst v13;
	v63 =	vshrl.u32 v58, $0x18;
	v1 =	vadd.s32 v1, v2  }
0x204: {  	[tilespmem:s23+$0x8400] =	vst v63;
	v2 =	vadd.s32 v3, v62;
	v1 =	vshrl.u32 v1, $0x18  }
0x205: {  	s26 =	sadd.s32 $0x0, s22;
	v2 =	vshrl.u32 v2, $0x18;
	[tilespmem:s23+$0x8460] =	vst v1  }
0x206: {  	s25 =	simm.s32 $0x8400;
	s24 =	simm.s32 $0x10;
	[tilespmem:s23+$0x8450] =	vst v2;
	s23 =	simm.s32 $0x8300  }
.LBB2_27:
0x207: {  	[hbm4b:s26+s4] =	stream.linear.scatter [tilespmem:s23], [sflag:$0x4], $0x80, $0x38;
	[tilespmem:$0x10280] =	vst v63  }
0x208: {  	s26 =	smov.u32 s24;
	s23 =	smov.u32 s25;
	p0 =	sne.s32 s24, $0x7F0  }
.Ltmp12:
0x209: {  	s24 =	sadd.s32 $0x10, s24;
	(pc) =	sbr.rel @p0 .LBB2_27-.Ltmp12, $2  }
0x20a: {  	_ =	sdelay $0x2  }
0x20b: {  	s25 =	sadd.s32 $0x100, s25;
	s26 =	sadd.s32 s26, s22  }
0x20c: {  	[hbm4b:s26+s4] =	stream.linear.scatter [tilespmem:s23], [sflag:$0x4], $0x80, $0x38;
	[tilespmem:$0x10280] =	vst v63  }
0x20d: {  	s21 =	smin.u32 s21, $0xFF4000  }
0x20e: {  	s21 =	sshrl.u32 s21, $0x3  }
0x20f: {  	s21 =	sadd.s32 s1, s21  }
0x210: {  	s22 =	simm.s32 $0x300;
	s21 =	sadd.s32 $0x1000, s21  }
0x211: {  	s23 =	simm.s32 $0x10;
	s24 =	simm.s32 $0x400;
	s25 =	sadd.s32 $0x0, s21  }
.LBB2_29:
0x212: {  	[tilespmem:s22], [sflag:$0x2] =	stream.linear.gather [hbm4b:s25+s4], $0x80, $0x38;
	[tilespmem:$0x10280] =	vst v63  }
0x213: {  	s25 =	smov.u32 s23;
	s22 =	smov.u32 s24;
	p0 =	sne.s32 s23, $0x7F0  }
.Ltmp13:
0x214: {  	s23 =	sadd.s32 $0x10, s23;
	(pc) =	sbr.rel @p0 .LBB2_29-.Ltmp13, $2  }
0x215: {  	_ =	sdelay $0x2  }
0x216: {  	s24 =	sadd.s32 $0x100, s24;
	s25 =	sadd.s32 s25, s21  }
0x217: {  	s20 =	sadd.s32 $0x1, s20  }
0x218: {  	p0 =	sne.s32 s20, $0x10  }
.Ltmp14:
0x219: {  	_ = 	snop;
	(pc) =	sbr.rel @p0 .LBB2_18-.Ltmp14, $2  }
0x21a: {  	_ =	sdelay $0x2  }
0x21b: {  	[tilespmem:s22], [sflag:$0x2] =	stream.linear.gather [hbm4b:s25+s4], $0x80, $0x38;
	[tilespmem:$0x10280] =	vst v63  }
0x21c: {  	_ =	swait.ge [sflag:s15], $0x4000  }
0x21d: {  	[sflag:s15] =	ssyncset.done $0x0  }
0x21e: {  	[sflag:s15] =	ssyncadd.s32 $0xFFFFC000  }
0x21f: {  	_ =	swait.ge [sflag:s17], $0x4000  }
0x220: {  	[sflag:s17] =	ssyncset.done $0x0  }
0x221: {  	s19 =	sadd.s32 $0x1, s19;
	[sflag:s17] =	ssyncadd.s32 $0xFFFFC000  }
0x222: {  	p0 =	sne.s32 s19, s13;
	_ =	swait.ge [sflag:s16], $0x4000  }
.Ltmp15:
0x223: {  	[sflag:s16] =	ssyncset.done $0x0;
	(pc) =	sbr.rel @p0 .LBB2_1-.Ltmp15, $4  }
0x224: {  	[sflag:s16] =	ssyncadd.s32 $0xFFFFC000  }
0x225: {  	_ =	swait.ge [sflag:s18], $0x4000  }
0x226: {  	[sflag:s18] =	ssyncset.done $0x0  }
0x227: {  	[sflag:s18] =	ssyncadd.s32 $0xFFFFC000  }
0x228: {  	_ =	sfence.sel $0x180000  }
0x229: {  	[bflag:$0x0] =	sbarrier.arrive $0xFFFF  }
0x22a: {  	p0 =	sne.s32 s2, $0x0;
	_ =	strace $0x90000047  }
0x22b: {  	s0 =	sadd.s32 @!p0 $0x100000, s0;
	[bflag:$0x2] =	sbarrier.arrive $0xFFFF  }
0x22c: {  	[sflag:s0] =	ssyncadd.tile.s32 @!p0 $0x1;
	_ =	shalt  }
.Lfunc_end2:
_tile_overlayer_lowered:
.L_overlay_start_2:
0x22d: {  	(tag) =	ssettag $0x2  }
0x22e: {  	s0 =	rddreg [dreg:$0x0];
	s2 =	stileid.u32  }
0x22f: {  	s1 =	rddreg [dreg:$0x1];
	p0 =	sne.s32 s2, $0x0  }
0x230: {  	s3 =	rddreg [dreg:$0x2];
	[bflag:$0x3] =	sbarrier.arrive $0xFFFF;
	s2 =	simm.s32 @!p0 $0x1C05  }
0x231: {  	[timem:s3], [sflag:s2] =	dma.local @!p0 [hbm:s0], s1  }
0x232: {  	s0 =	simm.s32 @!p0 $0x5  }
0x233: {  	_ =	swait.ge @!p0 [sflag:s0], s1  }
0x234: {  	s1 =	ssub.s32 @!p0 $0x0, s1;
	[sflag:s0] =	ssyncset.done @!p0 $0x0  }
0x235: {  	[sflag:s0] =	ssyncadd.s32 @!p0 s1  }
0x236: {  	[bflag:$0x3] =	sbarrier.arrive $0xFFFF  }
0x237: {  	_ =	shalt  }

</sc_bundles>
